<compile_context>
chip_gen: v7x
topology: tpu7x:2x2x1
jax: 0.10.2.dev20260603
libtpu: 0.0.44.dev20260713+nightly
codegen_flags: <defaults>
</compile_context>

<pallas_src>
import functools

import jax
import jax.numpy as jnp
from jax import lax
from jax.experimental import pallas as pl
from jax.experimental.pallas import tpu as pltpu
from jax.experimental.pallas import tpu_sc as plsc

NN = 10000
NE = 320000
D = 128
A = 16
F = 16
NLAYERS = 4

_NC = 2
_NS = 16
_NW = _NC * _NS
_EPW = NE // _NW
_CH = 80
_NCH = _EPW // _CH
NNP = 10240
_RPS = NNP // _NS

def _gather_body(nodes_hbm, ridx_hbm, sidx_hbm, out_in, out_out,
                 ridx_v, sidx_v, rbuf, sbuf, sem_r, sem_s):
    c = lax.axis_index("c")
    s = lax.axis_index("s")
    wid = s * _NC + c
    pltpu.sync_copy(ridx_hbm.at[wid], ridx_v)
    pltpu.sync_copy(sidx_hbm.at[wid], sidx_v)

    def body(j, _):
        cp_r = pltpu.async_copy(nodes_hbm.at[ridx_v.at[j]], rbuf, sem_r)
        cp_s = pltpu.async_copy(nodes_hbm.at[sidx_v.at[j]], sbuf, sem_s)
        cp_r.wait()
        cp_s.wait()
        row0 = wid * _EPW + j * _CH
        pltpu.sync_copy(rbuf, out_in.at[pl.ds(row0, _CH)])
        pltpu.sync_copy(sbuf, out_out.at[pl.ds(row0, _CH)])
        return ()

    lax.fori_loop(0, _NCH, body, (), unroll=False)


def _scatter_body(msg_hbm, ridx_hbm, zeros_hbm, out_agg, ridx_v, mbuf, acc, sem):
    c = lax.axis_index("c")
    s = lax.axis_index("s")
    wid = s * _NC + c
    pltpu.sync_copy(ridx_hbm.at[wid], ridx_v)
    r0 = s * _RPS
    pltpu.sync_copy(zeros_hbm.at[pl.ds(r0, _RPS)], acc.at[pl.ds(r0, _RPS)])
    plsc.subcore_barrier()

    def body(j, _):
        row0 = wid * _EPW + j * _CH
        cp = pltpu.async_copy(msg_hbm.at[pl.ds(row0, _CH)], mbuf, sem)
        cp.wait()
        pltpu.sync_copy(mbuf, acc.at[ridx_v.at[j]], add=True)
        return ()

    lax.fori_loop(0, _NCH, body, (), unroll=False)
    plsc.subcore_barrier()
    pltpu.sync_copy(acc.at[pl.ds(r0, _RPS)], out_agg.at[c, pl.ds(r0, _RPS)])


@functools.cache
def _build_sc_gather():
    mesh = plsc.VectorSubcoreMesh(core_axis_name="c", subcore_axis_name="s",
                                  num_cores=_NC)
    return pl.kernel(
        _gather_body,
        mesh=mesh,
        out_type=[
            jax.ShapeDtypeStruct((NE, D), jnp.float32),
            jax.ShapeDtypeStruct((NE, D), jnp.float32),
        ],
        scratch_types=[
            pltpu.VMEM((_NCH, _CH), jnp.int32),
            pltpu.VMEM((_NCH, _CH), jnp.int32),
            pltpu.VMEM((_CH, D), jnp.float32),
            pltpu.VMEM((_CH, D), jnp.float32),
            pltpu.SemaphoreType.DMA,
            pltpu.SemaphoreType.DMA,
        ],
    )


@functools.cache
def _build_sc_scatter():
    mesh = plsc.VectorSubcoreMesh(core_axis_name="c", subcore_axis_name="s",
                                  num_cores=_NC)
    return pl.kernel(
        _scatter_body,
        mesh=mesh,
        out_type=jax.ShapeDtypeStruct((_NC, NNP, D), jnp.float32),
        scratch_types=[
            pltpu.VMEM((_NCH, _CH), jnp.int32),
            pltpu.VMEM((_CH, D), jnp.float32),
            pltpu.VMEM_SHARED((NNP, D), jnp.float32),
            pltpu.SemaphoreType.DMA,
        ],
    )


def _sc_gather(nodes, ridx2, sidx2):
    return _build_sc_gather()(nodes, ridx2, sidx2)


def _sc_scatter(msg, ridx2, zeros_nd):
    return _build_sc_scatter()(msg, ridx2, zeros_nd)


_EB = 4000
_NB = 2000


def _embed_body(nf_ref, na_ref, w_ref, out_ref):
    out_ref[...] = (jnp.dot(nf_ref[...], w_ref[0:D, :])
                    + jnp.dot(na_ref[...], w_ref[D:D + A, :]))


def _embed(nf, na, w):
    return pl.pallas_call(
        _embed_body,
        grid=(NN // _NB,),
        in_specs=[
            pl.BlockSpec((_NB, D), lambda i: (i, 0)),
            pl.BlockSpec((_NB, A), lambda i: (i, 0)),
            pl.BlockSpec((D + A, D), lambda i: (0, 0)),
        ],
        out_specs=pl.BlockSpec((_NB, D), lambda i: (i, 0)),
        out_shape=jax.ShapeDtypeStruct((NN, D), jnp.float32),
    )(nf, na, w)


def _edge_mlp_body(inc_ref, out_ref, ef_ref, ea_ref, w0_ref, w1_ref, msg_ref):
    ea = ea_ref[...]
    h = (jnp.dot(inc_ref[...], w0_ref[0:D, :])
         + jnp.dot(out_ref[...], w0_ref[D:2 * D, :])
         + jnp.dot(ef_ref[...], w0_ref[2 * D:2 * D + F, :])
         + jnp.dot(ea, w0_ref[2 * D + F:2 * D + F + A, :]))
    m1 = h[:, :D] * jax.nn.sigmoid(h[:, D:])
    h2 = jnp.dot(m1, w1_ref[0:D, :]) + jnp.dot(ea, w1_ref[D:D + A, :])
    msg_ref[...] = h2[:, :D] * jax.nn.sigmoid(h2[:, D:])


def _edge_mlp(inc, outg, ef, ea, w0, w1):
    return pl.pallas_call(
        _edge_mlp_body,
        grid=(NE // _EB,),
        in_specs=[
            pl.BlockSpec((_EB, D), lambda i: (i, 0)),
            pl.BlockSpec((_EB, D), lambda i: (i, 0)),
            pl.BlockSpec((_EB, F), lambda i: (i, 0)),
            pl.BlockSpec((_EB, A), lambda i: (i, 0)),
            pl.BlockSpec((2 * D + F + A, 2 * D), lambda i: (0, 0)),
            pl.BlockSpec((D + A, 2 * D), lambda i: (0, 0)),
        ],
        out_specs=pl.BlockSpec((_EB, D), lambda i: (i, 0)),
        out_shape=jax.ShapeDtypeStruct((NE, D), jnp.float32),
    )(inc, outg, ef, ea, w0, w1)


def _node_update_body(nodes_ref, agg_ref, na_ref, w0_ref, w1_ref, out_ref):
    nodes = nodes_ref[...]
    na = na_ref[...]
    agg = agg_ref[0] + agg_ref[1]
    h = (jnp.dot(nodes, w0_ref[0:D, :])
         + jnp.dot(agg, w0_ref[D:2 * D, :])
         + jnp.dot(na, w0_ref[2 * D:2 * D + A, :]))
    t = h[:, :D] * jax.nn.sigmoid(h[:, D:])
    out_ref[...] = nodes + jnp.dot(t, w1_ref[0:D, :]) + jnp.dot(na, w1_ref[D:D + A, :])


def _node_update(nodes, agg2, na, w0, w1):
    return pl.pallas_call(
        _node_update_body,
        grid=(NN // _NB,),
        in_specs=[
            pl.BlockSpec((_NB, D), lambda i: (i, 0)),
            pl.BlockSpec((_NC, _NB, D), lambda i: (0, i, 0)),
            pl.BlockSpec((_NB, A), lambda i: (i, 0)),
            pl.BlockSpec((2 * D + A, 2 * D), lambda i: (0, 0)),
            pl.BlockSpec((D + A, D), lambda i: (0, 0)),
        ],
        out_specs=pl.BlockSpec((_NB, D), lambda i: (i, 0)),
        out_shape=jax.ShapeDtypeStruct((NN, D), jnp.float32),
    )(nodes, agg2, na, w0, w1)


def _decoder_body(nodes_ref, na_ref, wpre_ref, wpool_ref, wpost_ref, wout_ref,
                  out_ref, acc_ref):
    i = pl.program_id(0)

    @pl.when(i == 0)
    def _init():
        acc_ref[...] = jnp.zeros_like(acc_ref)

    na = na_ref[...]
    h = jnp.dot(nodes_ref[...], wpre_ref[0:D, :]) + jnp.dot(na, wpre_ref[D:D + A, :])
    t = h[:, :D] * jax.nn.sigmoid(h[:, D:])
    y = jnp.dot(t, wpool_ref[0:D, :]) + jnp.dot(na, wpool_ref[D:D + A, :])
    acc_ref[...] += jnp.sum(y, axis=0, keepdims=True)

    @pl.when(i == pl.num_programs(0) - 1)
    def _final():
        pooled = acc_ref[...] / NN
        h2 = jnp.dot(pooled, wpost_ref[...])
        t2 = h2[:, :D] * jax.nn.sigmoid(h2[:, D:])
        out_ref[...] = jnp.dot(t2, wout_ref[...],
                               precision=jax.lax.Precision.HIGHEST)


def _decoder(nodes, na, wpre, wpool, wpost, wout):
    return pl.pallas_call(
        _decoder_body,
        grid=(NN // _NB,),
        in_specs=[
            pl.BlockSpec((_NB, D), lambda i: (i, 0)),
            pl.BlockSpec((_NB, A), lambda i: (i, 0)),
            pl.BlockSpec((D + A, 2 * D), lambda i: (0, 0)),
            pl.BlockSpec((D + A, D), lambda i: (0, 0)),
            pl.BlockSpec((D, 2 * D), lambda i: (0, 0)),
            pl.BlockSpec((D, 1), lambda i: (0, 0)),
        ],
        out_specs=pl.BlockSpec((1, 1), lambda i: (0, 0)),
        out_shape=jax.ShapeDtypeStruct((1, 1), jnp.float32),
        scratch_shapes=[pltpu.VMEM((1, D), jnp.float32)],
    )(nodes, na, wpre, wpool, wpost, wout)


def kernel(node_feats, node_attrs, edge_attrs, edge_feats, senders, receivers,
           params):
    p = params
    ridx2 = receivers.reshape(_NW, _NCH, _CH)
    sidx2 = senders.reshape(_NW, _NCH, _CH)
    zeros_nd = jnp.zeros((NNP, D), jnp.float32)

    nodes = _embed(node_feats, node_attrs, p['embed'])
    for l in range(NLAYERS):
        inc, outg = _sc_gather(nodes, ridx2, sidx2)
        msg = _edge_mlp(inc, outg, edge_feats, edge_attrs,
                        p['l%d_msg0' % l], p['l%d_msg1' % l])
        agg2 = _sc_scatter(msg, ridx2, zeros_nd)
        nodes = _node_update(nodes, agg2, node_attrs,
                             p['l%d_upd0' % l], p['l%d_upd1' % l])
    out = _decoder(nodes, node_attrs, p['dec_pre0'], p['dec_prepool'],
                   p['dec_post0'], p['dec_out'])
    return jnp.squeeze(out)

# --- scband reference (transcript-rebuilt; emitter-appended) ---
"""Pipeline reference for scband-segnn-28991029248405 (READ-ONLY COPY).

The authoritative reference and input builder live on the scoring server;
editing this copy changes nothing except your own understanding.
"""

import jax, jax.numpy as jnp
import numpy as np

N = 10000
E = 320000
D = 128
A = 16
F = 16
OUT = 1
L = 4


def _w(key, din, dout):
    return jax.random.normal(key, (din, dout), dtype=jnp.float32) / np.sqrt(din)


def setup_inputs(seed: int = 0) -> dict:
    key = jax.random.key(seed)
    ks = jax.random.split(key, 64)
    node_feats = jax.random.normal(ks[0], (N, D), dtype=jnp.float32)
    node_attrs = jax.random.normal(ks[1], (N, A), dtype=jnp.float32)
    edge_attrs = jax.random.normal(ks[2], (E, A), dtype=jnp.float32)
    edge_feats = jax.random.normal(ks[3], (E, F), dtype=jnp.float32)
    senders = jax.random.randint(ks[4], (E,), 0, N, dtype=jnp.int32)
    receivers = jax.random.randint(ks[5], (E,), 0, N, dtype=jnp.int32)
    p = {}
    ki = 6
    p['embed'] = _w(ks[ki], D + A, D); ki += 1
    for l in range(L):
        p['l%d_msg0' % l] = _w(ks[ki], 2 * D + F + A, 2 * D); ki += 1
        p['l%d_msg1' % l] = _w(ks[ki], D + A, 2 * D); ki += 1
        p['l%d_upd0' % l] = _w(ks[ki], 2 * D + A, 2 * D); ki += 1
        p['l%d_upd1' % l] = _w(ks[ki], D + A, D); ki += 1
    p['dec_pre0'] = _w(ks[ki], D + A, 2 * D); ki += 1
    p['dec_prepool'] = _w(ks[ki], D + A, D); ki += 1
    p['dec_post0'] = _w(ks[ki], D, 2 * D); ki += 1
    p['dec_out'] = _w(ks[ki], D, OUT); ki += 1
    return {'node_feats': node_feats, 'node_attrs': node_attrs,
            'edge_attrs': edge_attrs, 'edge_feats': edge_feats,
            'senders': senders, 'receivers': receivers, 'params': p}


def _tp_gate(x, attr, W):
    # O3TensorProductGate surrogate: attribute-conditioned linear + gated nonlinearity
    z = jnp.concatenate([x, attr], axis=-1) if attr is not None else x
    h = z @ W
    a, g = jnp.split(h, 2, axis=-1)
    return a * jax.nn.sigmoid(g)


def _o3_layer(x, attr, W):
    # O3Layer surrogate: attribute-conditioned linear map
    z = jnp.concatenate([x, attr], axis=-1) if attr is not None else x
    return z @ W


def reference(node_feats, node_attrs, edge_attrs, edge_feats, senders, receivers, params):
    p = params
    # O3Embedding
    nodes = _o3_layer(node_feats, node_attrs, p['embed'])
    # SEGNN message-passing layers (jraph.GraphNetwork structure)
    for l in range(L):
        incoming = jnp.take(nodes, receivers, axis=0)
        outgoing = jnp.take(nodes, senders, axis=0)
        msg = jnp.concatenate([incoming, outgoing, edge_feats], axis=-1)
        msg = _tp_gate(msg, edge_attrs, p['l%d_msg0' % l])
        msg = _tp_gate(msg, edge_attrs, p['l%d_msg1' % l])
        agg = jax.ops.segment_sum(msg, receivers, num_segments=N)
        x = jnp.concatenate([nodes, agg], axis=-1)
        x = _tp_gate(x, node_attrs, p['l%d_upd0' % l])
        update = _o3_layer(x, node_attrs, p['l%d_upd1' % l])
        nodes = nodes + update
    # O3Decoder, task='graph', pool='avg', decoder blocks=1
    nodes = _tp_gate(nodes, node_attrs, p['dec_pre0'])
    nodes = _o3_layer(nodes, node_attrs, p['dec_prepool'])
    pooled = jnp.mean(nodes, axis=0, keepdims=True)  # single-graph avg pool
    pooled = _tp_gate(pooled, None, p['dec_post0'])
    out = pooled @ p['dec_out']
    return jnp.squeeze(out)

if __name__ == "__main__":
    import jax
    _d = setup_inputs()
    print(jax.jit(kernel)(*tuple(_d.values())))

</pallas_src>

<mosaic_0001>
#map = affine_map<(d0, d1) -> (0, 0)>
#map1 = affine_map<(d0, d1) -> (0, 0, 0)>
module attributes {stable_mosaic.version = 14 : i64} {
  func.func @_gather_body(%arg0: i32, %arg1: i32, %arg2: memref<10000x128xf32, #tpu.memory_space<hbm>>, %arg3: memref<32x125x80xi32, #tpu.memory_space<hbm>>, %arg4: memref<32x125x80xi32, #tpu.memory_space<hbm>>, %arg5: memref<320000x128xf32, #tpu.memory_space<hbm>>, %arg6: memref<320000x128xf32, #tpu.memory_space<hbm>>, %arg7: memref<125x80xi32, #tpu.memory_space<vmem>>, %arg8: memref<125x80xi32, #tpu.memory_space<vmem>>, %arg9: memref<80x128xf32, #tpu.memory_space<vmem>>, %arg10: memref<80x128xf32, #tpu.memory_space<vmem>>, %arg11: memref<!tpu.dma_semaphore, #tpu.memory_space<semaphore_mem>>, %arg12: memref<!tpu.dma_semaphore, #tpu.memory_space<semaphore_mem>>) attributes {dimension_semantics = [#tpu.dimension_semantics<core_parallel>, #tpu.dimension_semantics<subcore_parallel>], iteration_bounds = array<i64: 2, 16>, scalar_prefetch = 0 : i64, scratch_operands = 6 : i64, tpu.core_type = #tpu.core_type<sc_vector_subcore>, window_params = [{transform_indices = #map}, {transform_indices = #map1}, {transform_indices = #map1}, {transform_indices = #map}, {transform_indices = #map}]} {
    %mul3A = arith.constant 2 : i32
    %mul3A_0 = arith.muli %arg1, %mul3A : i32
    %add3A = arith.addi %mul3A_0, %arg0 : i32
    "tpu.region"() ({
      %run_scoped3A = tpu.sem_alloc : memref<!tpu.dma_semaphore, #tpu.memory_space<semaphore_mem>>
      %dma_start3A = arith.constant 0 : i32
      %dma_start3A_5 = arith.constant 0 : i32
      %dma_start3A_6 = tpu.memref_slice %arg3[%add3A, %dma_start3A, %dma_start3A_5] : memref<32x125x80xi32, #tpu.memory_space<hbm>> -> memref<1x125x80xi32, #tpu.memory_space<hbm>>
      %dma_start3A_7 = tpu.memref_squeeze %dma_start3A_6 : memref<1x125x80xi32, #tpu.memory_space<hbm>> -> memref<125x80xi32, #tpu.memory_space<hbm>>
      %dma_start3A_8 = arith.constant 0 : i32
      %dma_start3A_9 = arith.constant 0 : i32
      %dma_start3A_10 = tpu.memref_slice %arg3[%add3A, %dma_start3A_8, %dma_start3A_9] : memref<32x125x80xi32, #tpu.memory_space<hbm>> -> memref<1x125x80xi32, #tpu.memory_space<hbm>>
      %dma_start3A_11 = tpu.memref_squeeze %dma_start3A_10 : memref<1x125x80xi32, #tpu.memory_space<hbm>> -> memref<125x80xi32, #tpu.memory_space<hbm>>
      tpu.enqueue_dma source(%dma_start3A_11 : memref<125x80xi32, #tpu.memory_space<hbm>>) target(%arg7 : memref<125x80xi32, #tpu.memory_space<vmem>>) target_semaphore(%run_scoped3A : memref<!tpu.dma_semaphore, #tpu.memory_space<semaphore_mem>>)
      %dma_wait3A = arith.constant 0 : i32
      %dma_wait3A_12 = arith.constant 0 : i32
      %dma_wait3A_13 = tpu.memref_slice %arg3[%add3A, %dma_wait3A, %dma_wait3A_12] : memref<32x125x80xi32, #tpu.memory_space<hbm>> -> memref<1x125x80xi32, #tpu.memory_space<hbm>>
      %dma_wait3A_14 = tpu.memref_squeeze %dma_wait3A_13 : memref<1x125x80xi32, #tpu.memory_space<hbm>> -> memref<125x80xi32, #tpu.memory_space<hbm>>
      %dma_wait3A_15 = arith.constant 0 : i32
      %dma_wait3A_16 = arith.constant 0 : i32
      %dma_wait3A_17 = tpu.memref_slice %arg3[%add3A, %dma_wait3A_15, %dma_wait3A_16] : memref<32x125x80xi32, #tpu.memory_space<hbm>> -> memref<1x125x80xi32, #tpu.memory_space<hbm>>
      %dma_wait3A_18 = tpu.memref_squeeze %dma_wait3A_17 : memref<1x125x80xi32, #tpu.memory_space<hbm>> -> memref<125x80xi32, #tpu.memory_space<hbm>>
      tpu.wait_dma2 semaphore(%run_scoped3A : memref<!tpu.dma_semaphore, #tpu.memory_space<semaphore_mem>>) src(%dma_wait3A_18 : memref<125x80xi32, #tpu.memory_space<hbm>>) dst(%arg7 : memref<125x80xi32, #tpu.memory_space<vmem>>)
      tpu.yield
    }) : () -> ()
    "tpu.region"() ({
      %run_scoped3A = tpu.sem_alloc : memref<!tpu.dma_semaphore, #tpu.memory_space<semaphore_mem>>
      %dma_start3A = arith.constant 0 : i32
      %dma_start3A_5 = arith.constant 0 : i32
      %dma_start3A_6 = tpu.memref_slice %arg4[%add3A, %dma_start3A, %dma_start3A_5] : memref<32x125x80xi32, #tpu.memory_space<hbm>> -> memref<1x125x80xi32, #tpu.memory_space<hbm>>
      %dma_start3A_7 = tpu.memref_squeeze %dma_start3A_6 : memref<1x125x80xi32, #tpu.memory_space<hbm>> -> memref<125x80xi32, #tpu.memory_space<hbm>>
      %dma_start3A_8 = arith.constant 0 : i32
      %dma_start3A_9 = arith.constant 0 : i32
      %dma_start3A_10 = tpu.memref_slice %arg4[%add3A, %dma_start3A_8, %dma_start3A_9] : memref<32x125x80xi32, #tpu.memory_space<hbm>> -> memref<1x125x80xi32, #tpu.memory_space<hbm>>
      %dma_start3A_11 = tpu.memref_squeeze %dma_start3A_10 : memref<1x125x80xi32, #tpu.memory_space<hbm>> -> memref<125x80xi32, #tpu.memory_space<hbm>>
      tpu.enqueue_dma source(%dma_start3A_11 : memref<125x80xi32, #tpu.memory_space<hbm>>) target(%arg8 : memref<125x80xi32, #tpu.memory_space<vmem>>) target_semaphore(%run_scoped3A : memref<!tpu.dma_semaphore, #tpu.memory_space<semaphore_mem>>)
      %dma_wait3A = arith.constant 0 : i32
      %dma_wait3A_12 = arith.constant 0 : i32
      %dma_wait3A_13 = tpu.memref_slice %arg4[%add3A, %dma_wait3A, %dma_wait3A_12] : memref<32x125x80xi32, #tpu.memory_space<hbm>> -> memref<1x125x80xi32, #tpu.memory_space<hbm>>
      %dma_wait3A_14 = tpu.memref_squeeze %dma_wait3A_13 : memref<1x125x80xi32, #tpu.memory_space<hbm>> -> memref<125x80xi32, #tpu.memory_space<hbm>>
      %dma_wait3A_15 = arith.constant 0 : i32
      %dma_wait3A_16 = arith.constant 0 : i32
      %dma_wait3A_17 = tpu.memref_slice %arg4[%add3A, %dma_wait3A_15, %dma_wait3A_16] : memref<32x125x80xi32, #tpu.memory_space<hbm>> -> memref<1x125x80xi32, #tpu.memory_space<hbm>>
      %dma_wait3A_18 = tpu.memref_squeeze %dma_wait3A_17 : memref<1x125x80xi32, #tpu.memory_space<hbm>> -> memref<125x80xi32, #tpu.memory_space<hbm>>
      tpu.wait_dma2 semaphore(%run_scoped3A : memref<!tpu.dma_semaphore, #tpu.memory_space<semaphore_mem>>) src(%dma_wait3A_18 : memref<125x80xi32, #tpu.memory_space<hbm>>) dst(%arg8 : memref<125x80xi32, #tpu.memory_space<vmem>>)
      tpu.yield
    }) : () -> ()
    %scan3A = arith.constant 0 : i32
    %scan3A_1 = arith.constant 125 : i32
    %scan3A_2 = arith.addi %scan3A, %scan3A_1 : i32
    %scan3A_3 = arith.constant 1 : i32
    scf.for %scan3A_5 = %scan3A to %scan3A_2 step %scan3A_3  : i32 {
      %dma_start3A = arith.constant 0 : i32
      %dma_start3A_6 = tpu.memref_slice %arg7[%scan3A_5, %dma_start3A] : memref<125x80xi32, #tpu.memory_space<vmem>> -> memref<1x80xi32, #tpu.memory_space<vmem>>
      %dma_start3A_7 = tpu.memref_squeeze %dma_start3A_6 : memref<1x80xi32, #tpu.memory_space<vmem>> -> memref<80xi32, #tpu.memory_space<vmem>>
      %dma_start3A_8 = arith.constant 0 : i32
      %dma_start3A_9 = arith.constant 0 : i32
      %dma_start3A_10 = tpu.memref_slice %arg2[%dma_start3A_8, %dma_start3A_9] : memref<10000x128xf32, #tpu.memory_space<hbm>> -> memref<10000x128xf32, #tpu.memory_space<hbm>>
      tpu.enqueue_indirect_dma source(%dma_start3A_10 : memref<10000x128xf32, #tpu.memory_space<hbm>>) target(%arg9 : memref<80x128xf32, #tpu.memory_space<vmem>>) offsets(%dma_start3A_7 : memref<80xi32, #tpu.memory_space<vmem>>) semaphore(%arg11 : memref<!tpu.dma_semaphore, #tpu.memory_space<semaphore_mem>>)
      %dma_start3A_11 = arith.constant 0 : i32
      %dma_start3A_12 = tpu.memref_slice %arg8[%scan3A_5, %dma_start3A_11] : memref<125x80xi32, #tpu.memory_space<vmem>> -> memref<1x80xi32, #tpu.memory_space<vmem>>
      %dma_start3A_13 = tpu.memref_squeeze %dma_start3A_12 : memref<1x80xi32, #tpu.memory_space<vmem>> -> memref<80xi32, #tpu.memory_space<vmem>>
      %dma_start3A_14 = arith.constant 0 : i32
      %dma_start3A_15 = arith.constant 0 : i32
      %dma_start3A_16 = tpu.memref_slice %arg2[%dma_start3A_14, %dma_start3A_15] : memref<10000x128xf32, #tpu.memory_space<hbm>> -> memref<10000x128xf32, #tpu.memory_space<hbm>>
      tpu.enqueue_indirect_dma source(%dma_start3A_16 : memref<10000x128xf32, #tpu.memory_space<hbm>>) target(%arg10 : memref<80x128xf32, #tpu.memory_space<vmem>>) offsets(%dma_start3A_13 : memref<80xi32, #tpu.memory_space<vmem>>) semaphore(%arg12 : memref<!tpu.dma_semaphore, #tpu.memory_space<semaphore_mem>>)
      %dma_wait3A = arith.constant 0 : i32
      %dma_wait3A_17 = tpu.memref_slice %arg7[%scan3A_5, %dma_wait3A] : memref<125x80xi32, #tpu.memory_space<vmem>> -> memref<1x80xi32, #tpu.memory_space<vmem>>
      %dma_wait3A_18 = tpu.memref_squeeze %dma_wait3A_17 : memref<1x80xi32, #tpu.memory_space<vmem>> -> memref<80xi32, #tpu.memory_space<vmem>>
      %dma_wait3A_19 = arith.constant 0 : i32
      %dma_wait3A_20 = arith.constant 0 : i32
      %dma_wait3A_21 = tpu.memref_slice %arg2[%dma_wait3A_19, %dma_wait3A_20] : memref<10000x128xf32, #tpu.memory_space<hbm>> -> memref<10000x128xf32, #tpu.memory_space<hbm>>
      tpu.wait_indirect_dma semaphore(%arg11 : memref<!tpu.dma_semaphore, #tpu.memory_space<semaphore_mem>>) src(%dma_wait3A_21 : memref<10000x128xf32, #tpu.memory_space<hbm>>) dst(%arg9 : memref<80x128xf32, #tpu.memory_space<vmem>>)
      %dma_wait3A_22 = arith.constant 0 : i32
      %dma_wait3A_23 = tpu.memref_slice %arg8[%scan3A_5, %dma_wait3A_22] : memref<125x80xi32, #tpu.memory_space<vmem>> -> memref<1x80xi32, #tpu.memory_space<vmem>>
      %dma_wait3A_24 = tpu.memref_squeeze %dma_wait3A_23 : memref<1x80xi32, #tpu.memory_space<vmem>> -> memref<80xi32, #tpu.memory_space<vmem>>
      %dma_wait3A_25 = arith.constant 0 : i32
      %dma_wait3A_26 = arith.constant 0 : i32
      %dma_wait3A_27 = tpu.memref_slice %arg2[%dma_wait3A_25, %dma_wait3A_26] : memref<10000x128xf32, #tpu.memory_space<hbm>> -> memref<10000x128xf32, #tpu.memory_space<hbm>>
      tpu.wait_indirect_dma semaphore(%arg12 : memref<!tpu.dma_semaphore, #tpu.memory_space<semaphore_mem>>) src(%dma_wait3A_27 : memref<10000x128xf32, #tpu.memory_space<hbm>>) dst(%arg10 : memref<80x128xf32, #tpu.memory_space<vmem>>)
      %mul3A_28 = arith.constant 10000 : i32
      %mul3A_29 = arith.muli %add3A, %mul3A_28 : i32
      %mul3A_30 = arith.constant 80 : i32
      %mul3A_31 = arith.muli %scan3A_5, %mul3A_30 : i32
      %add3A_32 = arith.addi %mul3A_29, %mul3A_31 : i32
      "tpu.region"() ({
        %run_scoped3A = tpu.sem_alloc : memref<!tpu.dma_semaphore, #tpu.memory_space<semaphore_mem>>
        %dma_start3A_33 = arith.constant 0 : i32
        %dma_start3A_34 = tpu.memref_slice %arg5[%add3A_32, %dma_start3A_33] : memref<320000x128xf32, #tpu.memory_space<hbm>> -> memref<80x128xf32, #tpu.memory_space<hbm>>
        %dma_start3A_35 = arith.constant 0 : i32
        %dma_start3A_36 = tpu.memref_slice %arg5[%add3A_32, %dma_start3A_35] : memref<320000x128xf32, #tpu.memory_space<hbm>> -> memref<80x128xf32, #tpu.memory_space<hbm>>
        tpu.enqueue_dma source(%arg9 : memref<80x128xf32, #tpu.memory_space<vmem>>) target(%dma_start3A_36 : memref<80x128xf32, #tpu.memory_space<hbm>>) target_semaphore(%run_scoped3A : memref<!tpu.dma_semaphore, #tpu.memory_space<semaphore_mem>>)
        %dma_wait3A_37 = arith.constant 0 : i32
        %dma_wait3A_38 = tpu.memref_slice %arg5[%add3A_32, %dma_wait3A_37] : memref<320000x128xf32, #tpu.memory_space<hbm>> -> memref<80x128xf32, #tpu.memory_space<hbm>>
        %dma_wait3A_39 = arith.constant 0 : i32
        %dma_wait3A_40 = tpu.memref_slice %arg5[%add3A_32, %dma_wait3A_39] : memref<320000x128xf32, #tpu.memory_space<hbm>> -> memref<80x128xf32, #tpu.memory_space<hbm>>
        tpu.wait_dma2 semaphore(%run_scoped3A : memref<!tpu.dma_semaphore, #tpu.memory_space<semaphore_mem>>) src(%arg9 : memref<80x128xf32, #tpu.memory_space<vmem>>) dst(%dma_wait3A_40 : memref<80x128xf32, #tpu.memory_space<hbm>>)
        tpu.yield
      }) : () -> ()
      "tpu.region"() ({
        %run_scoped3A = tpu.sem_alloc : memref<!tpu.dma_semaphore, #tpu.memory_space<semaphore_mem>>
        %dma_start3A_33 = arith.constant 0 : i32
        %dma_start3A_34 = tpu.memref_slice %arg6[%add3A_32, %dma_start3A_33] : memref<320000x128xf32, #tpu.memory_space<hbm>> -> memref<80x128xf32, #tpu.memory_space<hbm>>
        %dma_start3A_35 = arith.constant 0 : i32
        %dma_start3A_36 = tpu.memref_slice %arg6[%add3A_32, %dma_start3A_35] : memref<320000x128xf32, #tpu.memory_space<hbm>> -> memref<80x128xf32, #tpu.memory_space<hbm>>
        tpu.enqueue_dma source(%arg10 : memref<80x128xf32, #tpu.memory_space<vmem>>) target(%dma_start3A_36 : memref<80x128xf32, #tpu.memory_space<hbm>>) target_semaphore(%run_scoped3A : memref<!tpu.dma_semaphore, #tpu.memory_space<semaphore_mem>>)
        %dma_wait3A_37 = arith.constant 0 : i32
        %dma_wait3A_38 = tpu.memref_slice %arg6[%add3A_32, %dma_wait3A_37] : memref<320000x128xf32, #tpu.memory_space<hbm>> -> memref<80x128xf32, #tpu.memory_space<hbm>>
        %dma_wait3A_39 = arith.constant 0 : i32
        %dma_wait3A_40 = tpu.memref_slice %arg6[%add3A_32, %dma_wait3A_39] : memref<320000x128xf32, #tpu.memory_space<hbm>> -> memref<80x128xf32, #tpu.memory_space<hbm>>
        tpu.wait_dma2 semaphore(%run_scoped3A : memref<!tpu.dma_semaphore, #tpu.memory_space<semaphore_mem>>) src(%arg10 : memref<80x128xf32, #tpu.memory_space<vmem>>) dst(%dma_wait3A_40 : memref<80x128xf32, #tpu.memory_space<hbm>>)
        tpu.yield
      }) : () -> ()
    }
    %scan3A_4 = arith.constant 125 : i32
    return
  }
}

#map = affine_map<(d0, d1) -> (0, 0)>
#map1 = affine_map<(d0, d1) -> (0, 0, 0)>
module attributes {stable_mosaic.version = 14 : i64} {
  func.func @_scatter_body(%arg0: i32, %arg1: i32, %arg2: memref<320000x128xf32, #tpu.memory_space<hbm>>, %arg3: memref<32x125x80xi32, #tpu.memory_space<hbm>>, %arg4: memref<10240x128xf32, #tpu.memory_space<hbm>>, %arg5: memref<2x10240x128xf32, #tpu.memory_space<hbm>>, %arg6: memref<125x80xi32, #tpu.memory_space<vmem>>, %arg7: memref<80x128xf32, #tpu.memory_space<vmem>>, %arg8: memref<10240x128xf32, #tpu.memory_space<vmem_shared>>, %arg9: memref<!tpu.dma_semaphore, #tpu.memory_space<semaphore_mem>>) attributes {dimension_semantics = [#tpu.dimension_semantics<core_parallel>, #tpu.dimension_semantics<subcore_parallel>], iteration_bounds = array<i64: 2, 16>, scalar_prefetch = 0 : i64, scratch_operands = 4 : i64, tpu.core_type = #tpu.core_type<sc_vector_subcore>, window_params = [{transform_indices = #map}, {transform_indices = #map1}, {transform_indices = #map}, {transform_indices = #map1}]} {
    %mul3A = arith.constant 2 : i32
    %mul3A_0 = arith.muli %arg1, %mul3A : i32
    %add3A = arith.addi %mul3A_0, %arg0 : i32
    "tpu.region"() ({
      %run_scoped3A = tpu.sem_alloc : memref<!tpu.dma_semaphore, #tpu.memory_space<semaphore_mem>>
      %dma_start3A = arith.constant 0 : i32
      %dma_start3A_8 = arith.constant 0 : i32
      %dma_start3A_9 = tpu.memref_slice %arg3[%add3A, %dma_start3A, %dma_start3A_8] : memref<32x125x80xi32, #tpu.memory_space<hbm>> -> memref<1x125x80xi32, #tpu.memory_space<hbm>>
      %dma_start3A_10 = tpu.memref_squeeze %dma_start3A_9 : memref<1x125x80xi32, #tpu.memory_space<hbm>> -> memref<125x80xi32, #tpu.memory_space<hbm>>
      %dma_start3A_11 = arith.constant 0 : i32
      %dma_start3A_12 = arith.constant 0 : i32
      %dma_start3A_13 = tpu.memref_slice %arg3[%add3A, %dma_start3A_11, %dma_start3A_12] : memref<32x125x80xi32, #tpu.memory_space<hbm>> -> memref<1x125x80xi32, #tpu.memory_space<hbm>>
      %dma_start3A_14 = tpu.memref_squeeze %dma_start3A_13 : memref<1x125x80xi32, #tpu.memory_space<hbm>> -> memref<125x80xi32, #tpu.memory_space<hbm>>
      tpu.enqueue_dma source(%dma_start3A_14 : memref<125x80xi32, #tpu.memory_space<hbm>>) target(%arg6 : memref<125x80xi32, #tpu.memory_space<vmem>>) target_semaphore(%run_scoped3A : memref<!tpu.dma_semaphore, #tpu.memory_space<semaphore_mem>>)
      %dma_wait3A = arith.constant 0 : i32
      %dma_wait3A_15 = arith.constant 0 : i32
      %dma_wait3A_16 = tpu.memref_slice %arg3[%add3A, %dma_wait3A, %dma_wait3A_15] : memref<32x125x80xi32, #tpu.memory_space<hbm>> -> memref<1x125x80xi32, #tpu.memory_space<hbm>>
      %dma_wait3A_17 = tpu.memref_squeeze %dma_wait3A_16 : memref<1x125x80xi32, #tpu.memory_space<hbm>> -> memref<125x80xi32, #tpu.memory_space<hbm>>
      %dma_wait3A_18 = arith.constant 0 : i32
      %dma_wait3A_19 = arith.constant 0 : i32
      %dma_wait3A_20 = tpu.memref_slice %arg3[%add3A, %dma_wait3A_18, %dma_wait3A_19] : memref<32x125x80xi32, #tpu.memory_space<hbm>> -> memref<1x125x80xi32, #tpu.memory_space<hbm>>
      %dma_wait3A_21 = tpu.memref_squeeze %dma_wait3A_20 : memref<1x125x80xi32, #tpu.memory_space<hbm>> -> memref<125x80xi32, #tpu.memory_space<hbm>>
      tpu.wait_dma2 semaphore(%run_scoped3A : memref<!tpu.dma_semaphore, #tpu.memory_space<semaphore_mem>>) src(%dma_wait3A_21 : memref<125x80xi32, #tpu.memory_space<hbm>>) dst(%arg6 : memref<125x80xi32, #tpu.memory_space<vmem>>)
      tpu.yield
    }) : () -> ()
    %mul3A_1 = arith.constant 640 : i32
    %mul3A_2 = arith.muli %arg1, %mul3A_1 : i32
    "tpu.region"() ({
      %run_scoped3A = tpu.sem_alloc : memref<!tpu.dma_semaphore, #tpu.memory_space<semaphore_mem>>
      %dma_start3A = arith.constant 0 : i32
      %dma_start3A_8 = tpu.memref_slice %arg8[%mul3A_2, %dma_start3A] : memref<10240x128xf32, #tpu.memory_space<vmem_shared>> -> memref<640x128xf32, #tpu.memory_space<vmem_shared>>
      %dma_start3A_9 = arith.constant 0 : i32
      %dma_start3A_10 = tpu.memref_slice %arg4[%mul3A_2, %dma_start3A_9] : memref<10240x128xf32, #tpu.memory_space<hbm>> -> memref<640x128xf32, #tpu.memory_space<hbm>>
      tpu.enqueue_dma source(%dma_start3A_10 : memref<640x128xf32, #tpu.memory_space<hbm>>) target(%dma_start3A_8 : memref<640x128xf32, #tpu.memory_space<vmem_shared>>) target_semaphore(%run_scoped3A : memref<!tpu.dma_semaphore, #tpu.memory_space<semaphore_mem>>)
      %dma_wait3A = arith.constant 0 : i32
      %dma_wait3A_11 = tpu.memref_slice %arg8[%mul3A_2, %dma_wait3A] : memref<10240x128xf32, #tpu.memory_space<vmem_shared>> -> memref<640x128xf32, #tpu.memory_space<vmem_shared>>
      %dma_wait3A_12 = arith.constant 0 : i32
      %dma_wait3A_13 = tpu.memref_slice %arg4[%mul3A_2, %dma_wait3A_12] : memref<10240x128xf32, #tpu.memory_space<hbm>> -> memref<640x128xf32, #tpu.memory_space<hbm>>
      tpu.wait_dma2 semaphore(%run_scoped3A : memref<!tpu.dma_semaphore, #tpu.memory_space<semaphore_mem>>) src(%dma_wait3A_13 : memref<640x128xf32, #tpu.memory_space<hbm>>) dst(%dma_wait3A_11 : memref<640x128xf32, #tpu.memory_space<vmem_shared>>)
      tpu.yield
    }) : () -> ()
    %barrier3A = arith.constant 0 : index
    tpu.barrier barrier_id(%barrier3A)
    %scan3A = arith.constant 0 : i32
    %scan3A_3 = arith.constant 125 : i32
    %scan3A_4 = arith.addi %scan3A, %scan3A_3 : i32
    %scan3A_5 = arith.constant 1 : i32
    scf.for %scan3A_8 = %scan3A to %scan3A_4 step %scan3A_5  : i32 {
      %mul3A_9 = arith.constant 10000 : i32
      %mul3A_10 = arith.muli %add3A, %mul3A_9 : i32
      %mul3A_11 = arith.constant 80 : i32
      %mul3A_12 = arith.muli %scan3A_8, %mul3A_11 : i32
      %add3A_13 = arith.addi %mul3A_10, %mul3A_12 : i32
      %dma_start3A = arith.constant 0 : i32
      %dma_start3A_14 = tpu.memref_slice %arg2[%add3A_13, %dma_start3A] : memref<320000x128xf32, #tpu.memory_space<hbm>> -> memref<80x128xf32, #tpu.memory_space<hbm>>
      %dma_start3A_15 = arith.constant 0 : i32
      %dma_start3A_16 = tpu.memref_slice %arg2[%add3A_13, %dma_start3A_15] : memref<320000x128xf32, #tpu.memory_space<hbm>> -> memref<80x128xf32, #tpu.memory_space<hbm>>
      tpu.enqueue_dma source(%dma_start3A_16 : memref<80x128xf32, #tpu.memory_space<hbm>>) target(%arg7 : memref<80x128xf32, #tpu.memory_space<vmem>>) target_semaphore(%arg9 : memref<!tpu.dma_semaphore, #tpu.memory_space<semaphore_mem>>)
      %dma_wait3A = arith.constant 0 : i32
      %dma_wait3A_17 = tpu.memref_slice %arg2[%add3A_13, %dma_wait3A] : memref<320000x128xf32, #tpu.memory_space<hbm>> -> memref<80x128xf32, #tpu.memory_space<hbm>>
      %dma_wait3A_18 = arith.constant 0 : i32
      %dma_wait3A_19 = tpu.memref_slice %arg2[%add3A_13, %dma_wait3A_18] : memref<320000x128xf32, #tpu.memory_space<hbm>> -> memref<80x128xf32, #tpu.memory_space<hbm>>
      tpu.wait_dma2 semaphore(%arg9 : memref<!tpu.dma_semaphore, #tpu.memory_space<semaphore_mem>>) src(%dma_wait3A_19 : memref<80x128xf32, #tpu.memory_space<hbm>>) dst(%arg7 : memref<80x128xf32, #tpu.memory_space<vmem>>)
      "tpu.region"() ({
        %run_scoped3A = tpu.sem_alloc : memref<!tpu.dma_semaphore, #tpu.memory_space<semaphore_mem>>
        %dma_start3A_20 = arith.constant 0 : i32
        %dma_start3A_21 = tpu.memref_slice %arg6[%scan3A_8, %dma_start3A_20] : memref<125x80xi32, #tpu.memory_space<vmem>> -> memref<1x80xi32, #tpu.memory_space<vmem>>
        %dma_start3A_22 = tpu.memref_squeeze %dma_start3A_21 : memref<1x80xi32, #tpu.memory_space<vmem>> -> memref<80xi32, #tpu.memory_space<vmem>>
        %dma_start3A_23 = arith.constant 0 : i32
        %dma_start3A_24 = arith.constant 0 : i32
        %dma_start3A_25 = tpu.memref_slice %arg8[%dma_start3A_23, %dma_start3A_24] : memref<10240x128xf32, #tpu.memory_space<vmem_shared>> -> memref<10240x128xf32, #tpu.memory_space<vmem_shared>>
        tpu.enqueue_indirect_dma source(%arg7 : memref<80x128xf32, #tpu.memory_space<vmem>>) target(%dma_start3A_25 : memref<10240x128xf32, #tpu.memory_space<vmem_shared>>) offsets(%dma_start3A_22 : memref<80xi32, #tpu.memory_space<vmem>>) semaphore(%run_scoped3A : memref<!tpu.dma_semaphore, #tpu.memory_space<semaphore_mem>>) {add = true}
        %dma_wait3A_26 = arith.constant 0 : i32
        %dma_wait3A_27 = tpu.memref_slice %arg6[%scan3A_8, %dma_wait3A_26] : memref<125x80xi32, #tpu.memory_space<vmem>> -> memref<1x80xi32, #tpu.memory_space<vmem>>
        %dma_wait3A_28 = tpu.memref_squeeze %dma_wait3A_27 : memref<1x80xi32, #tpu.memory_space<vmem>> -> memref<80xi32, #tpu.memory_space<vmem>>
        %dma_wait3A_29 = arith.constant 0 : i32
        %dma_wait3A_30 = arith.constant 0 : i32
        %dma_wait3A_31 = tpu.memref_slice %arg8[%dma_wait3A_29, %dma_wait3A_30] : memref<10240x128xf32, #tpu.memory_space<vmem_shared>> -> memref<10240x128xf32, #tpu.memory_space<vmem_shared>>
        tpu.wait_indirect_dma semaphore(%run_scoped3A : memref<!tpu.dma_semaphore, #tpu.memory_space<semaphore_mem>>) src(%arg7 : memref<80x128xf32, #tpu.memory_space<vmem>>) dst(%dma_wait3A_31 : memref<10240x128xf32, #tpu.memory_space<vmem_shared>>)
        tpu.yield
      }) : () -> ()
    }
    %scan3A_6 = arith.constant 125 : i32
    %barrier3A_7 = arith.constant 0 : index
    tpu.barrier barrier_id(%barrier3A_7)
    "tpu.region"() ({
      %run_scoped3A = tpu.sem_alloc : memref<!tpu.dma_semaphore, #tpu.memory_space<semaphore_mem>>
      %dma_start3A = arith.constant 0 : i32
      %dma_start3A_8 = tpu.memref_slice %arg5[%arg0, %mul3A_2, %dma_start3A] : memref<2x10240x128xf32, #tpu.memory_space<hbm>> -> memref<1x640x128xf32, #tpu.memory_space<hbm>>
      %dma_start3A_9 = tpu.memref_squeeze %dma_start3A_8 : memref<1x640x128xf32, #tpu.memory_space<hbm>> -> memref<640x128xf32, #tpu.memory_space<hbm>>
      %dma_start3A_10 = arith.constant 0 : i32
      %dma_start3A_11 = tpu.memref_slice %arg8[%mul3A_2, %dma_start3A_10] : memref<10240x128xf32, #tpu.memory_space<vmem_shared>> -> memref<640x128xf32, #tpu.memory_space<vmem_shared>>
      tpu.enqueue_dma source(%dma_start3A_11 : memref<640x128xf32, #tpu.memory_space<vmem_shared>>) target(%dma_start3A_9 : memref<640x128xf32, #tpu.memory_space<hbm>>) target_semaphore(%run_scoped3A : memref<!tpu.dma_semaphore, #tpu.memory_space<semaphore_mem>>)
      %dma_wait3A = arith.constant 0 : i32
      %dma_wait3A_12 = tpu.memref_slice %arg5[%arg0, %mul3A_2, %dma_wait3A] : memref<2x10240x128xf32, #tpu.memory_space<hbm>> -> memref<1x640x128xf32, #tpu.memory_space<hbm>>
      %dma_wait3A_13 = tpu.memref_squeeze %dma_wait3A_12 : memref<1x640x128xf32, #tpu.memory_space<hbm>> -> memref<640x128xf32, #tpu.memory_space<hbm>>
      %dma_wait3A_14 = arith.constant 0 : i32
      %dma_wait3A_15 = tpu.memref_slice %arg8[%mul3A_2, %dma_wait3A_14] : memref<10240x128xf32, #tpu.memory_space<vmem_shared>> -> memref<640x128xf32, #tpu.memory_space<vmem_shared>>
      tpu.wait_dma2 semaphore(%run_scoped3A : memref<!tpu.dma_semaphore, #tpu.memory_space<semaphore_mem>>) src(%dma_wait3A_15 : memref<640x128xf32, #tpu.memory_space<vmem_shared>>) dst(%dma_wait3A_13 : memref<640x128xf32, #tpu.memory_space<hbm>>)
      tpu.yield
    }) : () -> ()
    return
  }
}

#map = affine_map<(d0, d1) -> (0, 0)>
#map1 = affine_map<(d0, d1) -> (0, 0, 0)>
module attributes {stable_mosaic.version = 14 : i64} {
  func.func @_gather_body(%arg0: i32, %arg1: i32, %arg2: memref<10000x128xf32, #tpu.memory_space<hbm>>, %arg3: memref<32x125x80xi32, #tpu.memory_space<hbm>>, %arg4: memref<32x125x80xi32, #tpu.memory_space<hbm>>, %arg5: memref<320000x128xf32, #tpu.memory_space<hbm>>, %arg6: memref<320000x128xf32, #tpu.memory_space<hbm>>, %arg7: memref<125x80xi32, #tpu.memory_space<vmem>>, %arg8: memref<125x80xi32, #tpu.memory_space<vmem>>, %arg9: memref<80x128xf32, #tpu.memory_space<vmem>>, %arg10: memref<80x128xf32, #tpu.memory_space<vmem>>, %arg11: memref<!tpu.dma_semaphore, #tpu.memory_space<semaphore_mem>>, %arg12: memref<!tpu.dma_semaphore, #tpu.memory_space<semaphore_mem>>) attributes {dimension_semantics = [#tpu.dimension_semantics<core_parallel>, #tpu.dimension_semantics<subcore_parallel>], iteration_bounds = array<i64: 2, 16>, scalar_prefetch = 0 : i64, scratch_operands = 6 : i64, tpu.core_type = #tpu.core_type<sc_vector_subcore>, window_params = [{transform_indices = #map}, {transform_indices = #map1}, {transform_indices = #map1}, {transform_indices = #map}, {transform_indices = #map}]} {
    %mul3A = arith.constant 2 : i32
    %mul3A_0 = arith.muli %arg1, %mul3A : i32
    %add3A = arith.addi %mul3A_0, %arg0 : i32
    "tpu.region"() ({
      %run_scoped3A = tpu.sem_alloc : memref<!tpu.dma_semaphore, #tpu.memory_space<semaphore_mem>>
      %dma_start3A = arith.constant 0 : i32
      %dma_start3A_5 = arith.constant 0 : i32
      %dma_start3A_6 = tpu.memref_slice %arg3[%add3A, %dma_start3A, %dma_start3A_5] : memref<32x125x80xi32, #tpu.memory_space<hbm>> -> memref<1x125x80xi32, #tpu.memory_space<hbm>>
      %dma_start3A_7 = tpu.memref_squeeze %dma_start3A_6 : memref<1x125x80xi32, #tpu.memory_space<hbm>> -> memref<125x80xi32, #tpu.memory_space<hbm>>
      %dma_start3A_8 = arith.constant 0 : i32
      %dma_start3A_9 = arith.constant 0 : i32
      %dma_start3A_10 = tpu.memref_slice %arg3[%add3A, %dma_start3A_8, %dma_start3A_9] : memref<32x125x80xi32, #tpu.memory_space<hbm>> -> memref<1x125x80xi32, #tpu.memory_space<hbm>>
      %dma_start3A_11 = tpu.memref_squeeze %dma_start3A_10 : memref<1x125x80xi32, #tpu.memory_space<hbm>> -> memref<125x80xi32, #tpu.memory_space<hbm>>
      tpu.enqueue_dma source(%dma_start3A_11 : memref<125x80xi32, #tpu.memory_space<hbm>>) target(%arg7 : memref<125x80xi32, #tpu.memory_space<vmem>>) target_semaphore(%run_scoped3A : memref<!tpu.dma_semaphore, #tpu.memory_space<semaphore_mem>>)
      %dma_wait3A = arith.constant 0 : i32
      %dma_wait3A_12 = arith.constant 0 : i32
      %dma_wait3A_13 = tpu.memref_slice %arg3[%add3A, %dma_wait3A, %dma_wait3A_12] : memref<32x125x80xi32, #tpu.memory_space<hbm>> -> memref<1x125x80xi32, #tpu.memory_space<hbm>>
      %dma_wait3A_14 = tpu.memref_squeeze %dma_wait3A_13 : memref<1x125x80xi32, #tpu.memory_space<hbm>> -> memref<125x80xi32, #tpu.memory_space<hbm>>
      %dma_wait3A_15 = arith.constant 0 : i32
      %dma_wait3A_16 = arith.constant 0 : i32
      %dma_wait3A_17 = tpu.memref_slice %arg3[%add3A, %dma_wait3A_15, %dma_wait3A_16] : memref<32x125x80xi32, #tpu.memory_space<hbm>> -> memref<1x125x80xi32, #tpu.memory_space<hbm>>
      %dma_wait3A_18 = tpu.memref_squeeze %dma_wait3A_17 : memref<1x125x80xi32, #tpu.memory_space<hbm>> -> memref<125x80xi32, #tpu.memory_space<hbm>>
      tpu.wait_dma2 semaphore(%run_scoped3A : memref<!tpu.dma_semaphore, #tpu.memory_space<semaphore_mem>>) src(%dma_wait3A_18 : memref<125x80xi32, #tpu.memory_space<hbm>>) dst(%arg7 : memref<125x80xi32, #tpu.memory_space<vmem>>)
      tpu.yield
    }) : () -> ()
    "tpu.region"() ({
      %run_scoped3A = tpu.sem_alloc : memref<!tpu.dma_semaphore, #tpu.memory_space<semaphore_mem>>
      %dma_start3A = arith.constant 0 : i32
      %dma_start3A_5 = arith.constant 0 : i32
      %dma_start3A_6 = tpu.memref_slice %arg4[%add3A, %dma_start3A, %dma_start3A_5] : memref<32x125x80xi32, #tpu.memory_space<hbm>> -> memref<1x125x80xi32, #tpu.memory_space<hbm>>
      %dma_start3A_7 = tpu.memref_squeeze %dma_start3A_6 : memref<1x125x80xi32, #tpu.memory_space<hbm>> -> memref<125x80xi32, #tpu.memory_space<hbm>>
      %dma_start3A_8 = arith.constant 0 : i32
      %dma_start3A_9 = arith.constant 0 : i32
      %dma_start3A_10 = tpu.memref_slice %arg4[%add3A, %dma_start3A_8, %dma_start3A_9] : memref<32x125x80xi32, #tpu.memory_space<hbm>> -> memref<1x125x80xi32, #tpu.memory_space<hbm>>
      %dma_start3A_11 = tpu.memref_squeeze %dma_start3A_10 : memref<1x125x80xi32, #tpu.memory_space<hbm>> -> memref<125x80xi32, #tpu.memory_space<hbm>>
      tpu.enqueue_dma source(%dma_start3A_11 : memref<125x80xi32, #tpu.memory_space<hbm>>) target(%arg8 : memref<125x80xi32, #tpu.memory_space<vmem>>) target_semaphore(%run_scoped3A : memref<!tpu.dma_semaphore, #tpu.memory_space<semaphore_mem>>)
      %dma_wait3A = arith.constant 0 : i32
      %dma_wait3A_12 = arith.constant 0 : i32
      %dma_wait3A_13 = tpu.memref_slice %arg4[%add3A, %dma_wait3A, %dma_wait3A_12] : memref<32x125x80xi32, #tpu.memory_space<hbm>> -> memref<1x125x80xi32, #tpu.memory_space<hbm>>
      %dma_wait3A_14 = tpu.memref_squeeze %dma_wait3A_13 : memref<1x125x80xi32, #tpu.memory_space<hbm>> -> memref<125x80xi32, #tpu.memory_space<hbm>>
      %dma_wait3A_15 = arith.constant 0 : i32
      %dma_wait3A_16 = arith.constant 0 : i32
      %dma_wait3A_17 = tpu.memref_slice %arg4[%add3A, %dma_wait3A_15, %dma_wait3A_16] : memref<32x125x80xi32, #tpu.memory_space<hbm>> -> memref<1x125x80xi32, #tpu.memory_space<hbm>>
      %dma_wait3A_18 = tpu.memref_squeeze %dma_wait3A_17 : memref<1x125x80xi32, #tpu.memory_space<hbm>> -> memref<125x80xi32, #tpu.memory_space<hbm>>
      tpu.wait_dma2 semaphore(%run_scoped3A : memref<!tpu.dma_semaphore, #tpu.memory_space<semaphore_mem>>) src(%dma_wait3A_18 : memref<125x80xi32, #tpu.memory_space<hbm>>) dst(%arg8 : memref<125x80xi32, #tpu.memory_space<vmem>>)
      tpu.yield
    }) : () -> ()
    %scan3A = arith.constant 0 : i32
    %scan3A_1 = arith.constant 125 : i32
    %scan3A_2 = arith.addi %scan3A, %scan3A_1 : i32
    %scan3A_3 = arith.constant 1 : i32
    scf.for %scan3A_5 = %scan3A to %scan3A_2 step %scan3A_3  : i32 {
      %dma_start3A = arith.constant 0 : i32
      %dma_start3A_6 = tpu.memref_slice %arg7[%scan3A_5, %dma_start3A] : memref<125x80xi32, #tpu.memory_space<vmem>> -> memref<1x80xi32, #tpu.memory_space<vmem>>
      %dma_start3A_7 = tpu.memref_squeeze %dma_start3A_6 : memref<1x80xi32, #tpu.memory_space<vmem>> -> memref<80xi32, #tpu.memory_space<vmem>>
      %dma_start3A_8 = arith.constant 0 : i32
      %dma_start3A_9 = arith.constant 0 : i32
      %dma_start3A_10 = tpu.memref_slice %arg2[%dma_start3A_8, %dma_start3A_9] : memref<10000x128xf32, #tpu.memory_space<hbm>> -> memref<10000x128xf32, #tpu.memory_space<hbm>>
      tpu.enqueue_indirect_dma source(%dma_start3A_10 : memref<10000x128xf32, #tpu.memory_space<hbm>>) target(%arg9 : memref<80x128xf32, #tpu.memory_space<vmem>>) offsets(%dma_start3A_7 : memref<80xi32, #tpu.memory_space<vmem>>) semaphore(%arg11 : memref<!tpu.dma_semaphore, #tpu.memory_space<semaphore_mem>>)
      %dma_start3A_11 = arith.constant 0 : i32
      %dma_start3A_12 = tpu.memref_slice %arg8[%scan3A_5, %dma_start3A_11] : memref<125x80xi32, #tpu.memory_space<vmem>> -> memref<1x80xi32, #tpu.memory_space<vmem>>
      %dma_start3A_13 = tpu.memref_squeeze %dma_start3A_12 : memref<1x80xi32, #tpu.memory_space<vmem>> -> memref<80xi32, #tpu.memory_space<vmem>>
      %dma_start3A_14 = arith.constant 0 : i32
      %dma_start3A_15 = arith.constant 0 : i32
      %dma_start3A_16 = tpu.memref_slice %arg2[%dma_start3A_14, %dma_start3A_15] : memref<10000x128xf32, #tpu.memory_space<hbm>> -> memref<10000x128xf32, #tpu.memory_space<hbm>>
      tpu.enqueue_indirect_dma source(%dma_start3A_16 : memref<10000x128xf32, #tpu.memory_space<hbm>>) target(%arg10 : memref<80x128xf32, #tpu.memory_space<vmem>>) offsets(%dma_start3A_13 : memref<80xi32, #tpu.memory_space<vmem>>) semaphore(%arg12 : memref<!tpu.dma_semaphore, #tpu.memory_space<semaphore_mem>>)
      %dma_wait3A = arith.constant 0 : i32
      %dma_wait3A_17 = tpu.memref_slice %arg7[%scan3A_5, %dma_wait3A] : memref<125x80xi32, #tpu.memory_space<vmem>> -> memref<1x80xi32, #tpu.memory_space<vmem>>
      %dma_wait3A_18 = tpu.memref_squeeze %dma_wait3A_17 : memref<1x80xi32, #tpu.memory_space<vmem>> -> memref<80xi32, #tpu.memory_space<vmem>>
      %dma_wait3A_19 = arith.constant 0 : i32
      %dma_wait3A_20 = arith.constant 0 : i32
      %dma_wait3A_21 = tpu.memref_slice %arg2[%dma_wait3A_19, %dma_wait3A_20] : memref<10000x128xf32, #tpu.memory_space<hbm>> -> memref<10000x128xf32, #tpu.memory_space<hbm>>
      tpu.wait_indirect_dma semaphore(%arg11 : memref<!tpu.dma_semaphore, #tpu.memory_space<semaphore_mem>>) src(%dma_wait3A_21 : memref<10000x128xf32, #tpu.memory_space<hbm>>) dst(%arg9 : memref<80x128xf32, #tpu.memory_space<vmem>>)
      %dma_wait3A_22 = arith.constant 0 : i32
      %dma_wait3A_23 = tpu.memref_slice %arg8[%scan3A_5, %dma_wait3A_22] : memref<125x80xi32, #tpu.memory_space<vmem>> -> memref<1x80xi32, #tpu.memory_space<vmem>>
      %dma_wait3A_24 = tpu.memref_squeeze %dma_wait3A_23 : memref<1x80xi32, #tpu.memory_space<vmem>> -> memref<80xi32, #tpu.memory_space<vmem>>
      %dma_wait3A_25 = arith.constant 0 : i32
      %dma_wait3A_26 = arith.constant 0 : i32
      %dma_wait3A_27 = tpu.memref_slice %arg2[%dma_wait3A_25, %dma_wait3A_26] : memref<10000x128xf32, #tpu.memory_space<hbm>> -> memref<10000x128xf32, #tpu.memory_space<hbm>>
      tpu.wait_indirect_dma semaphore(%arg12 : memref<!tpu.dma_semaphore, #tpu.memory_space<semaphore_mem>>) src(%dma_wait3A_27 : memref<10000x128xf32, #tpu.memory_space<hbm>>) dst(%arg10 : memref<80x128xf32, #tpu.memory_space<vmem>>)
      %mul3A_28 = arith.constant 10000 : i32
      %mul3A_29 = arith.muli %add3A, %mul3A_28 : i32
      %mul3A_30 = arith.constant 80 : i32
      %mul3A_31 = arith.muli %scan3A_5, %mul3A_30 : i32
      %add3A_32 = arith.addi %mul3A_29, %mul3A_31 : i32
      "tpu.region"() ({
        %run_scoped3A = tpu.sem_alloc : memref<!tpu.dma_semaphore, #tpu.memory_space<semaphore_mem>>
        %dma_start3A_33 = arith.constant 0 : i32
        %dma_start3A_34 = tpu.memref_slice %arg5[%add3A_32, %dma_start3A_33] : memref<320000x128xf32, #tpu.memory_space<hbm>> -> memref<80x128xf32, #tpu.memory_space<hbm>>
        %dma_start3A_35 = arith.constant 0 : i32
        %dma_start3A_36 = tpu.memref_slice %arg5[%add3A_32, %dma_start3A_35] : memref<320000x128xf32, #tpu.memory_space<hbm>> -> memref<80x128xf32, #tpu.memory_space<hbm>>
        tpu.enqueue_dma source(%arg9 : memref<80x128xf32, #tpu.memory_space<vmem>>) target(%dma_start3A_36 : memref<80x128xf32, #tpu.memory_space<hbm>>) target_semaphore(%run_scoped3A : memref<!tpu.dma_semaphore, #tpu.memory_space<semaphore_mem>>)
        %dma_wait3A_37 = arith.constant 0 : i32
        %dma_wait3A_38 = tpu.memref_slice %arg5[%add3A_32, %dma_wait3A_37] : memref<320000x128xf32, #tpu.memory_space<hbm>> -> memref<80x128xf32, #tpu.memory_space<hbm>>
        %dma_wait3A_39 = arith.constant 0 : i32
        %dma_wait3A_40 = tpu.memref_slice %arg5[%add3A_32, %dma_wait3A_39] : memref<320000x128xf32, #tpu.memory_space<hbm>> -> memref<80x128xf32, #tpu.memory_space<hbm>>
        tpu.wait_dma2 semaphore(%run_scoped3A : memref<!tpu.dma_semaphore, #tpu.memory_space<semaphore_mem>>) src(%arg9 : memref<80x128xf32, #tpu.memory_space<vmem>>) dst(%dma_wait3A_40 : memref<80x128xf32, #tpu.memory_space<hbm>>)
        tpu.yield
      }) : () -> ()
      "tpu.region"() ({
        %run_scoped3A = tpu.sem_alloc : memref<!tpu.dma_semaphore, #tpu.memory_space<semaphore_mem>>
        %dma_start3A_33 = arith.constant 0 : i32
        %dma_start3A_34 = tpu.memref_slice %arg6[%add3A_32, %dma_start3A_33] : memref<320000x128xf32, #tpu.memory_space<hbm>> -> memref<80x128xf32, #tpu.memory_space<hbm>>
        %dma_start3A_35 = arith.constant 0 : i32
        %dma_start3A_36 = tpu.memref_slice %arg6[%add3A_32, %dma_start3A_35] : memref<320000x128xf32, #tpu.memory_space<hbm>> -> memref<80x128xf32, #tpu.memory_space<hbm>>
        tpu.enqueue_dma source(%arg10 : memref<80x128xf32, #tpu.memory_space<vmem>>) target(%dma_start3A_36 : memref<80x128xf32, #tpu.memory_space<hbm>>) target_semaphore(%run_scoped3A : memref<!tpu.dma_semaphore, #tpu.memory_space<semaphore_mem>>)
        %dma_wait3A_37 = arith.constant 0 : i32
        %dma_wait3A_38 = tpu.memref_slice %arg6[%add3A_32, %dma_wait3A_37] : memref<320000x128xf32, #tpu.memory_space<hbm>> -> memref<80x128xf32, #tpu.memory_space<hbm>>
        %dma_wait3A_39 = arith.constant 0 : i32
        %dma_wait3A_40 = tpu.memref_slice %arg6[%add3A_32, %dma_wait3A_39] : memref<320000x128xf32, #tpu.memory_space<hbm>> -> memref<80x128xf32, #tpu.memory_space<hbm>>
        tpu.wait_dma2 semaphore(%run_scoped3A : memref<!tpu.dma_semaphore, #tpu.memory_space<semaphore_mem>>) src(%arg10 : memref<80x128xf32, #tpu.memory_space<vmem>>) dst(%dma_wait3A_40 : memref<80x128xf32, #tpu.memory_space<hbm>>)
        tpu.yield
      }) : () -> ()
    }
    %scan3A_4 = arith.constant 125 : i32
    return
  }
}

#map = affine_map<(d0, d1) -> (0, 0)>
#map1 = affine_map<(d0, d1) -> (0, 0, 0)>
module attributes {stable_mosaic.version = 14 : i64} {
  func.func @_scatter_body(%arg0: i32, %arg1: i32, %arg2: memref<320000x128xf32, #tpu.memory_space<hbm>>, %arg3: memref<32x125x80xi32, #tpu.memory_space<hbm>>, %arg4: memref<10240x128xf32, #tpu.memory_space<hbm>>, %arg5: memref<2x10240x128xf32, #tpu.memory_space<hbm>>, %arg6: memref<125x80xi32, #tpu.memory_space<vmem>>, %arg7: memref<80x128xf32, #tpu.memory_space<vmem>>, %arg8: memref<10240x128xf32, #tpu.memory_space<vmem_shared>>, %arg9: memref<!tpu.dma_semaphore, #tpu.memory_space<semaphore_mem>>) attributes {dimension_semantics = [#tpu.dimension_semantics<core_parallel>, #tpu.dimension_semantics<subcore_parallel>], iteration_bounds = array<i64: 2, 16>, scalar_prefetch = 0 : i64, scratch_operands = 4 : i64, tpu.core_type = #tpu.core_type<sc_vector_subcore>, window_params = [{transform_indices = #map}, {transform_indices = #map1}, {transform_indices = #map}, {transform_indices = #map1}]} {
    %mul3A = arith.constant 2 : i32
    %mul3A_0 = arith.muli %arg1, %mul3A : i32
    %add3A = arith.addi %mul3A_0, %arg0 : i32
    "tpu.region"() ({
      %run_scoped3A = tpu.sem_alloc : memref<!tpu.dma_semaphore, #tpu.memory_space<semaphore_mem>>
      %dma_start3A = arith.constant 0 : i32
      %dma_start3A_8 = arith.constant 0 : i32
      %dma_start3A_9 = tpu.memref_slice %arg3[%add3A, %dma_start3A, %dma_start3A_8] : memref<32x125x80xi32, #tpu.memory_space<hbm>> -> memref<1x125x80xi32, #tpu.memory_space<hbm>>
      %dma_start3A_10 = tpu.memref_squeeze %dma_start3A_9 : memref<1x125x80xi32, #tpu.memory_space<hbm>> -> memref<125x80xi32, #tpu.memory_space<hbm>>
      %dma_start3A_11 = arith.constant 0 : i32
      %dma_start3A_12 = arith.constant 0 : i32
      %dma_start3A_13 = tpu.memref_slice %arg3[%add3A, %dma_start3A_11, %dma_start3A_12] : memref<32x125x80xi32, #tpu.memory_space<hbm>> -> memref<1x125x80xi32, #tpu.memory_space<hbm>>
      %dma_start3A_14 = tpu.memref_squeeze %dma_start3A_13 : memref<1x125x80xi32, #tpu.memory_space<hbm>> -> memref<125x80xi32, #tpu.memory_space<hbm>>
      tpu.enqueue_dma source(%dma_start3A_14 : memref<125x80xi32, #tpu.memory_space<hbm>>) target(%arg6 : memref<125x80xi32, #tpu.memory_space<vmem>>) target_semaphore(%run_scoped3A : memref<!tpu.dma_semaphore, #tpu.memory_space<semaphore_mem>>)
      %dma_wait3A = arith.constant 0 : i32
      %dma_wait3A_15 = arith.constant 0 : i32
      %dma_wait3A_16 = tpu.memref_slice %arg3[%add3A, %dma_wait3A, %dma_wait3A_15] : memref<32x125x80xi32, #tpu.memory_space<hbm>> -> memref<1x125x80xi32, #tpu.memory_space<hbm>>
      %dma_wait3A_17 = tpu.memref_squeeze %dma_wait3A_16 : memref<1x125x80xi32, #tpu.memory_space<hbm>> -> memref<125x80xi32, #tpu.memory_space<hbm>>
      %dma_wait3A_18 = arith.constant 0 : i32
      %dma_wait3A_19 = arith.constant 0 : i32
      %dma_wait3A_20 = tpu.memref_slice %arg3[%add3A, %dma_wait3A_18, %dma_wait3A_19] : memref<32x125x80xi32, #tpu.memory_space<hbm>> -> memref<1x125x80xi32, #tpu.memory_space<hbm>>
      %dma_wait3A_21 = tpu.memref_squeeze %dma_wait3A_20 : memref<1x125x80xi32, #tpu.memory_space<hbm>> -> memref<125x80xi32, #tpu.memory_space<hbm>>
      tpu.wait_dma2 semaphore(%run_scoped3A : memref<!tpu.dma_semaphore, #tpu.memory_space<semaphore_mem>>) src(%dma_wait3A_21 : memref<125x80xi32, #tpu.memory_space<hbm>>) dst(%arg6 : memref<125x80xi32, #tpu.memory_space<vmem>>)
      tpu.yield
    }) : () -> ()
    %mul3A_1 = arith.constant 640 : i32
    %mul3A_2 = arith.muli %arg1, %mul3A_1 : i32
    "tpu.region"() ({
      %run_scoped3A = tpu.sem_alloc : memref<!tpu.dma_semaphore, #tpu.memory_space<semaphore_mem>>
      %dma_start3A = arith.constant 0 : i32
      %dma_start3A_8 = tpu.memref_slice %arg8[%mul3A_2, %dma_start3A] : memref<10240x128xf32, #tpu.memory_space<vmem_shared>> -> memref<640x128xf32, #tpu.memory_space<vmem_shared>>
      %dma_start3A_9 = arith.constant 0 : i32
      %dma_start3A_10 = tpu.memref_slice %arg4[%mul3A_2, %dma_start3A_9] : memref<10240x128xf32, #tpu.memory_space<hbm>> -> memref<640x128xf32, #tpu.memory_space<hbm>>
      tpu.enqueue_dma source(%dma_start3A_10 : memref<640x128xf32, #tpu.memory_space<hbm>>) target(%dma_start3A_8 : memref<640x128xf32, #tpu.memory_space<vmem_shared>>) target_semaphore(%run_scoped3A : memref<!tpu.dma_semaphore, #tpu.memory_space<semaphore_mem>>)
      %dma_wait3A = arith.constant 0 : i32
      %dma_wait3A_11 = tpu.memref_slice %arg8[%mul3A_2, %dma_wait3A] : memref<10240x128xf32, #tpu.memory_space<vmem_shared>> -> memref<640x128xf32, #tpu.memory_space<vmem_shared>>
      %dma_wait3A_12 = arith.constant 0 : i32
      %dma_wait3A_13 = tpu.memref_slice %arg4[%mul3A_2, %dma_wait3A_12] : memref<10240x128xf32, #tpu.memory_space<hbm>> -> memref<640x128xf32, #tpu.memory_space<hbm>>
      tpu.wait_dma2 semaphore(%run_scoped3A : memref<!tpu.dma_semaphore, #tpu.memory_space<semaphore_mem>>) src(%dma_wait3A_13 : memref<640x128xf32, #tpu.memory_space<hbm>>) dst(%dma_wait3A_11 : memref<640x128xf32, #tpu.memory_space<vmem_shared>>)
      tpu.yield
    }) : () -> ()
    %barrier3A = arith.constant 0 : index
    tpu.barrier barrier_id(%barrier3A)
    %scan3A = arith.constant 0 : i32
    %scan3A_3 = arith.constant 125 : i32
    %scan3A_4 = arith.addi %scan3A, %scan3A_3 : i32
    %scan3A_5 = arith.constant 1 : i32
    scf.for %scan3A_8 = %scan3A to %scan3A_4 step %scan3A_5  : i32 {
      %mul3A_9 = arith.constant 10000 : i32
      %mul3A_10 = arith.muli %add3A, %mul3A_9 : i32
      %mul3A_11 = arith.constant 80 : i32
      %mul3A_12 = arith.muli %scan3A_8, %mul3A_11 : i32
      %add3A_13 = arith.addi %mul3A_10, %mul3A_12 : i32
      %dma_start3A = arith.constant 0 : i32
      %dma_start3A_14 = tpu.memref_slice %arg2[%add3A_13, %dma_start3A] : memref<320000x128xf32, #tpu.memory_space<hbm>> -> memref<80x128xf32, #tpu.memory_space<hbm>>
      %dma_start3A_15 = arith.constant 0 : i32
      %dma_start3A_16 = tpu.memref_slice %arg2[%add3A_13, %dma_start3A_15] : memref<320000x128xf32, #tpu.memory_space<hbm>> -> memref<80x128xf32, #tpu.memory_space<hbm>>
      tpu.enqueue_dma source(%dma_start3A_16 : memref<80x128xf32, #tpu.memory_space<hbm>>) target(%arg7 : memref<80x128xf32, #tpu.memory_space<vmem>>) target_semaphore(%arg9 : memref<!tpu.dma_semaphore, #tpu.memory_space<semaphore_mem>>)
      %dma_wait3A = arith.constant 0 : i32
      %dma_wait3A_17 = tpu.memref_slice %arg2[%add3A_13, %dma_wait3A] : memref<320000x128xf32, #tpu.memory_space<hbm>> -> memref<80x128xf32, #tpu.memory_space<hbm>>
      %dma_wait3A_18 = arith.constant 0 : i32
      %dma_wait3A_19 = tpu.memref_slice %arg2[%add3A_13, %dma_wait3A_18] : memref<320000x128xf32, #tpu.memory_space<hbm>> -> memref<80x128xf32, #tpu.memory_space<hbm>>
      tpu.wait_dma2 semaphore(%arg9 : memref<!tpu.dma_semaphore, #tpu.memory_space<semaphore_mem>>) src(%dma_wait3A_19 : memref<80x128xf32, #tpu.memory_space<hbm>>) dst(%arg7 : memref<80x128xf32, #tpu.memory_space<vmem>>)
      "tpu.region"() ({
        %run_scoped3A = tpu.sem_alloc : memref<!tpu.dma_semaphore, #tpu.memory_space<semaphore_mem>>
        %dma_start3A_20 = arith.constant 0 : i32
        %dma_start3A_21 = tpu.memref_slice %arg6[%scan3A_8, %dma_start3A_20] : memref<125x80xi32, #tpu.memory_space<vmem>> -> memref<1x80xi32, #tpu.memory_space<vmem>>
        %dma_start3A_22 = tpu.memref_squeeze %dma_start3A_21 : memref<1x80xi32, #tpu.memory_space<vmem>> -> memref<80xi32, #tpu.memory_space<vmem>>
        %dma_start3A_23 = arith.constant 0 : i32
        %dma_start3A_24 = arith.constant 0 : i32
        %dma_start3A_25 = tpu.memref_slice %arg8[%dma_start3A_23, %dma_start3A_24] : memref<10240x128xf32, #tpu.memory_space<vmem_shared>> -> memref<10240x128xf32, #tpu.memory_space<vmem_shared>>
        tpu.enqueue_indirect_dma source(%arg7 : memref<80x128xf32, #tpu.memory_space<vmem>>) target(%dma_start3A_25 : memref<10240x128xf32, #tpu.memory_space<vmem_shared>>) offsets(%dma_start3A_22 : memref<80xi32, #tpu.memory_space<vmem>>) semaphore(%run_scoped3A : memref<!tpu.dma_semaphore, #tpu.memory_space<semaphore_mem>>) {add = true}
        %dma_wait3A_26 = arith.constant 0 : i32
        %dma_wait3A_27 = tpu.memref_slice %arg6[%scan3A_8, %dma_wait3A_26] : memref<125x80xi32, #tpu.memory_space<vmem>> -> memref<1x80xi32, #tpu.memory_space<vmem>>
        %dma_wait3A_28 = tpu.memref_squeeze %dma_wait3A_27 : memref<1x80xi32, #tpu.memory_space<vmem>> -> memref<80xi32, #tpu.memory_space<vmem>>
        %dma_wait3A_29 = arith.constant 0 : i32
        %dma_wait3A_30 = arith.constant 0 : i32
        %dma_wait3A_31 = tpu.memref_slice %arg8[%dma_wait3A_29, %dma_wait3A_30] : memref<10240x128xf32, #tpu.memory_space<vmem_shared>> -> memref<10240x128xf32, #tpu.memory_space<vmem_shared>>
        tpu.wait_indirect_dma semaphore(%run_scoped3A : memref<!tpu.dma_semaphore, #tpu.memory_space<semaphore_mem>>) src(%arg7 : memref<80x128xf32, #tpu.memory_space<vmem>>) dst(%dma_wait3A_31 : memref<10240x128xf32, #tpu.memory_space<vmem_shared>>)
        tpu.yield
      }) : () -> ()
    }
    %scan3A_6 = arith.constant 125 : i32
    %barrier3A_7 = arith.constant 0 : index
    tpu.barrier barrier_id(%barrier3A_7)
    "tpu.region"() ({
      %run_scoped3A = tpu.sem_alloc : memref<!tpu.dma_semaphore, #tpu.memory_space<semaphore_mem>>
      %dma_start3A = arith.constant 0 : i32
      %dma_start3A_8 = tpu.memref_slice %arg5[%arg0, %mul3A_2, %dma_start3A] : memref<2x10240x128xf32, #tpu.memory_space<hbm>> -> memref<1x640x128xf32, #tpu.memory_space<hbm>>
      %dma_start3A_9 = tpu.memref_squeeze %dma_start3A_8 : memref<1x640x128xf32, #tpu.memory_space<hbm>> -> memref<640x128xf32, #tpu.memory_space<hbm>>
      %dma_start3A_10 = arith.constant 0 : i32
      %dma_start3A_11 = tpu.memref_slice %arg8[%mul3A_2, %dma_start3A_10] : memref<10240x128xf32, #tpu.memory_space<vmem_shared>> -> memref<640x128xf32, #tpu.memory_space<vmem_shared>>
      tpu.enqueue_dma source(%dma_start3A_11 : memref<640x128xf32, #tpu.memory_space<vmem_shared>>) target(%dma_start3A_9 : memref<640x128xf32, #tpu.memory_space<hbm>>) target_semaphore(%run_scoped3A : memref<!tpu.dma_semaphore, #tpu.memory_space<semaphore_mem>>)
      %dma_wait3A = arith.constant 0 : i32
      %dma_wait3A_12 = tpu.memref_slice %arg5[%arg0, %mul3A_2, %dma_wait3A] : memref<2x10240x128xf32, #tpu.memory_space<hbm>> -> memref<1x640x128xf32, #tpu.memory_space<hbm>>
      %dma_wait3A_13 = tpu.memref_squeeze %dma_wait3A_12 : memref<1x640x128xf32, #tpu.memory_space<hbm>> -> memref<640x128xf32, #tpu.memory_space<hbm>>
      %dma_wait3A_14 = arith.constant 0 : i32
      %dma_wait3A_15 = tpu.memref_slice %arg8[%mul3A_2, %dma_wait3A_14] : memref<10240x128xf32, #tpu.memory_space<vmem_shared>> -> memref<640x128xf32, #tpu.memory_space<vmem_shared>>
      tpu.wait_dma2 semaphore(%run_scoped3A : memref<!tpu.dma_semaphore, #tpu.memory_space<semaphore_mem>>) src(%dma_wait3A_15 : memref<640x128xf32, #tpu.memory_space<vmem_shared>>) dst(%dma_wait3A_13 : memref<640x128xf32, #tpu.memory_space<hbm>>)
      tpu.yield
    }) : () -> ()
    return
  }
}

#map = affine_map<(d0, d1) -> (0, 0)>
#map1 = affine_map<(d0, d1) -> (0, 0, 0)>
module attributes {stable_mosaic.version = 14 : i64} {
  func.func @_scatter_body(%arg0: i32, %arg1: i32, %arg2: memref<320000x128xf32, #tpu.memory_space<hbm>>, %arg3: memref<32x125x80xi32, #tpu.memory_space<hbm>>, %arg4: memref<10240x128xf32, #tpu.memory_space<hbm>>, %arg5: memref<2x10240x128xf32, #tpu.memory_space<hbm>>, %arg6: memref<125x80xi32, #tpu.memory_space<vmem>>, %arg7: memref<80x128xf32, #tpu.memory_space<vmem>>, %arg8: memref<10240x128xf32, #tpu.memory_space<vmem_shared>>, %arg9: memref<!tpu.dma_semaphore, #tpu.memory_space<semaphore_mem>>) attributes {dimension_semantics = [#tpu.dimension_semantics<core_parallel>, #tpu.dimension_semantics<subcore_parallel>], iteration_bounds = array<i64: 2, 16>, scalar_prefetch = 0 : i64, scratch_operands = 4 : i64, tpu.core_type = #tpu.core_type<sc_vector_subcore>, window_params = [{transform_indices = #map}, {transform_indices = #map1}, {transform_indices = #map}, {transform_indices = #map1}]} {
    %mul3A = arith.constant 2 : i32
    %mul3A_0 = arith.muli %arg1, %mul3A : i32
    %add3A = arith.addi %mul3A_0, %arg0 : i32
    "tpu.region"() ({
      %run_scoped3A = tpu.sem_alloc : memref<!tpu.dma_semaphore, #tpu.memory_space<semaphore_mem>>
      %dma_start3A = arith.constant 0 : i32
      %dma_start3A_8 = arith.constant 0 : i32
      %dma_start3A_9 = tpu.memref_slice %arg3[%add3A, %dma_start3A, %dma_start3A_8] : memref<32x125x80xi32, #tpu.memory_space<hbm>> -> memref<1x125x80xi32, #tpu.memory_space<hbm>>
      %dma_start3A_10 = tpu.memref_squeeze %dma_start3A_9 : memref<1x125x80xi32, #tpu.memory_space<hbm>> -> memref<125x80xi32, #tpu.memory_space<hbm>>
      %dma_start3A_11 = arith.constant 0 : i32
      %dma_start3A_12 = arith.constant 0 : i32
      %dma_start3A_13 = tpu.memref_slice %arg3[%add3A, %dma_start3A_11, %dma_start3A_12] : memref<32x125x80xi32, #tpu.memory_space<hbm>> -> memref<1x125x80xi32, #tpu.memory_space<hbm>>
      %dma_start3A_14 = tpu.memref_squeeze %dma_start3A_13 : memref<1x125x80xi32, #tpu.memory_space<hbm>> -> memref<125x80xi32, #tpu.memory_space<hbm>>
      tpu.enqueue_dma source(%dma_start3A_14 : memref<125x80xi32, #tpu.memory_space<hbm>>) target(%arg6 : memref<125x80xi32, #tpu.memory_space<vmem>>) target_semaphore(%run_scoped3A : memref<!tpu.dma_semaphore, #tpu.memory_space<semaphore_mem>>)
      %dma_wait3A = arith.constant 0 : i32
      %dma_wait3A_15 = arith.constant 0 : i32
      %dma_wait3A_16 = tpu.memref_slice %arg3[%add3A, %dma_wait3A, %dma_wait3A_15] : memref<32x125x80xi32, #tpu.memory_space<hbm>> -> memref<1x125x80xi32, #tpu.memory_space<hbm>>
      %dma_wait3A_17 = tpu.memref_squeeze %dma_wait3A_16 : memref<1x125x80xi32, #tpu.memory_space<hbm>> -> memref<125x80xi32, #tpu.memory_space<hbm>>
      %dma_wait3A_18 = arith.constant 0 : i32
      %dma_wait3A_19 = arith.constant 0 : i32
      %dma_wait3A_20 = tpu.memref_slice %arg3[%add3A, %dma_wait3A_18, %dma_wait3A_19] : memref<32x125x80xi32, #tpu.memory_space<hbm>> -> memref<1x125x80xi32, #tpu.memory_space<hbm>>
      %dma_wait3A_21 = tpu.memref_squeeze %dma_wait3A_20 : memref<1x125x80xi32, #tpu.memory_space<hbm>> -> memref<125x80xi32, #tpu.memory_space<hbm>>
      tpu.wait_dma2 semaphore(%run_scoped3A : memref<!tpu.dma_semaphore, #tpu.memory_space<semaphore_mem>>) src(%dma_wait3A_21 : memref<125x80xi32, #tpu.memory_space<hbm>>) dst(%arg6 : memref<125x80xi32, #tpu.memory_space<vmem>>)
      tpu.yield
    }) : () -> ()
    %mul3A_1 = arith.constant 640 : i32
    %mul3A_2 = arith.muli %arg1, %mul3A_1 : i32
    "tpu.region"() ({
      %run_scoped3A = tpu.sem_alloc : memref<!tpu.dma_semaphore, #tpu.memory_space<semaphore_mem>>
      %dma_start3A = arith.constant 0 : i32
      %dma_start3A_8 = tpu.memref_slice %arg8[%mul3A_2, %dma_start3A] : memref<10240x128xf32, #tpu.memory_space<vmem_shared>> -> memref<640x128xf32, #tpu.memory_space<vmem_shared>>
      %dma_start3A_9 = arith.constant 0 : i32
      %dma_start3A_10 = tpu.memref_slice %arg4[%mul3A_2, %dma_start3A_9] : memref<10240x128xf32, #tpu.memory_space<hbm>> -> memref<640x128xf32, #tpu.memory_space<hbm>>
      tpu.enqueue_dma source(%dma_start3A_10 : memref<640x128xf32, #tpu.memory_space<hbm>>) target(%dma_start3A_8 : memref<640x128xf32, #tpu.memory_space<vmem_shared>>) target_semaphore(%run_scoped3A : memref<!tpu.dma_semaphore, #tpu.memory_space<semaphore_mem>>)
      %dma_wait3A = arith.constant 0 : i32
      %dma_wait3A_11 = tpu.memref_slice %arg8[%mul3A_2, %dma_wait3A] : memref<10240x128xf32, #tpu.memory_space<vmem_shared>> -> memref<640x128xf32, #tpu.memory_space<vmem_shared>>
      %dma_wait3A_12 = arith.constant 0 : i32
      %dma_wait3A_13 = tpu.memref_slice %arg4[%mul3A_2, %dma_wait3A_12] : memref<10240x128xf32, #tpu.memory_space<hbm>> -> memref<640x128xf32, #tpu.memory_space<hbm>>
      tpu.wait_dma2 semaphore(%run_scoped3A : memref<!tpu.dma_semaphore, #tpu.memory_space<semaphore_mem>>) src(%dma_wait3A_13 : memref<640x128xf32, #tpu.memory_space<hbm>>) dst(%dma_wait3A_11 : memref<640x128xf32, #tpu.memory_space<vmem_shared>>)
      tpu.yield
    }) : () -> ()
    %barrier3A = arith.constant 0 : index
    tpu.barrier barrier_id(%barrier3A)
    %scan3A = arith.constant 0 : i32
    %scan3A_3 = arith.constant 125 : i32
    %scan3A_4 = arith.addi %scan3A, %scan3A_3 : i32
    %scan3A_5 = arith.constant 1 : i32
    scf.for %scan3A_8 = %scan3A to %scan3A_4 step %scan3A_5  : i32 {
      %mul3A_9 = arith.constant 10000 : i32
      %mul3A_10 = arith.muli %add3A, %mul3A_9 : i32
      %mul3A_11 = arith.constant 80 : i32
      %mul3A_12 = arith.muli %scan3A_8, %mul3A_11 : i32
      %add3A_13 = arith.addi %mul3A_10, %mul3A_12 : i32
      %dma_start3A = arith.constant 0 : i32
      %dma_start3A_14 = tpu.memref_slice %arg2[%add3A_13, %dma_start3A] : memref<320000x128xf32, #tpu.memory_space<hbm>> -> memref<80x128xf32, #tpu.memory_space<hbm>>
      %dma_start3A_15 = arith.constant 0 : i32
      %dma_start3A_16 = tpu.memref_slice %arg2[%add3A_13, %dma_start3A_15] : memref<320000x128xf32, #tpu.memory_space<hbm>> -> memref<80x128xf32, #tpu.memory_space<hbm>>
      tpu.enqueue_dma source(%dma_start3A_16 : memref<80x128xf32, #tpu.memory_space<hbm>>) target(%arg7 : memref<80x128xf32, #tpu.memory_space<vmem>>) target_semaphore(%arg9 : memref<!tpu.dma_semaphore, #tpu.memory_space<semaphore_mem>>)
      %dma_wait3A = arith.constant 0 : i32
      %dma_wait3A_17 = tpu.memref_slice %arg2[%add3A_13, %dma_wait3A] : memref<320000x128xf32, #tpu.memory_space<hbm>> -> memref<80x128xf32, #tpu.memory_space<hbm>>
      %dma_wait3A_18 = arith.constant 0 : i32
      %dma_wait3A_19 = tpu.memref_slice %arg2[%add3A_13, %dma_wait3A_18] : memref<320000x128xf32, #tpu.memory_space<hbm>> -> memref<80x128xf32, #tpu.memory_space<hbm>>
      tpu.wait_dma2 semaphore(%arg9 : memref<!tpu.dma_semaphore, #tpu.memory_space<semaphore_mem>>) src(%dma_wait3A_19 : memref<80x128xf32, #tpu.memory_space<hbm>>) dst(%arg7 : memref<80x128xf32, #tpu.memory_space<vmem>>)
      "tpu.region"() ({
        %run_scoped3A = tpu.sem_alloc : memref<!tpu.dma_semaphore, #tpu.memory_space<semaphore_mem>>
        %dma_start3A_20 = arith.constant 0 : i32
        %dma_start3A_21 = tpu.memref_slice %arg6[%scan3A_8, %dma_start3A_20] : memref<125x80xi32, #tpu.memory_space<vmem>> -> memref<1x80xi32, #tpu.memory_space<vmem>>
        %dma_start3A_22 = tpu.memref_squeeze %dma_start3A_21 : memref<1x80xi32, #tpu.memory_space<vmem>> -> memref<80xi32, #tpu.memory_space<vmem>>
        %dma_start3A_23 = arith.constant 0 : i32
        %dma_start3A_24 = arith.constant 0 : i32
        %dma_start3A_25 = tpu.memref_slice %arg8[%dma_start3A_23, %dma_start3A_24] : memref<10240x128xf32, #tpu.memory_space<vmem_shared>> -> memref<10240x128xf32, #tpu.memory_space<vmem_shared>>
        tpu.enqueue_indirect_dma source(%arg7 : memref<80x128xf32, #tpu.memory_space<vmem>>) target(%dma_start3A_25 : memref<10240x128xf32, #tpu.memory_space<vmem_shared>>) offsets(%dma_start3A_22 : memref<80xi32, #tpu.memory_space<vmem>>) semaphore(%run_scoped3A : memref<!tpu.dma_semaphore, #tpu.memory_space<semaphore_mem>>) {add = true}
        %dma_wait3A_26 = arith.constant 0 : i32
        %dma_wait3A_27 = tpu.memref_slice %arg6[%scan3A_8, %dma_wait3A_26] : memref<125x80xi32, #tpu.memory_space<vmem>> -> memref<1x80xi32, #tpu.memory_space<vmem>>
        %dma_wait3A_28 = tpu.memref_squeeze %dma_wait3A_27 : memref<1x80xi32, #tpu.memory_space<vmem>> -> memref<80xi32, #tpu.memory_space<vmem>>
        %dma_wait3A_29 = arith.constant 0 : i32
        %dma_wait3A_30 = arith.constant 0 : i32
        %dma_wait3A_31 = tpu.memref_slice %arg8[%dma_wait3A_29, %dma_wait3A_30] : memref<10240x128xf32, #tpu.memory_space<vmem_shared>> -> memref<10240x128xf32, #tpu.memory_space<vmem_shared>>
        tpu.wait_indirect_dma semaphore(%run_scoped3A : memref<!tpu.dma_semaphore, #tpu.memory_space<semaphore_mem>>) src(%arg7 : memref<80x128xf32, #tpu.memory_space<vmem>>) dst(%dma_wait3A_31 : memref<10240x128xf32, #tpu.memory_space<vmem_shared>>)
        tpu.yield
      }) : () -> ()
    }
    %scan3A_6 = arith.constant 125 : i32
    %barrier3A_7 = arith.constant 0 : index
    tpu.barrier barrier_id(%barrier3A_7)
    "tpu.region"() ({
      %run_scoped3A = tpu.sem_alloc : memref<!tpu.dma_semaphore, #tpu.memory_space<semaphore_mem>>
      %dma_start3A = arith.constant 0 : i32
      %dma_start3A_8 = tpu.memref_slice %arg5[%arg0, %mul3A_2, %dma_start3A] : memref<2x10240x128xf32, #tpu.memory_space<hbm>> -> memref<1x640x128xf32, #tpu.memory_space<hbm>>
      %dma_start3A_9 = tpu.memref_squeeze %dma_start3A_8 : memref<1x640x128xf32, #tpu.memory_space<hbm>> -> memref<640x128xf32, #tpu.memory_space<hbm>>
      %dma_start3A_10 = arith.constant 0 : i32
      %dma_start3A_11 = tpu.memref_slice %arg8[%mul3A_2, %dma_start3A_10] : memref<10240x128xf32, #tpu.memory_space<vmem_shared>> -> memref<640x128xf32, #tpu.memory_space<vmem_shared>>
      tpu.enqueue_dma source(%dma_start3A_11 : memref<640x128xf32, #tpu.memory_space<vmem_shared>>) target(%dma_start3A_9 : memref<640x128xf32, #tpu.memory_space<hbm>>) target_semaphore(%run_scoped3A : memref<!tpu.dma_semaphore, #tpu.memory_space<semaphore_mem>>)
      %dma_wait3A = arith.constant 0 : i32
      %dma_wait3A_12 = tpu.memref_slice %arg5[%arg0, %mul3A_2, %dma_wait3A] : memref<2x10240x128xf32, #tpu.memory_space<hbm>> -> memref<1x640x128xf32, #tpu.memory_space<hbm>>
      %dma_wait3A_13 = tpu.memref_squeeze %dma_wait3A_12 : memref<1x640x128xf32, #tpu.memory_space<hbm>> -> memref<640x128xf32, #tpu.memory_space<hbm>>
      %dma_wait3A_14 = arith.constant 0 : i32
      %dma_wait3A_15 = tpu.memref_slice %arg8[%mul3A_2, %dma_wait3A_14] : memref<10240x128xf32, #tpu.memory_space<vmem_shared>> -> memref<640x128xf32, #tpu.memory_space<vmem_shared>>
      tpu.wait_dma2 semaphore(%run_scoped3A : memref<!tpu.dma_semaphore, #tpu.memory_space<semaphore_mem>>) src(%dma_wait3A_15 : memref<640x128xf32, #tpu.memory_space<vmem_shared>>) dst(%dma_wait3A_13 : memref<640x128xf32, #tpu.memory_space<hbm>>)
      tpu.yield
    }) : () -> ()
    return
  }
}

#map = affine_map<(d0, d1) -> (0, 0)>
#map1 = affine_map<(d0, d1) -> (0, 0, 0)>
module attributes {stable_mosaic.version = 14 : i64} {
  func.func @_gather_body(%arg0: i32, %arg1: i32, %arg2: memref<10000x128xf32, #tpu.memory_space<hbm>>, %arg3: memref<32x125x80xi32, #tpu.memory_space<hbm>>, %arg4: memref<32x125x80xi32, #tpu.memory_space<hbm>>, %arg5: memref<320000x128xf32, #tpu.memory_space<hbm>>, %arg6: memref<320000x128xf32, #tpu.memory_space<hbm>>, %arg7: memref<125x80xi32, #tpu.memory_space<vmem>>, %arg8: memref<125x80xi32, #tpu.memory_space<vmem>>, %arg9: memref<80x128xf32, #tpu.memory_space<vmem>>, %arg10: memref<80x128xf32, #tpu.memory_space<vmem>>, %arg11: memref<!tpu.dma_semaphore, #tpu.memory_space<semaphore_mem>>, %arg12: memref<!tpu.dma_semaphore, #tpu.memory_space<semaphore_mem>>) attributes {dimension_semantics = [#tpu.dimension_semantics<core_parallel>, #tpu.dimension_semantics<subcore_parallel>], iteration_bounds = array<i64: 2, 16>, scalar_prefetch = 0 : i64, scratch_operands = 6 : i64, tpu.core_type = #tpu.core_type<sc_vector_subcore>, window_params = [{transform_indices = #map}, {transform_indices = #map1}, {transform_indices = #map1}, {transform_indices = #map}, {transform_indices = #map}]} {
    %mul3A = arith.constant 2 : i32
    %mul3A_0 = arith.muli %arg1, %mul3A : i32
    %add3A = arith.addi %mul3A_0, %arg0 : i32
    "tpu.region"() ({
      %run_scoped3A = tpu.sem_alloc : memref<!tpu.dma_semaphore, #tpu.memory_space<semaphore_mem>>
      %dma_start3A = arith.constant 0 : i32
      %dma_start3A_5 = arith.constant 0 : i32
      %dma_start3A_6 = tpu.memref_slice %arg3[%add3A, %dma_start3A, %dma_start3A_5] : memref<32x125x80xi32, #tpu.memory_space<hbm>> -> memref<1x125x80xi32, #tpu.memory_space<hbm>>
      %dma_start3A_7 = tpu.memref_squeeze %dma_start3A_6 : memref<1x125x80xi32, #tpu.memory_space<hbm>> -> memref<125x80xi32, #tpu.memory_space<hbm>>
      %dma_start3A_8 = arith.constant 0 : i32
      %dma_start3A_9 = arith.constant 0 : i32
      %dma_start3A_10 = tpu.memref_slice %arg3[%add3A, %dma_start3A_8, %dma_start3A_9] : memref<32x125x80xi32, #tpu.memory_space<hbm>> -> memref<1x125x80xi32, #tpu.memory_space<hbm>>
      %dma_start3A_11 = tpu.memref_squeeze %dma_start3A_10 : memref<1x125x80xi32, #tpu.memory_space<hbm>> -> memref<125x80xi32, #tpu.memory_space<hbm>>
      tpu.enqueue_dma source(%dma_start3A_11 : memref<125x80xi32, #tpu.memory_space<hbm>>) target(%arg7 : memref<125x80xi32, #tpu.memory_space<vmem>>) target_semaphore(%run_scoped3A : memref<!tpu.dma_semaphore, #tpu.memory_space<semaphore_mem>>)
      %dma_wait3A = arith.constant 0 : i32
      %dma_wait3A_12 = arith.constant 0 : i32
      %dma_wait3A_13 = tpu.memref_slice %arg3[%add3A, %dma_wait3A, %dma_wait3A_12] : memref<32x125x80xi32, #tpu.memory_space<hbm>> -> memref<1x125x80xi32, #tpu.memory_space<hbm>>
      %dma_wait3A_14 = tpu.memref_squeeze %dma_wait3A_13 : memref<1x125x80xi32, #tpu.memory_space<hbm>> -> memref<125x80xi32, #tpu.memory_space<hbm>>
      %dma_wait3A_15 = arith.constant 0 : i32
      %dma_wait3A_16 = arith.constant 0 : i32
      %dma_wait3A_17 = tpu.memref_slice %arg3[%add3A, %dma_wait3A_15, %dma_wait3A_16] : memref<32x125x80xi32, #tpu.memory_space<hbm>> -> memref<1x125x80xi32, #tpu.memory_space<hbm>>
      %dma_wait3A_18 = tpu.memref_squeeze %dma_wait3A_17 : memref<1x125x80xi32, #tpu.memory_space<hbm>> -> memref<125x80xi32, #tpu.memory_space<hbm>>
      tpu.wait_dma2 semaphore(%run_scoped3A : memref<!tpu.dma_semaphore, #tpu.memory_space<semaphore_mem>>) src(%dma_wait3A_18 : memref<125x80xi32, #tpu.memory_space<hbm>>) dst(%arg7 : memref<125x80xi32, #tpu.memory_space<vmem>>)
      tpu.yield
    }) : () -> ()
    "tpu.region"() ({
      %run_scoped3A = tpu.sem_alloc : memref<!tpu.dma_semaphore, #tpu.memory_space<semaphore_mem>>
      %dma_start3A = arith.constant 0 : i32
      %dma_start3A_5 = arith.constant 0 : i32
      %dma_start3A_6 = tpu.memref_slice %arg4[%add3A, %dma_start3A, %dma_start3A_5] : memref<32x125x80xi32, #tpu.memory_space<hbm>> -> memref<1x125x80xi32, #tpu.memory_space<hbm>>
      %dma_start3A_7 = tpu.memref_squeeze %dma_start3A_6 : memref<1x125x80xi32, #tpu.memory_space<hbm>> -> memref<125x80xi32, #tpu.memory_space<hbm>>
      %dma_start3A_8 = arith.constant 0 : i32
      %dma_start3A_9 = arith.constant 0 : i32
      %dma_start3A_10 = tpu.memref_slice %arg4[%add3A, %dma_start3A_8, %dma_start3A_9] : memref<32x125x80xi32, #tpu.memory_space<hbm>> -> memref<1x125x80xi32, #tpu.memory_space<hbm>>
      %dma_start3A_11 = tpu.memref_squeeze %dma_start3A_10 : memref<1x125x80xi32, #tpu.memory_space<hbm>> -> memref<125x80xi32, #tpu.memory_space<hbm>>
      tpu.enqueue_dma source(%dma_start3A_11 : memref<125x80xi32, #tpu.memory_space<hbm>>) target(%arg8 : memref<125x80xi32, #tpu.memory_space<vmem>>) target_semaphore(%run_scoped3A : memref<!tpu.dma_semaphore, #tpu.memory_space<semaphore_mem>>)
      %dma_wait3A = arith.constant 0 : i32
      %dma_wait3A_12 = arith.constant 0 : i32
      %dma_wait3A_13 = tpu.memref_slice %arg4[%add3A, %dma_wait3A, %dma_wait3A_12] : memref<32x125x80xi32, #tpu.memory_space<hbm>> -> memref<1x125x80xi32, #tpu.memory_space<hbm>>
      %dma_wait3A_14 = tpu.memref_squeeze %dma_wait3A_13 : memref<1x125x80xi32, #tpu.memory_space<hbm>> -> memref<125x80xi32, #tpu.memory_space<hbm>>
      %dma_wait3A_15 = arith.constant 0 : i32
      %dma_wait3A_16 = arith.constant 0 : i32
      %dma_wait3A_17 = tpu.memref_slice %arg4[%add3A, %dma_wait3A_15, %dma_wait3A_16] : memref<32x125x80xi32, #tpu.memory_space<hbm>> -> memref<1x125x80xi32, #tpu.memory_space<hbm>>
      %dma_wait3A_18 = tpu.memref_squeeze %dma_wait3A_17 : memref<1x125x80xi32, #tpu.memory_space<hbm>> -> memref<125x80xi32, #tpu.memory_space<hbm>>
      tpu.wait_dma2 semaphore(%run_scoped3A : memref<!tpu.dma_semaphore, #tpu.memory_space<semaphore_mem>>) src(%dma_wait3A_18 : memref<125x80xi32, #tpu.memory_space<hbm>>) dst(%arg8 : memref<125x80xi32, #tpu.memory_space<vmem>>)
      tpu.yield
    }) : () -> ()
    %scan3A = arith.constant 0 : i32
    %scan3A_1 = arith.constant 125 : i32
    %scan3A_2 = arith.addi %scan3A, %scan3A_1 : i32
    %scan3A_3 = arith.constant 1 : i32
    scf.for %scan3A_5 = %scan3A to %scan3A_2 step %scan3A_3  : i32 {
      %dma_start3A = arith.constant 0 : i32
      %dma_start3A_6 = tpu.memref_slice %arg7[%scan3A_5, %dma_start3A] : memref<125x80xi32, #tpu.memory_space<vmem>> -> memref<1x80xi32, #tpu.memory_space<vmem>>
      %dma_start3A_7 = tpu.memref_squeeze %dma_start3A_6 : memref<1x80xi32, #tpu.memory_space<vmem>> -> memref<80xi32, #tpu.memory_space<vmem>>
      %dma_start3A_8 = arith.constant 0 : i32
      %dma_start3A_9 = arith.constant 0 : i32
      %dma_start3A_10 = tpu.memref_slice %arg2[%dma_start3A_8, %dma_start3A_9] : memref<10000x128xf32, #tpu.memory_space<hbm>> -> memref<10000x128xf32, #tpu.memory_space<hbm>>
      tpu.enqueue_indirect_dma source(%dma_start3A_10 : memref<10000x128xf32, #tpu.memory_space<hbm>>) target(%arg9 : memref<80x128xf32, #tpu.memory_space<vmem>>) offsets(%dma_start3A_7 : memref<80xi32, #tpu.memory_space<vmem>>) semaphore(%arg11 : memref<!tpu.dma_semaphore, #tpu.memory_space<semaphore_mem>>)
      %dma_start3A_11 = arith.constant 0 : i32
      %dma_start3A_12 = tpu.memref_slice %arg8[%scan3A_5, %dma_start3A_11] : memref<125x80xi32, #tpu.memory_space<vmem>> -> memref<1x80xi32, #tpu.memory_space<vmem>>
      %dma_start3A_13 = tpu.memref_squeeze %dma_start3A_12 : memref<1x80xi32, #tpu.memory_space<vmem>> -> memref<80xi32, #tpu.memory_space<vmem>>
      %dma_start3A_14 = arith.constant 0 : i32
      %dma_start3A_15 = arith.constant 0 : i32
      %dma_start3A_16 = tpu.memref_slice %arg2[%dma_start3A_14, %dma_start3A_15] : memref<10000x128xf32, #tpu.memory_space<hbm>> -> memref<10000x128xf32, #tpu.memory_space<hbm>>
      tpu.enqueue_indirect_dma source(%dma_start3A_16 : memref<10000x128xf32, #tpu.memory_space<hbm>>) target(%arg10 : memref<80x128xf32, #tpu.memory_space<vmem>>) offsets(%dma_start3A_13 : memref<80xi32, #tpu.memory_space<vmem>>) semaphore(%arg12 : memref<!tpu.dma_semaphore, #tpu.memory_space<semaphore_mem>>)
      %dma_wait3A = arith.constant 0 : i32
      %dma_wait3A_17 = tpu.memref_slice %arg7[%scan3A_5, %dma_wait3A] : memref<125x80xi32, #tpu.memory_space<vmem>> -> memref<1x80xi32, #tpu.memory_space<vmem>>
      %dma_wait3A_18 = tpu.memref_squeeze %dma_wait3A_17 : memref<1x80xi32, #tpu.memory_space<vmem>> -> memref<80xi32, #tpu.memory_space<vmem>>
      %dma_wait3A_19 = arith.constant 0 : i32
      %dma_wait3A_20 = arith.constant 0 : i32
      %dma_wait3A_21 = tpu.memref_slice %arg2[%dma_wait3A_19, %dma_wait3A_20] : memref<10000x128xf32, #tpu.memory_space<hbm>> -> memref<10000x128xf32, #tpu.memory_space<hbm>>
      tpu.wait_indirect_dma semaphore(%arg11 : memref<!tpu.dma_semaphore, #tpu.memory_space<semaphore_mem>>) src(%dma_wait3A_21 : memref<10000x128xf32, #tpu.memory_space<hbm>>) dst(%arg9 : memref<80x128xf32, #tpu.memory_space<vmem>>)
      %dma_wait3A_22 = arith.constant 0 : i32
      %dma_wait3A_23 = tpu.memref_slice %arg8[%scan3A_5, %dma_wait3A_22] : memref<125x80xi32, #tpu.memory_space<vmem>> -> memref<1x80xi32, #tpu.memory_space<vmem>>
      %dma_wait3A_24 = tpu.memref_squeeze %dma_wait3A_23 : memref<1x80xi32, #tpu.memory_space<vmem>> -> memref<80xi32, #tpu.memory_space<vmem>>
      %dma_wait3A_25 = arith.constant 0 : i32
      %dma_wait3A_26 = arith.constant 0 : i32
      %dma_wait3A_27 = tpu.memref_slice %arg2[%dma_wait3A_25, %dma_wait3A_26] : memref<10000x128xf32, #tpu.memory_space<hbm>> -> memref<10000x128xf32, #tpu.memory_space<hbm>>
      tpu.wait_indirect_dma semaphore(%arg12 : memref<!tpu.dma_semaphore, #tpu.memory_space<semaphore_mem>>) src(%dma_wait3A_27 : memref<10000x128xf32, #tpu.memory_space<hbm>>) dst(%arg10 : memref<80x128xf32, #tpu.memory_space<vmem>>)
      %mul3A_28 = arith.constant 10000 : i32
      %mul3A_29 = arith.muli %add3A, %mul3A_28 : i32
      %mul3A_30 = arith.constant 80 : i32
      %mul3A_31 = arith.muli %scan3A_5, %mul3A_30 : i32
      %add3A_32 = arith.addi %mul3A_29, %mul3A_31 : i32
      "tpu.region"() ({
        %run_scoped3A = tpu.sem_alloc : memref<!tpu.dma_semaphore, #tpu.memory_space<semaphore_mem>>
        %dma_start3A_33 = arith.constant 0 : i32
        %dma_start3A_34 = tpu.memref_slice %arg5[%add3A_32, %dma_start3A_33] : memref<320000x128xf32, #tpu.memory_space<hbm>> -> memref<80x128xf32, #tpu.memory_space<hbm>>
        %dma_start3A_35 = arith.constant 0 : i32
        %dma_start3A_36 = tpu.memref_slice %arg5[%add3A_32, %dma_start3A_35] : memref<320000x128xf32, #tpu.memory_space<hbm>> -> memref<80x128xf32, #tpu.memory_space<hbm>>
        tpu.enqueue_dma source(%arg9 : memref<80x128xf32, #tpu.memory_space<vmem>>) target(%dma_start3A_36 : memref<80x128xf32, #tpu.memory_space<hbm>>) target_semaphore(%run_scoped3A : memref<!tpu.dma_semaphore, #tpu.memory_space<semaphore_mem>>)
        %dma_wait3A_37 = arith.constant 0 : i32
        %dma_wait3A_38 = tpu.memref_slice %arg5[%add3A_32, %dma_wait3A_37] : memref<320000x128xf32, #tpu.memory_space<hbm>> -> memref<80x128xf32, #tpu.memory_space<hbm>>
        %dma_wait3A_39 = arith.constant 0 : i32
        %dma_wait3A_40 = tpu.memref_slice %arg5[%add3A_32, %dma_wait3A_39] : memref<320000x128xf32, #tpu.memory_space<hbm>> -> memref<80x128xf32, #tpu.memory_space<hbm>>
        tpu.wait_dma2 semaphore(%run_scoped3A : memref<!tpu.dma_semaphore, #tpu.memory_space<semaphore_mem>>) src(%arg9 : memref<80x128xf32, #tpu.memory_space<vmem>>) dst(%dma_wait3A_40 : memref<80x128xf32, #tpu.memory_space<hbm>>)
        tpu.yield
      }) : () -> ()
      "tpu.region"() ({
        %run_scoped3A = tpu.sem_alloc : memref<!tpu.dma_semaphore, #tpu.memory_space<semaphore_mem>>
        %dma_start3A_33 = arith.constant 0 : i32
        %dma_start3A_34 = tpu.memref_slice %arg6[%add3A_32, %dma_start3A_33] : memref<320000x128xf32, #tpu.memory_space<hbm>> -> memref<80x128xf32, #tpu.memory_space<hbm>>
        %dma_start3A_35 = arith.constant 0 : i32
        %dma_start3A_36 = tpu.memref_slice %arg6[%add3A_32, %dma_start3A_35] : memref<320000x128xf32, #tpu.memory_space<hbm>> -> memref<80x128xf32, #tpu.memory_space<hbm>>
        tpu.enqueue_dma source(%arg10 : memref<80x128xf32, #tpu.memory_space<vmem>>) target(%dma_start3A_36 : memref<80x128xf32, #tpu.memory_space<hbm>>) target_semaphore(%run_scoped3A : memref<!tpu.dma_semaphore, #tpu.memory_space<semaphore_mem>>)
        %dma_wait3A_37 = arith.constant 0 : i32
        %dma_wait3A_38 = tpu.memref_slice %arg6[%add3A_32, %dma_wait3A_37] : memref<320000x128xf32, #tpu.memory_space<hbm>> -> memref<80x128xf32, #tpu.memory_space<hbm>>
        %dma_wait3A_39 = arith.constant 0 : i32
        %dma_wait3A_40 = tpu.memref_slice %arg6[%add3A_32, %dma_wait3A_39] : memref<320000x128xf32, #tpu.memory_space<hbm>> -> memref<80x128xf32, #tpu.memory_space<hbm>>
        tpu.wait_dma2 semaphore(%run_scoped3A : memref<!tpu.dma_semaphore, #tpu.memory_space<semaphore_mem>>) src(%arg10 : memref<80x128xf32, #tpu.memory_space<vmem>>) dst(%dma_wait3A_40 : memref<80x128xf32, #tpu.memory_space<hbm>>)
        tpu.yield
      }) : () -> ()
    }
    %scan3A_4 = arith.constant 125 : i32
    return
  }
}

#map = affine_map<(d0, d1) -> (0, 0)>
#map1 = affine_map<(d0, d1) -> (0, 0, 0)>
module attributes {stable_mosaic.version = 14 : i64} {
  func.func @_gather_body(%arg0: i32, %arg1: i32, %arg2: memref<10000x128xf32, #tpu.memory_space<hbm>>, %arg3: memref<32x125x80xi32, #tpu.memory_space<hbm>>, %arg4: memref<32x125x80xi32, #tpu.memory_space<hbm>>, %arg5: memref<320000x128xf32, #tpu.memory_space<hbm>>, %arg6: memref<320000x128xf32, #tpu.memory_space<hbm>>, %arg7: memref<125x80xi32, #tpu.memory_space<vmem>>, %arg8: memref<125x80xi32, #tpu.memory_space<vmem>>, %arg9: memref<80x128xf32, #tpu.memory_space<vmem>>, %arg10: memref<80x128xf32, #tpu.memory_space<vmem>>, %arg11: memref<!tpu.dma_semaphore, #tpu.memory_space<semaphore_mem>>, %arg12: memref<!tpu.dma_semaphore, #tpu.memory_space<semaphore_mem>>) attributes {dimension_semantics = [#tpu.dimension_semantics<core_parallel>, #tpu.dimension_semantics<subcore_parallel>], iteration_bounds = array<i64: 2, 16>, scalar_prefetch = 0 : i64, scratch_operands = 6 : i64, tpu.core_type = #tpu.core_type<sc_vector_subcore>, window_params = [{transform_indices = #map}, {transform_indices = #map1}, {transform_indices = #map1}, {transform_indices = #map}, {transform_indices = #map}]} {
    %mul3A = arith.constant 2 : i32
    %mul3A_0 = arith.muli %arg1, %mul3A : i32
    %add3A = arith.addi %mul3A_0, %arg0 : i32
    "tpu.region"() ({
      %run_scoped3A = tpu.sem_alloc : memref<!tpu.dma_semaphore, #tpu.memory_space<semaphore_mem>>
      %dma_start3A = arith.constant 0 : i32
      %dma_start3A_5 = arith.constant 0 : i32
      %dma_start3A_6 = tpu.memref_slice %arg3[%add3A, %dma_start3A, %dma_start3A_5] : memref<32x125x80xi32, #tpu.memory_space<hbm>> -> memref<1x125x80xi32, #tpu.memory_space<hbm>>
      %dma_start3A_7 = tpu.memref_squeeze %dma_start3A_6 : memref<1x125x80xi32, #tpu.memory_space<hbm>> -> memref<125x80xi32, #tpu.memory_space<hbm>>
      %dma_start3A_8 = arith.constant 0 : i32
      %dma_start3A_9 = arith.constant 0 : i32
      %dma_start3A_10 = tpu.memref_slice %arg3[%add3A, %dma_start3A_8, %dma_start3A_9] : memref<32x125x80xi32, #tpu.memory_space<hbm>> -> memref<1x125x80xi32, #tpu.memory_space<hbm>>
      %dma_start3A_11 = tpu.memref_squeeze %dma_start3A_10 : memref<1x125x80xi32, #tpu.memory_space<hbm>> -> memref<125x80xi32, #tpu.memory_space<hbm>>
      tpu.enqueue_dma source(%dma_start3A_11 : memref<125x80xi32, #tpu.memory_space<hbm>>) target(%arg7 : memref<125x80xi32, #tpu.memory_space<vmem>>) target_semaphore(%run_scoped3A : memref<!tpu.dma_semaphore, #tpu.memory_space<semaphore_mem>>)
      %dma_wait3A = arith.constant 0 : i32
      %dma_wait3A_12 = arith.constant 0 : i32
      %dma_wait3A_13 = tpu.memref_slice %arg3[%add3A, %dma_wait3A, %dma_wait3A_12] : memref<32x125x80xi32, #tpu.memory_space<hbm>> -> memref<1x125x80xi32, #tpu.memory_space<hbm>>
      %dma_wait3A_14 = tpu.memref_squeeze %dma_wait3A_13 : memref<1x125x80xi32, #tpu.memory_space<hbm>> -> memref<125x80xi32, #tpu.memory_space<hbm>>
      %dma_wait3A_15 = arith.constant 0 : i32
      %dma_wait3A_16 = arith.constant 0 : i32
      %dma_wait3A_17 = tpu.memref_slice %arg3[%add3A, %dma_wait3A_15, %dma_wait3A_16] : memref<32x125x80xi32, #tpu.memory_space<hbm>> -> memref<1x125x80xi32, #tpu.memory_space<hbm>>
      %dma_wait3A_18 = tpu.memref_squeeze %dma_wait3A_17 : memref<1x125x80xi32, #tpu.memory_space<hbm>> -> memref<125x80xi32, #tpu.memory_space<hbm>>
      tpu.wait_dma2 semaphore(%run_scoped3A : memref<!tpu.dma_semaphore, #tpu.memory_space<semaphore_mem>>) src(%dma_wait3A_18 : memref<125x80xi32, #tpu.memory_space<hbm>>) dst(%arg7 : memref<125x80xi32, #tpu.memory_space<vmem>>)
      tpu.yield
    }) : () -> ()
    "tpu.region"() ({
      %run_scoped3A = tpu.sem_alloc : memref<!tpu.dma_semaphore, #tpu.memory_space<semaphore_mem>>
      %dma_start3A = arith.constant 0 : i32
      %dma_start3A_5 = arith.constant 0 : i32
      %dma_start3A_6 = tpu.memref_slice %arg4[%add3A, %dma_start3A, %dma_start3A_5] : memref<32x125x80xi32, #tpu.memory_space<hbm>> -> memref<1x125x80xi32, #tpu.memory_space<hbm>>
      %dma_start3A_7 = tpu.memref_squeeze %dma_start3A_6 : memref<1x125x80xi32, #tpu.memory_space<hbm>> -> memref<125x80xi32, #tpu.memory_space<hbm>>
      %dma_start3A_8 = arith.constant 0 : i32
      %dma_start3A_9 = arith.constant 0 : i32
      %dma_start3A_10 = tpu.memref_slice %arg4[%add3A, %dma_start3A_8, %dma_start3A_9] : memref<32x125x80xi32, #tpu.memory_space<hbm>> -> memref<1x125x80xi32, #tpu.memory_space<hbm>>
      %dma_start3A_11 = tpu.memref_squeeze %dma_start3A_10 : memref<1x125x80xi32, #tpu.memory_space<hbm>> -> memref<125x80xi32, #tpu.memory_space<hbm>>
      tpu.enqueue_dma source(%dma_start3A_11 : memref<125x80xi32, #tpu.memory_space<hbm>>) target(%arg8 : memref<125x80xi32, #tpu.memory_space<vmem>>) target_semaphore(%run_scoped3A : memref<!tpu.dma_semaphore, #tpu.memory_space<semaphore_mem>>)
      %dma_wait3A = arith.constant 0 : i32
      %dma_wait3A_12 = arith.constant 0 : i32
      %dma_wait3A_13 = tpu.memref_slice %arg4[%add3A, %dma_wait3A, %dma_wait3A_12] : memref<32x125x80xi32, #tpu.memory_space<hbm>> -> memref<1x125x80xi32, #tpu.memory_space<hbm>>
      %dma_wait3A_14 = tpu.memref_squeeze %dma_wait3A_13 : memref<1x125x80xi32, #tpu.memory_space<hbm>> -> memref<125x80xi32, #tpu.memory_space<hbm>>
      %dma_wait3A_15 = arith.constant 0 : i32
      %dma_wait3A_16 = arith.constant 0 : i32
      %dma_wait3A_17 = tpu.memref_slice %arg4[%add3A, %dma_wait3A_15, %dma_wait3A_16] : memref<32x125x80xi32, #tpu.memory_space<hbm>> -> memref<1x125x80xi32, #tpu.memory_space<hbm>>
      %dma_wait3A_18 = tpu.memref_squeeze %dma_wait3A_17 : memref<1x125x80xi32, #tpu.memory_space<hbm>> -> memref<125x80xi32, #tpu.memory_space<hbm>>
      tpu.wait_dma2 semaphore(%run_scoped3A : memref<!tpu.dma_semaphore, #tpu.memory_space<semaphore_mem>>) src(%dma_wait3A_18 : memref<125x80xi32, #tpu.memory_space<hbm>>) dst(%arg8 : memref<125x80xi32, #tpu.memory_space<vmem>>)
      tpu.yield
    }) : () -> ()
    %scan3A = arith.constant 0 : i32
    %scan3A_1 = arith.constant 125 : i32
    %scan3A_2 = arith.addi %scan3A, %scan3A_1 : i32
    %scan3A_3 = arith.constant 1 : i32
    scf.for %scan3A_5 = %scan3A to %scan3A_2 step %scan3A_3  : i32 {
      %dma_start3A = arith.constant 0 : i32
      %dma_start3A_6 = tpu.memref_slice %arg7[%scan3A_5, %dma_start3A] : memref<125x80xi32, #tpu.memory_space<vmem>> -> memref<1x80xi32, #tpu.memory_space<vmem>>
      %dma_start3A_7 = tpu.memref_squeeze %dma_start3A_6 : memref<1x80xi32, #tpu.memory_space<vmem>> -> memref<80xi32, #tpu.memory_space<vmem>>
      %dma_start3A_8 = arith.constant 0 : i32
      %dma_start3A_9 = arith.constant 0 : i32
      %dma_start3A_10 = tpu.memref_slice %arg2[%dma_start3A_8, %dma_start3A_9] : memref<10000x128xf32, #tpu.memory_space<hbm>> -> memref<10000x128xf32, #tpu.memory_space<hbm>>
      tpu.enqueue_indirect_dma source(%dma_start3A_10 : memref<10000x128xf32, #tpu.memory_space<hbm>>) target(%arg9 : memref<80x128xf32, #tpu.memory_space<vmem>>) offsets(%dma_start3A_7 : memref<80xi32, #tpu.memory_space<vmem>>) semaphore(%arg11 : memref<!tpu.dma_semaphore, #tpu.memory_space<semaphore_mem>>)
      %dma_start3A_11 = arith.constant 0 : i32
      %dma_start3A_12 = tpu.memref_slice %arg8[%scan3A_5, %dma_start3A_11] : memref<125x80xi32, #tpu.memory_space<vmem>> -> memref<1x80xi32, #tpu.memory_space<vmem>>
      %dma_start3A_13 = tpu.memref_squeeze %dma_start3A_12 : memref<1x80xi32, #tpu.memory_space<vmem>> -> memref<80xi32, #tpu.memory_space<vmem>>
      %dma_start3A_14 = arith.constant 0 : i32
      %dma_start3A_15 = arith.constant 0 : i32
      %dma_start3A_16 = tpu.memref_slice %arg2[%dma_start3A_14, %dma_start3A_15] : memref<10000x128xf32, #tpu.memory_space<hbm>> -> memref<10000x128xf32, #tpu.memory_space<hbm>>
      tpu.enqueue_indirect_dma source(%dma_start3A_16 : memref<10000x128xf32, #tpu.memory_space<hbm>>) target(%arg10 : memref<80x128xf32, #tpu.memory_space<vmem>>) offsets(%dma_start3A_13 : memref<80xi32, #tpu.memory_space<vmem>>) semaphore(%arg12 : memref<!tpu.dma_semaphore, #tpu.memory_space<semaphore_mem>>)
      %dma_wait3A = arith.constant 0 : i32
      %dma_wait3A_17 = tpu.memref_slice %arg7[%scan3A_5, %dma_wait3A] : memref<125x80xi32, #tpu.memory_space<vmem>> -> memref<1x80xi32, #tpu.memory_space<vmem>>
      %dma_wait3A_18 = tpu.memref_squeeze %dma_wait3A_17 : memref<1x80xi32, #tpu.memory_space<vmem>> -> memref<80xi32, #tpu.memory_space<vmem>>
      %dma_wait3A_19 = arith.constant 0 : i32
      %dma_wait3A_20 = arith.constant 0 : i32
      %dma_wait3A_21 = tpu.memref_slice %arg2[%dma_wait3A_19, %dma_wait3A_20] : memref<10000x128xf32, #tpu.memory_space<hbm>> -> memref<10000x128xf32, #tpu.memory_space<hbm>>
      tpu.wait_indirect_dma semaphore(%arg11 : memref<!tpu.dma_semaphore, #tpu.memory_space<semaphore_mem>>) src(%dma_wait3A_21 : memref<10000x128xf32, #tpu.memory_space<hbm>>) dst(%arg9 : memref<80x128xf32, #tpu.memory_space<vmem>>)
      %dma_wait3A_22 = arith.constant 0 : i32
      %dma_wait3A_23 = tpu.memref_slice %arg8[%scan3A_5, %dma_wait3A_22] : memref<125x80xi32, #tpu.memory_space<vmem>> -> memref<1x80xi32, #tpu.memory_space<vmem>>
      %dma_wait3A_24 = tpu.memref_squeeze %dma_wait3A_23 : memref<1x80xi32, #tpu.memory_space<vmem>> -> memref<80xi32, #tpu.memory_space<vmem>>
      %dma_wait3A_25 = arith.constant 0 : i32
      %dma_wait3A_26 = arith.constant 0 : i32
      %dma_wait3A_27 = tpu.memref_slice %arg2[%dma_wait3A_25, %dma_wait3A_26] : memref<10000x128xf32, #tpu.memory_space<hbm>> -> memref<10000x128xf32, #tpu.memory_space<hbm>>
      tpu.wait_indirect_dma semaphore(%arg12 : memref<!tpu.dma_semaphore, #tpu.memory_space<semaphore_mem>>) src(%dma_wait3A_27 : memref<10000x128xf32, #tpu.memory_space<hbm>>) dst(%arg10 : memref<80x128xf32, #tpu.memory_space<vmem>>)
      %mul3A_28 = arith.constant 10000 : i32
      %mul3A_29 = arith.muli %add3A, %mul3A_28 : i32
      %mul3A_30 = arith.constant 80 : i32
      %mul3A_31 = arith.muli %scan3A_5, %mul3A_30 : i32
      %add3A_32 = arith.addi %mul3A_29, %mul3A_31 : i32
      "tpu.region"() ({
        %run_scoped3A = tpu.sem_alloc : memref<!tpu.dma_semaphore, #tpu.memory_space<semaphore_mem>>
        %dma_start3A_33 = arith.constant 0 : i32
        %dma_start3A_34 = tpu.memref_slice %arg5[%add3A_32, %dma_start3A_33] : memref<320000x128xf32, #tpu.memory_space<hbm>> -> memref<80x128xf32, #tpu.memory_space<hbm>>
        %dma_start3A_35 = arith.constant 0 : i32
        %dma_start3A_36 = tpu.memref_slice %arg5[%add3A_32, %dma_start3A_35] : memref<320000x128xf32, #tpu.memory_space<hbm>> -> memref<80x128xf32, #tpu.memory_space<hbm>>
        tpu.enqueue_dma source(%arg9 : memref<80x128xf32, #tpu.memory_space<vmem>>) target(%dma_start3A_36 : memref<80x128xf32, #tpu.memory_space<hbm>>) target_semaphore(%run_scoped3A : memref<!tpu.dma_semaphore, #tpu.memory_space<semaphore_mem>>)
        %dma_wait3A_37 = arith.constant 0 : i32
        %dma_wait3A_38 = tpu.memref_slice %arg5[%add3A_32, %dma_wait3A_37] : memref<320000x128xf32, #tpu.memory_space<hbm>> -> memref<80x128xf32, #tpu.memory_space<hbm>>
        %dma_wait3A_39 = arith.constant 0 : i32
        %dma_wait3A_40 = tpu.memref_slice %arg5[%add3A_32, %dma_wait3A_39] : memref<320000x128xf32, #tpu.memory_space<hbm>> -> memref<80x128xf32, #tpu.memory_space<hbm>>
        tpu.wait_dma2 semaphore(%run_scoped3A : memref<!tpu.dma_semaphore, #tpu.memory_space<semaphore_mem>>) src(%arg9 : memref<80x128xf32, #tpu.memory_space<vmem>>) dst(%dma_wait3A_40 : memref<80x128xf32, #tpu.memory_space<hbm>>)
        tpu.yield
      }) : () -> ()
      "tpu.region"() ({
        %run_scoped3A = tpu.sem_alloc : memref<!tpu.dma_semaphore, #tpu.memory_space<semaphore_mem>>
        %dma_start3A_33 = arith.constant 0 : i32
        %dma_start3A_34 = tpu.memref_slice %arg6[%add3A_32, %dma_start3A_33] : memref<320000x128xf32, #tpu.memory_space<hbm>> -> memref<80x128xf32, #tpu.memory_space<hbm>>
        %dma_start3A_35 = arith.constant 0 : i32
        %dma_start3A_36 = tpu.memref_slice %arg6[%add3A_32, %dma_start3A_35] : memref<320000x128xf32, #tpu.memory_space<hbm>> -> memref<80x128xf32, #tpu.memory_space<hbm>>
        tpu.enqueue_dma source(%arg10 : memref<80x128xf32, #tpu.memory_space<vmem>>) target(%dma_start3A_36 : memref<80x128xf32, #tpu.memory_space<hbm>>) target_semaphore(%run_scoped3A : memref<!tpu.dma_semaphore, #tpu.memory_space<semaphore_mem>>)
        %dma_wait3A_37 = arith.constant 0 : i32
        %dma_wait3A_38 = tpu.memref_slice %arg6[%add3A_32, %dma_wait3A_37] : memref<320000x128xf32, #tpu.memory_space<hbm>> -> memref<80x128xf32, #tpu.memory_space<hbm>>
        %dma_wait3A_39 = arith.constant 0 : i32
        %dma_wait3A_40 = tpu.memref_slice %arg6[%add3A_32, %dma_wait3A_39] : memref<320000x128xf32, #tpu.memory_space<hbm>> -> memref<80x128xf32, #tpu.memory_space<hbm>>
        tpu.wait_dma2 semaphore(%run_scoped3A : memref<!tpu.dma_semaphore, #tpu.memory_space<semaphore_mem>>) src(%arg10 : memref<80x128xf32, #tpu.memory_space<vmem>>) dst(%dma_wait3A_40 : memref<80x128xf32, #tpu.memory_space<hbm>>)
        tpu.yield
      }) : () -> ()
    }
    %scan3A_4 = arith.constant 125 : i32
    return
  }
}

#map = affine_map<(d0, d1) -> (0, 0)>
#map1 = affine_map<(d0, d1) -> (0, 0, 0)>
module attributes {stable_mosaic.version = 14 : i64} {
  func.func @_scatter_body(%arg0: i32, %arg1: i32, %arg2: memref<320000x128xf32, #tpu.memory_space<hbm>>, %arg3: memref<32x125x80xi32, #tpu.memory_space<hbm>>, %arg4: memref<10240x128xf32, #tpu.memory_space<hbm>>, %arg5: memref<2x10240x128xf32, #tpu.memory_space<hbm>>, %arg6: memref<125x80xi32, #tpu.memory_space<vmem>>, %arg7: memref<80x128xf32, #tpu.memory_space<vmem>>, %arg8: memref<10240x128xf32, #tpu.memory_space<vmem_shared>>, %arg9: memref<!tpu.dma_semaphore, #tpu.memory_space<semaphore_mem>>) attributes {dimension_semantics = [#tpu.dimension_semantics<core_parallel>, #tpu.dimension_semantics<subcore_parallel>], iteration_bounds = array<i64: 2, 16>, scalar_prefetch = 0 : i64, scratch_operands = 4 : i64, tpu.core_type = #tpu.core_type<sc_vector_subcore>, window_params = [{transform_indices = #map}, {transform_indices = #map1}, {transform_indices = #map}, {transform_indices = #map1}]} {
    %mul3A = arith.constant 2 : i32
    %mul3A_0 = arith.muli %arg1, %mul3A : i32
    %add3A = arith.addi %mul3A_0, %arg0 : i32
    "tpu.region"() ({
      %run_scoped3A = tpu.sem_alloc : memref<!tpu.dma_semaphore, #tpu.memory_space<semaphore_mem>>
      %dma_start3A = arith.constant 0 : i32
      %dma_start3A_8 = arith.constant 0 : i32
      %dma_start3A_9 = tpu.memref_slice %arg3[%add3A, %dma_start3A, %dma_start3A_8] : memref<32x125x80xi32, #tpu.memory_space<hbm>> -> memref<1x125x80xi32, #tpu.memory_space<hbm>>
      %dma_start3A_10 = tpu.memref_squeeze %dma_start3A_9 : memref<1x125x80xi32, #tpu.memory_space<hbm>> -> memref<125x80xi32, #tpu.memory_space<hbm>>
      %dma_start3A_11 = arith.constant 0 : i32
      %dma_start3A_12 = arith.constant 0 : i32
      %dma_start3A_13 = tpu.memref_slice %arg3[%add3A, %dma_start3A_11, %dma_start3A_12] : memref<32x125x80xi32, #tpu.memory_space<hbm>> -> memref<1x125x80xi32, #tpu.memory_space<hbm>>
      %dma_start3A_14 = tpu.memref_squeeze %dma_start3A_13 : memref<1x125x80xi32, #tpu.memory_space<hbm>> -> memref<125x80xi32, #tpu.memory_space<hbm>>
      tpu.enqueue_dma source(%dma_start3A_14 : memref<125x80xi32, #tpu.memory_space<hbm>>) target(%arg6 : memref<125x80xi32, #tpu.memory_space<vmem>>) target_semaphore(%run_scoped3A : memref<!tpu.dma_semaphore, #tpu.memory_space<semaphore_mem>>)
      %dma_wait3A = arith.constant 0 : i32
      %dma_wait3A_15 = arith.constant 0 : i32
      %dma_wait3A_16 = tpu.memref_slice %arg3[%add3A, %dma_wait3A, %dma_wait3A_15] : memref<32x125x80xi32, #tpu.memory_space<hbm>> -> memref<1x125x80xi32, #tpu.memory_space<hbm>>
      %dma_wait3A_17 = tpu.memref_squeeze %dma_wait3A_16 : memref<1x125x80xi32, #tpu.memory_space<hbm>> -> memref<125x80xi32, #tpu.memory_space<hbm>>
      %dma_wait3A_18 = arith.constant 0 : i32
      %dma_wait3A_19 = arith.constant 0 : i32
      %dma_wait3A_20 = tpu.memref_slice %arg3[%add3A, %dma_wait3A_18, %dma_wait3A_19] : memref<32x125x80xi32, #tpu.memory_space<hbm>> -> memref<1x125x80xi32, #tpu.memory_space<hbm>>
      %dma_wait3A_21 = tpu.memref_squeeze %dma_wait3A_20 : memref<1x125x80xi32, #tpu.memory_space<hbm>> -> memref<125x80xi32, #tpu.memory_space<hbm>>
      tpu.wait_dma2 semaphore(%run_scoped3A : memref<!tpu.dma_semaphore, #tpu.memory_space<semaphore_mem>>) src(%dma_wait3A_21 : memref<125x80xi32, #tpu.memory_space<hbm>>) dst(%arg6 : memref<125x80xi32, #tpu.memory_space<vmem>>)
      tpu.yield
    }) : () -> ()
    %mul3A_1 = arith.constant 640 : i32
    %mul3A_2 = arith.muli %arg1, %mul3A_1 : i32
    "tpu.region"() ({
      %run_scoped3A = tpu.sem_alloc : memref<!tpu.dma_semaphore, #tpu.memory_space<semaphore_mem>>
      %dma_start3A = arith.constant 0 : i32
      %dma_start3A_8 = tpu.memref_slice %arg8[%mul3A_2, %dma_start3A] : memref<10240x128xf32, #tpu.memory_space<vmem_shared>> -> memref<640x128xf32, #tpu.memory_space<vmem_shared>>
      %dma_start3A_9 = arith.constant 0 : i32
      %dma_start3A_10 = tpu.memref_slice %arg4[%mul3A_2, %dma_start3A_9] : memref<10240x128xf32, #tpu.memory_space<hbm>> -> memref<640x128xf32, #tpu.memory_space<hbm>>
      tpu.enqueue_dma source(%dma_start3A_10 : memref<640x128xf32, #tpu.memory_space<hbm>>) target(%dma_start3A_8 : memref<640x128xf32, #tpu.memory_space<vmem_shared>>) target_semaphore(%run_scoped3A : memref<!tpu.dma_semaphore, #tpu.memory_space<semaphore_mem>>)
      %dma_wait3A = arith.constant 0 : i32
      %dma_wait3A_11 = tpu.memref_slice %arg8[%mul3A_2, %dma_wait3A] : memref<10240x128xf32, #tpu.memory_space<vmem_shared>> -> memref<640x128xf32, #tpu.memory_space<vmem_shared>>
      %dma_wait3A_12 = arith.constant 0 : i32
      %dma_wait3A_13 = tpu.memref_slice %arg4[%mul3A_2, %dma_wait3A_12] : memref<10240x128xf32, #tpu.memory_space<hbm>> -> memref<640x128xf32, #tpu.memory_space<hbm>>
      tpu.wait_dma2 semaphore(%run_scoped3A : memref<!tpu.dma_semaphore, #tpu.memory_space<semaphore_mem>>) src(%dma_wait3A_13 : memref<640x128xf32, #tpu.memory_space<hbm>>) dst(%dma_wait3A_11 : memref<640x128xf32, #tpu.memory_space<vmem_shared>>)
      tpu.yield
    }) : () -> ()
    %barrier3A = arith.constant 0 : index
    tpu.barrier barrier_id(%barrier3A)
    %scan3A = arith.constant 0 : i32
    %scan3A_3 = arith.constant 125 : i32
    %scan3A_4 = arith.addi %scan3A, %scan3A_3 : i32
    %scan3A_5 = arith.constant 1 : i32
    scf.for %scan3A_8 = %scan3A to %scan3A_4 step %scan3A_5  : i32 {
      %mul3A_9 = arith.constant 10000 : i32
      %mul3A_10 = arith.muli %add3A, %mul3A_9 : i32
      %mul3A_11 = arith.constant 80 : i32
      %mul3A_12 = arith.muli %scan3A_8, %mul3A_11 : i32
      %add3A_13 = arith.addi %mul3A_10, %mul3A_12 : i32
      %dma_start3A = arith.constant 0 : i32
      %dma_start3A_14 = tpu.memref_slice %arg2[%add3A_13, %dma_start3A] : memref<320000x128xf32, #tpu.memory_space<hbm>> -> memref<80x128xf32, #tpu.memory_space<hbm>>
      %dma_start3A_15 = arith.constant 0 : i32
      %dma_start3A_16 = tpu.memref_slice %arg2[%add3A_13, %dma_start3A_15] : memref<320000x128xf32, #tpu.memory_space<hbm>> -> memref<80x128xf32, #tpu.memory_space<hbm>>
      tpu.enqueue_dma source(%dma_start3A_16 : memref<80x128xf32, #tpu.memory_space<hbm>>) target(%arg7 : memref<80x128xf32, #tpu.memory_space<vmem>>) target_semaphore(%arg9 : memref<!tpu.dma_semaphore, #tpu.memory_space<semaphore_mem>>)
      %dma_wait3A = arith.constant 0 : i32
      %dma_wait3A_17 = tpu.memref_slice %arg2[%add3A_13, %dma_wait3A] : memref<320000x128xf32, #tpu.memory_space<hbm>> -> memref<80x128xf32, #tpu.memory_space<hbm>>
      %dma_wait3A_18 = arith.constant 0 : i32
      %dma_wait3A_19 = tpu.memref_slice %arg2[%add3A_13, %dma_wait3A_18] : memref<320000x128xf32, #tpu.memory_space<hbm>> -> memref<80x128xf32, #tpu.memory_space<hbm>>
      tpu.wait_dma2 semaphore(%arg9 : memref<!tpu.dma_semaphore, #tpu.memory_space<semaphore_mem>>) src(%dma_wait3A_19 : memref<80x128xf32, #tpu.memory_space<hbm>>) dst(%arg7 : memref<80x128xf32, #tpu.memory_space<vmem>>)
      "tpu.region"() ({
        %run_scoped3A = tpu.sem_alloc : memref<!tpu.dma_semaphore, #tpu.memory_space<semaphore_mem>>
        %dma_start3A_20 = arith.constant 0 : i32
        %dma_start3A_21 = tpu.memref_slice %arg6[%scan3A_8, %dma_start3A_20] : memref<125x80xi32, #tpu.memory_space<vmem>> -> memref<1x80xi32, #tpu.memory_space<vmem>>
        %dma_start3A_22 = tpu.memref_squeeze %dma_start3A_21 : memref<1x80xi32, #tpu.memory_space<vmem>> -> memref<80xi32, #tpu.memory_space<vmem>>
        %dma_start3A_23 = arith.constant 0 : i32
        %dma_start3A_24 = arith.constant 0 : i32
        %dma_start3A_25 = tpu.memref_slice %arg8[%dma_start3A_23, %dma_start3A_24] : memref<10240x128xf32, #tpu.memory_space<vmem_shared>> -> memref<10240x128xf32, #tpu.memory_space<vmem_shared>>
        tpu.enqueue_indirect_dma source(%arg7 : memref<80x128xf32, #tpu.memory_space<vmem>>) target(%dma_start3A_25 : memref<10240x128xf32, #tpu.memory_space<vmem_shared>>) offsets(%dma_start3A_22 : memref<80xi32, #tpu.memory_space<vmem>>) semaphore(%run_scoped3A : memref<!tpu.dma_semaphore, #tpu.memory_space<semaphore_mem>>) {add = true}
        %dma_wait3A_26 = arith.constant 0 : i32
        %dma_wait3A_27 = tpu.memref_slice %arg6[%scan3A_8, %dma_wait3A_26] : memref<125x80xi32, #tpu.memory_space<vmem>> -> memref<1x80xi32, #tpu.memory_space<vmem>>
        %dma_wait3A_28 = tpu.memref_squeeze %dma_wait3A_27 : memref<1x80xi32, #tpu.memory_space<vmem>> -> memref<80xi32, #tpu.memory_space<vmem>>
        %dma_wait3A_29 = arith.constant 0 : i32
        %dma_wait3A_30 = arith.constant 0 : i32
        %dma_wait3A_31 = tpu.memref_slice %arg8[%dma_wait3A_29, %dma_wait3A_30] : memref<10240x128xf32, #tpu.memory_space<vmem_shared>> -> memref<10240x128xf32, #tpu.memory_space<vmem_shared>>
        tpu.wait_indirect_dma semaphore(%run_scoped3A : memref<!tpu.dma_semaphore, #tpu.memory_space<semaphore_mem>>) src(%arg7 : memref<80x128xf32, #tpu.memory_space<vmem>>) dst(%dma_wait3A_31 : memref<10240x128xf32, #tpu.memory_space<vmem_shared>>)
        tpu.yield
      }) : () -> ()
    }
    %scan3A_6 = arith.constant 125 : i32
    %barrier3A_7 = arith.constant 0 : index
    tpu.barrier barrier_id(%barrier3A_7)
    "tpu.region"() ({
      %run_scoped3A = tpu.sem_alloc : memref<!tpu.dma_semaphore, #tpu.memory_space<semaphore_mem>>
      %dma_start3A = arith.constant 0 : i32
      %dma_start3A_8 = tpu.memref_slice %arg5[%arg0, %mul3A_2, %dma_start3A] : memref<2x10240x128xf32, #tpu.memory_space<hbm>> -> memref<1x640x128xf32, #tpu.memory_space<hbm>>
      %dma_start3A_9 = tpu.memref_squeeze %dma_start3A_8 : memref<1x640x128xf32, #tpu.memory_space<hbm>> -> memref<640x128xf32, #tpu.memory_space<hbm>>
      %dma_start3A_10 = arith.constant 0 : i32
      %dma_start3A_11 = tpu.memref_slice %arg8[%mul3A_2, %dma_start3A_10] : memref<10240x128xf32, #tpu.memory_space<vmem_shared>> -> memref<640x128xf32, #tpu.memory_space<vmem_shared>>
      tpu.enqueue_dma source(%dma_start3A_11 : memref<640x128xf32, #tpu.memory_space<vmem_shared>>) target(%dma_start3A_9 : memref<640x128xf32, #tpu.memory_space<hbm>>) target_semaphore(%run_scoped3A : memref<!tpu.dma_semaphore, #tpu.memory_space<semaphore_mem>>)
      %dma_wait3A = arith.constant 0 : i32
      %dma_wait3A_12 = tpu.memref_slice %arg5[%arg0, %mul3A_2, %dma_wait3A] : memref<2x10240x128xf32, #tpu.memory_space<hbm>> -> memref<1x640x128xf32, #tpu.memory_space<hbm>>
      %dma_wait3A_13 = tpu.memref_squeeze %dma_wait3A_12 : memref<1x640x128xf32, #tpu.memory_space<hbm>> -> memref<640x128xf32, #tpu.memory_space<hbm>>
      %dma_wait3A_14 = arith.constant 0 : i32
      %dma_wait3A_15 = tpu.memref_slice %arg8[%mul3A_2, %dma_wait3A_14] : memref<10240x128xf32, #tpu.memory_space<vmem_shared>> -> memref<640x128xf32, #tpu.memory_space<vmem_shared>>
      tpu.wait_dma2 semaphore(%run_scoped3A : memref<!tpu.dma_semaphore, #tpu.memory_space<semaphore_mem>>) src(%dma_wait3A_15 : memref<640x128xf32, #tpu.memory_space<vmem_shared>>) dst(%dma_wait3A_13 : memref<640x128xf32, #tpu.memory_space<hbm>>)
      tpu.yield
    }) : () -> ()
    return
  }
}

module attributes {stable_mosaic.version = 14 : i64} {
  func.func @_embed_body(%arg0: i32, %arg1: memref<2000x128xf32, #tpu.memory_space<vmem>>, %arg2: memref<2000x16xf32, #tpu.memory_space<vmem>>, %arg3: memref<144x128xf32, #tpu.memory_space<vmem>>, %arg4: memref<2000x128xf32, #tpu.memory_space<vmem>>) attributes {dimension_semantics = [#tpu.dimension_semantics<arbitrary>], iteration_bounds = array<i64: 5>, scalar_prefetch = 0 : i64, scratch_operands = 0 : i64, tpu.core_type = #tpu.core_type<tc>, window_params = [{transform_indices = @transform_0, window_bounds = array<i64: 2000, 128>}, {transform_indices = @transform_1, window_bounds = array<i64: 2000, 16>}, {pipeline_mode = #tpu.pipeline_mode<synchronous>, transform_indices = @transform_2, window_bounds = array<i64: 144, 128>}, {transform_indices = @transform_3, window_bounds = array<i64: 2000, 128>}]} {
    %get3A = arith.constant 0 : index
    %get3A_0 = arith.constant 0 : index
    %get3A_1 = vector.load %arg1[%get3A, %get3A_0] : memref<2000x128xf32, #tpu.memory_space<vmem>>, vector<2000x128xf32>
    %get3A_2 = arith.constant 0 : index
    %get3A_3 = arith.constant 0 : index
    %get3A_4 = vector.load %arg3[%get3A_2, %get3A_3] : memref<144x128xf32, #tpu.memory_space<vmem>>, vector<128x128xf32>
    %dot_general3A = arith.constant dense<0.000000e+00> : vector<2000x128xf32>
    %dot_general3A_5 = tpu.matmul %get3A_1, %get3A_4, %dot_general3A {dimension_numbers = #tpu.dot_dimension_numbers<[1], [0], [0], [1], [0, 0, 1, 1], [], []>, transpose_lhs_hint = false} : vector<2000x128xf32>, vector<128x128xf32>, vector<2000x128xf32> -> vector<2000x128xf32>
    %get3A_6 = arith.constant 0 : index
    %get3A_7 = arith.constant 0 : index
    %get3A_8 = vector.load %arg2[%get3A_6, %get3A_7] : memref<2000x16xf32, #tpu.memory_space<vmem>>, vector<2000x16xf32>
    %get3A_9 = arith.constant 128 : index
    %get3A_10 = arith.constant 0 : index
    %get3A_11 = vector.load %arg3[%get3A_9, %get3A_10] : memref<144x128xf32, #tpu.memory_space<vmem>>, vector<16x128xf32>
    %dot_general3A_12 = arith.constant dense<0.000000e+00> : vector<2000x128xf32>
    %dot_general3A_13 = tpu.matmul %get3A_8, %get3A_11, %dot_general3A_12 {dimension_numbers = #tpu.dot_dimension_numbers<[1], [0], [0], [1], [0, 0, 1, 1], [], []>, transpose_lhs_hint = false} : vector<2000x16xf32>, vector<16x128xf32>, vector<2000x128xf32> -> vector<2000x128xf32>
    %add3A = arith.addf %dot_general3A_5, %dot_general3A_13 : vector<2000x128xf32>
    %swap3A = arith.constant 0 : index
    %swap3A_14 = arith.constant 0 : index
    %swap3A_15 = vector.load %arg4[%swap3A, %swap3A_14] : memref<2000x128xf32, #tpu.memory_space<vmem>>, vector<2000x128xf32>
    tpu.vector_store %arg4[%swap3A, %swap3A_14], %add3A {strides = array<i32>} : memref<2000x128xf32, #tpu.memory_space<vmem>>, vector<2000x128xf32>,
    return
  }
  func.func @transform_0(%arg0: i32) -> (i32, i32) {
    %c0_i32 = arith.constant 0 : i32
    %c0_i32_0 = arith.constant 0 : i32
    return %arg0, %c0_i32 : i32, i32
  }
  func.func @transform_1(%arg0: i32) -> (i32, i32) {
    %c0_i32 = arith.constant 0 : i32
    %c0_i32_0 = arith.constant 0 : i32
    return %arg0, %c0_i32 : i32, i32
  }
  func.func @transform_2(%arg0: i32) -> (i32, i32) {
    %c0_i32 = arith.constant 0 : i32
    %c0_i32_0 = arith.constant 0 : i32
    %c0_i32_1 = arith.constant 0 : i32
    return %c0_i32, %c0_i32_0 : i32, i32
  }
  func.func @transform_3(%arg0: i32) -> (i32, i32) {
    %c0_i32 = arith.constant 0 : i32
    %c0_i32_0 = arith.constant 0 : i32
    return %arg0, %c0_i32 : i32, i32
  }
}

module attributes {stable_mosaic.version = 14 : i64} {
  func.func @_edge_mlp_body(%arg0: i32, %arg1: memref<4000x128xf32, #tpu.memory_space<vmem>>, %arg2: memref<4000x128xf32, #tpu.memory_space<vmem>>, %arg3: memref<4000x16xf32, #tpu.memory_space<vmem>>, %arg4: memref<4000x16xf32, #tpu.memory_space<vmem>>, %arg5: memref<288x256xf32, #tpu.memory_space<vmem>>, %arg6: memref<144x256xf32, #tpu.memory_space<vmem>>, %arg7: memref<4000x128xf32, #tpu.memory_space<vmem>>) attributes {dimension_semantics = [#tpu.dimension_semantics<arbitrary>], iteration_bounds = array<i64: 80>, scalar_prefetch = 0 : i64, scratch_operands = 0 : i64, tpu.core_type = #tpu.core_type<tc>, window_params = [{transform_indices = @transform_0, window_bounds = array<i64: 4000, 128>}, {transform_indices = @transform_1, window_bounds = array<i64: 4000, 128>}, {transform_indices = @transform_2, window_bounds = array<i64: 4000, 16>}, {transform_indices = @transform_3, window_bounds = array<i64: 4000, 16>}, {pipeline_mode = #tpu.pipeline_mode<synchronous>, transform_indices = @transform_4, window_bounds = array<i64: 288, 256>}, {pipeline_mode = #tpu.pipeline_mode<synchronous>, transform_indices = @transform_5, window_bounds = array<i64: 144, 256>}, {transform_indices = @transform_6, window_bounds = array<i64: 4000, 128>}]} {
    %get3A = arith.constant 0 : index
    %get3A_0 = arith.constant 0 : index
    %get3A_1 = vector.load %arg4[%get3A, %get3A_0] : memref<4000x16xf32, #tpu.memory_space<vmem>>, vector<4000x16xf32>
    %get3A_2 = arith.constant 0 : index
    %get3A_3 = arith.constant 0 : index
    %get3A_4 = vector.load %arg1[%get3A_2, %get3A_3] : memref<4000x128xf32, #tpu.memory_space<vmem>>, vector<4000x128xf32>
    %get3A_5 = arith.constant 0 : index
    %get3A_6 = arith.constant 0 : index
    %get3A_7 = vector.load %arg5[%get3A_5, %get3A_6] : memref<288x256xf32, #tpu.memory_space<vmem>>, vector<128x256xf32>
    %dot_general3A = arith.constant dense<0.000000e+00> : vector<4000x256xf32>
    %dot_general3A_8 = tpu.matmul %get3A_4, %get3A_7, %dot_general3A {dimension_numbers = #tpu.dot_dimension_numbers<[1], [0], [0], [1], [0, 0, 1, 1], [], []>, transpose_lhs_hint = false} : vector<4000x128xf32>, vector<128x256xf32>, vector<4000x256xf32> -> vector<4000x256xf32>
    %get3A_9 = arith.constant 0 : index
    %get3A_10 = arith.constant 0 : index
    %get3A_11 = vector.load %arg2[%get3A_9, %get3A_10] : memref<4000x128xf32, #tpu.memory_space<vmem>>, vector<4000x128xf32>
    %get3A_12 = arith.constant 128 : index
    %get3A_13 = arith.constant 0 : index
    %get3A_14 = vector.load %arg5[%get3A_12, %get3A_13] : memref<288x256xf32, #tpu.memory_space<vmem>>, vector<128x256xf32>
    %dot_general3A_15 = arith.constant dense<0.000000e+00> : vector<4000x256xf32>
    %dot_general3A_16 = tpu.matmul %get3A_11, %get3A_14, %dot_general3A_15 {dimension_numbers = #tpu.dot_dimension_numbers<[1], [0], [0], [1], [0, 0, 1, 1], [], []>, transpose_lhs_hint = false} : vector<4000x128xf32>, vector<128x256xf32>, vector<4000x256xf32> -> vector<4000x256xf32>
    %add3A = arith.addf %dot_general3A_8, %dot_general3A_16 : vector<4000x256xf32>
    %get3A_17 = arith.constant 0 : index
    %get3A_18 = arith.constant 0 : index
    %get3A_19 = vector.load %arg3[%get3A_17, %get3A_18] : memref<4000x16xf32, #tpu.memory_space<vmem>>, vector<4000x16xf32>
    %get3A_20 = arith.constant 256 : index
    %get3A_21 = arith.constant 0 : index
    %get3A_22 = vector.load %arg5[%get3A_20, %get3A_21] : memref<288x256xf32, #tpu.memory_space<vmem>>, vector<16x256xf32>
    %dot_general3A_23 = arith.constant dense<0.000000e+00> : vector<4000x256xf32>
    %dot_general3A_24 = tpu.matmul %get3A_19, %get3A_22, %dot_general3A_23 {dimension_numbers = #tpu.dot_dimension_numbers<[1], [0], [0], [1], [0, 0, 1, 1], [], []>, transpose_lhs_hint = false} : vector<4000x16xf32>, vector<16x256xf32>, vector<4000x256xf32> -> vector<4000x256xf32>
    %add3A_25 = arith.addf %add3A, %dot_general3A_24 : vector<4000x256xf32>
    %get3A_26 = arith.constant 272 : index
    %get3A_27 = arith.constant 0 : index
    %get3A_28 = vector.load %arg5[%get3A_26, %get3A_27] : memref<288x256xf32, #tpu.memory_space<vmem>>, vector<16x256xf32>
    %dot_general3A_29 = arith.constant dense<0.000000e+00> : vector<4000x256xf32>
    %dot_general3A_30 = tpu.matmul %get3A_1, %get3A_28, %dot_general3A_29 {dimension_numbers = #tpu.dot_dimension_numbers<[1], [0], [0], [1], [0, 0, 1, 1], [], []>, transpose_lhs_hint = false} : vector<4000x16xf32>, vector<16x256xf32>, vector<4000x256xf32> -> vector<4000x256xf32>
    %add3A_31 = arith.addf %add3A_25, %dot_general3A_30 : vector<4000x256xf32>
    %slice3A = vector.extract_strided_slice %add3A_31 {offsets = [0, 0], sizes = [4000, 128], strides = [1, 1]} : vector<4000x256xf32> to vector<4000x128xf32>
    %slice3A_32 = vector.extract_strided_slice %add3A_31 {offsets = [0, 128], sizes = [4000, 128], strides = [1, 1]} : vector<4000x256xf32> to vector<4000x128xf32>
    %logistic3A = arith.negf %slice3A_32 : vector<4000x128xf32>
    %logistic3A_33 = math.exp %logistic3A : vector<4000x128xf32>
    %logistic3A_34 = arith.constant 1.000000e+00 : f32
    %logistic3A_35 = vector.broadcast %logistic3A_34 : f32 to vector<4000x128xf32>
    %logistic3A_36 = arith.addf %logistic3A_35, %logistic3A_33 : vector<4000x128xf32>
    %logistic3A_37 = arith.divf %logistic3A_35, %logistic3A_36 : vector<4000x128xf32>
    %mul3A = arith.mulf %slice3A, %logistic3A_37 : vector<4000x128xf32>
    %get3A_38 = arith.constant 0 : index
    %get3A_39 = arith.constant 0 : index
    %get3A_40 = vector.load %arg6[%get3A_38, %get3A_39] : memref<144x256xf32, #tpu.memory_space<vmem>>, vector<128x256xf32>
    %dot_general3A_41 = arith.constant dense<0.000000e+00> : vector<4000x256xf32>
    %dot_general3A_42 = tpu.matmul %mul3A, %get3A_40, %dot_general3A_41 {dimension_numbers = #tpu.dot_dimension_numbers<[1], [0], [0], [1], [0, 0, 1, 1], [], []>, transpose_lhs_hint = false} : vector<4000x128xf32>, vector<128x256xf32>, vector<4000x256xf32> -> vector<4000x256xf32>
    %get3A_43 = arith.constant 128 : index
    %get3A_44 = arith.constant 0 : index
    %get3A_45 = vector.load %arg6[%get3A_43, %get3A_44] : memref<144x256xf32, #tpu.memory_space<vmem>>, vector<16x256xf32>
    %dot_general3A_46 = arith.constant dense<0.000000e+00> : vector<4000x256xf32>
    %dot_general3A_47 = tpu.matmul %get3A_1, %get3A_45, %dot_general3A_46 {dimension_numbers = #tpu.dot_dimension_numbers<[1], [0], [0], [1], [0, 0, 1, 1], [], []>, transpose_lhs_hint = false} : vector<4000x16xf32>, vector<16x256xf32>, vector<4000x256xf32> -> vector<4000x256xf32>
    %add3A_48 = arith.addf %dot_general3A_42, %dot_general3A_47 : vector<4000x256xf32>
    %slice3A_49 = vector.extract_strided_slice %add3A_48 {offsets = [0, 0], sizes = [4000, 128], strides = [1, 1]} : vector<4000x256xf32> to vector<4000x128xf32>
    %slice3A_50 = vector.extract_strided_slice %add3A_48 {offsets = [0, 128], sizes = [4000, 128], strides = [1, 1]} : vector<4000x256xf32> to vector<4000x128xf32>
    %logistic3A_51 = arith.negf %slice3A_50 : vector<4000x128xf32>
    %logistic3A_52 = math.exp %logistic3A_51 : vector<4000x128xf32>
    %logistic3A_53 = arith.constant 1.000000e+00 : f32
    %logistic3A_54 = vector.broadcast %logistic3A_53 : f32 to vector<4000x128xf32>
    %logistic3A_55 = arith.addf %logistic3A_54, %logistic3A_52 : vector<4000x128xf32>
    %logistic3A_56 = arith.divf %logistic3A_54, %logistic3A_55 : vector<4000x128xf32>
    %mul3A_57 = arith.mulf %slice3A_49, %logistic3A_56 : vector<4000x128xf32>
    %swap3A = arith.constant 0 : index
    %swap3A_58 = arith.constant 0 : index
    %swap3A_59 = vector.load %arg7[%swap3A, %swap3A_58] : memref<4000x128xf32, #tpu.memory_space<vmem>>, vector<4000x128xf32>
    tpu.vector_store %arg7[%swap3A, %swap3A_58], %mul3A_57 {strides = array<i32>} : memref<4000x128xf32, #tpu.memory_space<vmem>>, vector<4000x128xf32>,
    return
  }
  func.func @transform_0(%arg0: i32) -> (i32, i32) {
    %c0_i32 = arith.constant 0 : i32
    %c0_i32_0 = arith.constant 0 : i32
    return %arg0, %c0_i32 : i32, i32
  }
  func.func @transform_1(%arg0: i32) -> (i32, i32) {
    %c0_i32 = arith.constant 0 : i32
    %c0_i32_0 = arith.constant 0 : i32
    return %arg0, %c0_i32 : i32, i32
  }
  func.func @transform_2(%arg0: i32) -> (i32, i32) {
    %c0_i32 = arith.constant 0 : i32
    %c0_i32_0 = arith.constant 0 : i32
    return %arg0, %c0_i32 : i32, i32
  }
  func.func @transform_3(%arg0: i32) -> (i32, i32) {
    %c0_i32 = arith.constant 0 : i32
    %c0_i32_0 = arith.constant 0 : i32
    return %arg0, %c0_i32 : i32, i32
  }
  func.func @transform_4(%arg0: i32) -> (i32, i32) {
    %c0_i32 = arith.constant 0 : i32
    %c0_i32_0 = arith.constant 0 : i32
    %c0_i32_1 = arith.constant 0 : i32
    return %c0_i32, %c0_i32_0 : i32, i32
  }
  func.func @transform_5(%arg0: i32) -> (i32, i32) {
    %c0_i32 = arith.constant 0 : i32
    %c0_i32_0 = arith.constant 0 : i32
    %c0_i32_1 = arith.constant 0 : i32
    return %c0_i32, %c0_i32_0 : i32, i32
  }
  func.func @transform_6(%arg0: i32) -> (i32, i32) {
    %c0_i32 = arith.constant 0 : i32
    %c0_i32_0 = arith.constant 0 : i32
    return %arg0, %c0_i32 : i32, i32
  }
}

module attributes {stable_mosaic.version = 14 : i64} {
  func.func @_node_update_body(%arg0: i32, %arg1: memref<2000x128xf32, #tpu.memory_space<vmem>>, %arg2: memref<2x2000x128xf32, #tpu.memory_space<vmem>>, %arg3: memref<2000x16xf32, #tpu.memory_space<vmem>>, %arg4: memref<272x256xf32, #tpu.memory_space<vmem>>, %arg5: memref<144x128xf32, #tpu.memory_space<vmem>>, %arg6: memref<2000x128xf32, #tpu.memory_space<vmem>>) attributes {dimension_semantics = [#tpu.dimension_semantics<arbitrary>], iteration_bounds = array<i64: 5>, scalar_prefetch = 0 : i64, scratch_operands = 0 : i64, tpu.core_type = #tpu.core_type<tc>, window_params = [{transform_indices = @transform_0, window_bounds = array<i64: 2000, 128>}, {transform_indices = @transform_1, window_bounds = array<i64: 2, 2000, 128>}, {transform_indices = @transform_2, window_bounds = array<i64: 2000, 16>}, {pipeline_mode = #tpu.pipeline_mode<synchronous>, transform_indices = @transform_3, window_bounds = array<i64: 272, 256>}, {pipeline_mode = #tpu.pipeline_mode<synchronous>, transform_indices = @transform_4, window_bounds = array<i64: 144, 128>}, {transform_indices = @transform_5, window_bounds = array<i64: 2000, 128>}]} {
    %get3A = arith.constant 0 : index
    %get3A_0 = arith.constant 0 : index
    %get3A_1 = vector.load %arg1[%get3A, %get3A_0] : memref<2000x128xf32, #tpu.memory_space<vmem>>, vector<2000x128xf32>
    %get3A_2 = arith.constant 0 : index
    %get3A_3 = arith.constant 0 : index
    %get3A_4 = vector.load %arg3[%get3A_2, %get3A_3] : memref<2000x16xf32, #tpu.memory_space<vmem>>, vector<2000x16xf32>
    %get3A_5 = arith.constant 0 : index
    %get3A_6 = arith.constant 0 : index
    %get3A_7 = arith.constant 0 : index
    %get3A_8 = vector.load %arg2[%get3A_5, %get3A_6, %get3A_7] : memref<2x2000x128xf32, #tpu.memory_space<vmem>>, vector<1x2000x128xf32>
    %get3A_9 = vector.shape_cast %get3A_8 : vector<1x2000x128xf32> to vector<2000x128xf32>
    %get3A_10 = arith.constant 1 : index
    %get3A_11 = arith.constant 0 : index
    %get3A_12 = arith.constant 0 : index
    %get3A_13 = vector.load %arg2[%get3A_10, %get3A_11, %get3A_12] : memref<2x2000x128xf32, #tpu.memory_space<vmem>>, vector<1x2000x128xf32>
    %get3A_14 = vector.shape_cast %get3A_13 : vector<1x2000x128xf32> to vector<2000x128xf32>
    %add3A = arith.addf %get3A_9, %get3A_14 : vector<2000x128xf32>
    %get3A_15 = arith.constant 0 : index
    %get3A_16 = arith.constant 0 : index
    %get3A_17 = vector.load %arg4[%get3A_15, %get3A_16] : memref<272x256xf32, #tpu.memory_space<vmem>>, vector<128x256xf32>
    %dot_general3A = arith.constant dense<0.000000e+00> : vector<2000x256xf32>
    %dot_general3A_18 = tpu.matmul %get3A_1, %get3A_17, %dot_general3A {dimension_numbers = #tpu.dot_dimension_numbers<[1], [0], [0], [1], [0, 0, 1, 1], [], []>, transpose_lhs_hint = false} : vector<2000x128xf32>, vector<128x256xf32>, vector<2000x256xf32> -> vector<2000x256xf32>
    %get3A_19 = arith.constant 128 : index
    %get3A_20 = arith.constant 0 : index
    %get3A_21 = vector.load %arg4[%get3A_19, %get3A_20] : memref<272x256xf32, #tpu.memory_space<vmem>>, vector<128x256xf32>
    %dot_general3A_22 = arith.constant dense<0.000000e+00> : vector<2000x256xf32>
    %dot_general3A_23 = tpu.matmul %add3A, %get3A_21, %dot_general3A_22 {dimension_numbers = #tpu.dot_dimension_numbers<[1], [0], [0], [1], [0, 0, 1, 1], [], []>, transpose_lhs_hint = false} : vector<2000x128xf32>, vector<128x256xf32>, vector<2000x256xf32> -> vector<2000x256xf32>
    %add3A_24 = arith.addf %dot_general3A_18, %dot_general3A_23 : vector<2000x256xf32>
    %get3A_25 = arith.constant 256 : index
    %get3A_26 = arith.constant 0 : index
    %get3A_27 = vector.load %arg4[%get3A_25, %get3A_26] : memref<272x256xf32, #tpu.memory_space<vmem>>, vector<16x256xf32>
    %dot_general3A_28 = arith.constant dense<0.000000e+00> : vector<2000x256xf32>
    %dot_general3A_29 = tpu.matmul %get3A_4, %get3A_27, %dot_general3A_28 {dimension_numbers = #tpu.dot_dimension_numbers<[1], [0], [0], [1], [0, 0, 1, 1], [], []>, transpose_lhs_hint = false} : vector<2000x16xf32>, vector<16x256xf32>, vector<2000x256xf32> -> vector<2000x256xf32>
    %add3A_30 = arith.addf %add3A_24, %dot_general3A_29 : vector<2000x256xf32>
    %slice3A = vector.extract_strided_slice %add3A_30 {offsets = [0, 0], sizes = [2000, 128], strides = [1, 1]} : vector<2000x256xf32> to vector<2000x128xf32>
    %slice3A_31 = vector.extract_strided_slice %add3A_30 {offsets = [0, 128], sizes = [2000, 128], strides = [1, 1]} : vector<2000x256xf32> to vector<2000x128xf32>
    %logistic3A = arith.negf %slice3A_31 : vector<2000x128xf32>
    %logistic3A_32 = math.exp %logistic3A : vector<2000x128xf32>
    %logistic3A_33 = arith.constant 1.000000e+00 : f32
    %logistic3A_34 = vector.broadcast %logistic3A_33 : f32 to vector<2000x128xf32>
    %logistic3A_35 = arith.addf %logistic3A_34, %logistic3A_32 : vector<2000x128xf32>
    %logistic3A_36 = arith.divf %logistic3A_34, %logistic3A_35 : vector<2000x128xf32>
    %mul3A = arith.mulf %slice3A, %logistic3A_36 : vector<2000x128xf32>
    %get3A_37 = arith.constant 0 : index
    %get3A_38 = arith.constant 0 : index
    %get3A_39 = vector.load %arg5[%get3A_37, %get3A_38] : memref<144x128xf32, #tpu.memory_space<vmem>>, vector<128x128xf32>
    %dot_general3A_40 = arith.constant dense<0.000000e+00> : vector<2000x128xf32>
    %dot_general3A_41 = tpu.matmul %mul3A, %get3A_39, %dot_general3A_40 {dimension_numbers = #tpu.dot_dimension_numbers<[1], [0], [0], [1], [0, 0, 1, 1], [], []>, transpose_lhs_hint = false} : vector<2000x128xf32>, vector<128x128xf32>, vector<2000x128xf32> -> vector<2000x128xf32>
    %add3A_42 = arith.addf %get3A_1, %dot_general3A_41 : vector<2000x128xf32>
    %get3A_43 = arith.constant 128 : index
    %get3A_44 = arith.constant 0 : index
    %get3A_45 = vector.load %arg5[%get3A_43, %get3A_44] : memref<144x128xf32, #tpu.memory_space<vmem>>, vector<16x128xf32>
    %dot_general3A_46 = arith.constant dense<0.000000e+00> : vector<2000x128xf32>
    %dot_general3A_47 = tpu.matmul %get3A_4, %get3A_45, %dot_general3A_46 {dimension_numbers = #tpu.dot_dimension_numbers<[1], [0], [0], [1], [0, 0, 1, 1], [], []>, transpose_lhs_hint = false} : vector<2000x16xf32>, vector<16x128xf32>, vector<2000x128xf32> -> vector<2000x128xf32>
    %add3A_48 = arith.addf %add3A_42, %dot_general3A_47 : vector<2000x128xf32>
    %swap3A = arith.constant 0 : index
    %swap3A_49 = arith.constant 0 : index
    %swap3A_50 = vector.load %arg6[%swap3A, %swap3A_49] : memref<2000x128xf32, #tpu.memory_space<vmem>>, vector<2000x128xf32>
    tpu.vector_store %arg6[%swap3A, %swap3A_49], %add3A_48 {strides = array<i32>} : memref<2000x128xf32, #tpu.memory_space<vmem>>, vector<2000x128xf32>,
    return
  }
  func.func @transform_0(%arg0: i32) -> (i32, i32) {
    %c0_i32 = arith.constant 0 : i32
    %c0_i32_0 = arith.constant 0 : i32
    return %arg0, %c0_i32 : i32, i32
  }
  func.func @transform_1(%arg0: i32) -> (i32, i32, i32) {
    %c0_i32 = arith.constant 0 : i32
    %c0_i32_0 = arith.constant 0 : i32
    %c0_i32_1 = arith.constant 0 : i32
    return %c0_i32, %arg0, %c0_i32_0 : i32, i32, i32
  }
  func.func @transform_2(%arg0: i32) -> (i32, i32) {
    %c0_i32 = arith.constant 0 : i32
    %c0_i32_0 = arith.constant 0 : i32
    return %arg0, %c0_i32 : i32, i32
  }
  func.func @transform_3(%arg0: i32) -> (i32, i32) {
    %c0_i32 = arith.constant 0 : i32
    %c0_i32_0 = arith.constant 0 : i32
    %c0_i32_1 = arith.constant 0 : i32
    return %c0_i32, %c0_i32_0 : i32, i32
  }
  func.func @transform_4(%arg0: i32) -> (i32, i32) {
    %c0_i32 = arith.constant 0 : i32
    %c0_i32_0 = arith.constant 0 : i32
    %c0_i32_1 = arith.constant 0 : i32
    return %c0_i32, %c0_i32_0 : i32, i32
  }
  func.func @transform_5(%arg0: i32) -> (i32, i32) {
    %c0_i32 = arith.constant 0 : i32
    %c0_i32_0 = arith.constant 0 : i32
    return %arg0, %c0_i32 : i32, i32
  }
}

module attributes {stable_mosaic.version = 14 : i64} {
  func.func @_decoder_body(%arg0: i32, %arg1: memref<2000x128xf32, #tpu.memory_space<vmem>>, %arg2: memref<2000x16xf32, #tpu.memory_space<vmem>>, %arg3: memref<144x256xf32, #tpu.memory_space<vmem>>, %arg4: memref<144x128xf32, #tpu.memory_space<vmem>>, %arg5: memref<128x256xf32, #tpu.memory_space<vmem>>, %arg6: memref<128x1xf32, #tpu.memory_space<vmem>>, %arg7: memref<1x1xf32, #tpu.memory_space<vmem>>, %arg8: memref<1x128xf32, #tpu.memory_space<vmem>>) attributes {dimension_semantics = [#tpu.dimension_semantics<arbitrary>], iteration_bounds = array<i64: 5>, scalar_prefetch = 0 : i64, scratch_operands = 1 : i64, tpu.core_type = #tpu.core_type<tc>, window_params = [{transform_indices = @transform_0, window_bounds = array<i64: 2000, 128>}, {transform_indices = @transform_1, window_bounds = array<i64: 2000, 16>}, {pipeline_mode = #tpu.pipeline_mode<synchronous>, transform_indices = @transform_2, window_bounds = array<i64: 144, 256>}, {pipeline_mode = #tpu.pipeline_mode<synchronous>, transform_indices = @transform_3, window_bounds = array<i64: 144, 128>}, {pipeline_mode = #tpu.pipeline_mode<synchronous>, transform_indices = @transform_4, window_bounds = array<i64: 128, 256>}, {pipeline_mode = #tpu.pipeline_mode<synchronous>, transform_indices = @transform_5, window_bounds = array<i64: 128, 1>}, {pipeline_mode = #tpu.pipeline_mode<synchronous>, transform_indices = @transform_6, window_bounds = array<i64: 1, 1>}]} {
    %eq3A = arith.constant 0 : i32
    %eq3A_0 = arith.cmpi eq, %arg0, %eq3A : i32
    %convert_element_type3A = arith.extui %eq3A_0 : i1 to i32
    %cond3A = arith.constant 0 : i32
    %cond3A_1 = arith.cmpi ne, %convert_element_type3A, %cond3A : i32
    scf.if %cond3A_1 {
      %broadcast_in_dim3A_45 = arith.constant 0.000000e+00 : f32
      %broadcast_in_dim3A_46 = vector.broadcast %broadcast_in_dim3A_45 : f32 to vector<1x128xf32>
      %swap3A_47 = arith.constant 0 : index
      %swap3A_48 = arith.constant 0 : index
      %swap3A_49 = vector.load %arg8[%swap3A_47, %swap3A_48] : memref<1x128xf32, #tpu.memory_space<vmem>>, vector<1x128xf32>
      tpu.vector_store %arg8[%swap3A_47, %swap3A_48], %broadcast_in_dim3A_46 {strides = array<i32>} : memref<1x128xf32, #tpu.memory_space<vmem>>, vector<1x128xf32>,
    } else {
    }
    %get3A = arith.constant 0 : index
    %get3A_2 = arith.constant 0 : index
    %get3A_3 = vector.load %arg2[%get3A, %get3A_2] : memref<2000x16xf32, #tpu.memory_space<vmem>>, vector<2000x16xf32>
    %get3A_4 = arith.constant 0 : index
    %get3A_5 = arith.constant 0 : index
    %get3A_6 = vector.load %arg1[%get3A_4, %get3A_5] : memref<2000x128xf32, #tpu.memory_space<vmem>>, vector<2000x128xf32>
    %get3A_7 = arith.constant 0 : index
    %get3A_8 = arith.constant 0 : index
    %get3A_9 = vector.load %arg3[%get3A_7, %get3A_8] : memref<144x256xf32, #tpu.memory_space<vmem>>, vector<128x256xf32>
    %dot_general3A = arith.constant dense<0.000000e+00> : vector<2000x256xf32>
    %dot_general3A_10 = tpu.matmul %get3A_6, %get3A_9, %dot_general3A {dimension_numbers = #tpu.dot_dimension_numbers<[1], [0], [0], [1], [0, 0, 1, 1], [], []>, transpose_lhs_hint = false} : vector<2000x128xf32>, vector<128x256xf32>, vector<2000x256xf32> -> vector<2000x256xf32>
    %get3A_11 = arith.constant 128 : index
    %get3A_12 = arith.constant 0 : index
    %get3A_13 = vector.load %arg3[%get3A_11, %get3A_12] : memref<144x256xf32, #tpu.memory_space<vmem>>, vector<16x256xf32>
    %dot_general3A_14 = arith.constant dense<0.000000e+00> : vector<2000x256xf32>
    %dot_general3A_15 = tpu.matmul %get3A_3, %get3A_13, %dot_general3A_14 {dimension_numbers = #tpu.dot_dimension_numbers<[1], [0], [0], [1], [0, 0, 1, 1], [], []>, transpose_lhs_hint = false} : vector<2000x16xf32>, vector<16x256xf32>, vector<2000x256xf32> -> vector<2000x256xf32>
    %add3A = arith.addf %dot_general3A_10, %dot_general3A_15 : vector<2000x256xf32>
    %slice3A = vector.extract_strided_slice %add3A {offsets = [0, 0], sizes = [2000, 128], strides = [1, 1]} : vector<2000x256xf32> to vector<2000x128xf32>
    %slice3A_16 = vector.extract_strided_slice %add3A {offsets = [0, 128], sizes = [2000, 128], strides = [1, 1]} : vector<2000x256xf32> to vector<2000x128xf32>
    %logistic3A = arith.negf %slice3A_16 : vector<2000x128xf32>
    %logistic3A_17 = math.exp %logistic3A : vector<2000x128xf32>
    %logistic3A_18 = arith.constant 1.000000e+00 : f32
    %logistic3A_19 = vector.broadcast %logistic3A_18 : f32 to vector<2000x128xf32>
    %logistic3A_20 = arith.addf %logistic3A_19, %logistic3A_17 : vector<2000x128xf32>
    %logistic3A_21 = arith.divf %logistic3A_19, %logistic3A_20 : vector<2000x128xf32>
    %mul3A = arith.mulf %slice3A, %logistic3A_21 : vector<2000x128xf32>
    %get3A_22 = arith.constant 0 : index
    %get3A_23 = arith.constant 0 : index
    %get3A_24 = vector.load %arg4[%get3A_22, %get3A_23] : memref<144x128xf32, #tpu.memory_space<vmem>>, vector<128x128xf32>
    %dot_general3A_25 = arith.constant dense<0.000000e+00> : vector<2000x128xf32>
    %dot_general3A_26 = tpu.matmul %mul3A, %get3A_24, %dot_general3A_25 {dimension_numbers = #tpu.dot_dimension_numbers<[1], [0], [0], [1], [0, 0, 1, 1], [], []>, transpose_lhs_hint = false} : vector<2000x128xf32>, vector<128x128xf32>, vector<2000x128xf32> -> vector<2000x128xf32>
    %get3A_27 = arith.constant 128 : index
    %get3A_28 = arith.constant 0 : index
    %get3A_29 = vector.load %arg4[%get3A_27, %get3A_28] : memref<144x128xf32, #tpu.memory_space<vmem>>, vector<16x128xf32>
    %dot_general3A_30 = arith.constant dense<0.000000e+00> : vector<2000x128xf32>
    %dot_general3A_31 = tpu.matmul %get3A_3, %get3A_29, %dot_general3A_30 {dimension_numbers = #tpu.dot_dimension_numbers<[1], [0], [0], [1], [0, 0, 1, 1], [], []>, transpose_lhs_hint = false} : vector<2000x16xf32>, vector<16x128xf32>, vector<2000x128xf32> -> vector<2000x128xf32>
    %add3A_32 = arith.addf %dot_general3A_26, %dot_general3A_31 : vector<2000x128xf32>
    %get3A_33 = arith.constant 0 : index
    %get3A_34 = arith.constant 0 : index
    %get3A_35 = vector.load %arg8[%get3A_33, %get3A_34] : memref<1x128xf32, #tpu.memory_space<vmem>>, vector<1x128xf32>
    %reduce_sum3A = arith.constant dense<0.000000e+00> : vector<128xf32>
    %reduce_sum3A_36 = vector.multi_reduction <add>, %add3A_32, %reduce_sum3A [0] : vector<2000x128xf32> to vector<128xf32>
    %broadcast_in_dim3A = vector.shape_cast %reduce_sum3A_36 : vector<128xf32> to vector<1x128xf32>
    %add3A_37 = arith.addf %get3A_35, %broadcast_in_dim3A : vector<1x128xf32>
    %swap3A = arith.constant 0 : index
    %swap3A_38 = arith.constant 0 : index
    %swap3A_39 = vector.load %arg8[%swap3A, %swap3A_38] : memref<1x128xf32, #tpu.memory_space<vmem>>, vector<1x128xf32>
    tpu.vector_store %arg8[%swap3A, %swap3A_38], %add3A_37 {strides = array<i32>} : memref<1x128xf32, #tpu.memory_space<vmem>>, vector<1x128xf32>,
    %eq3A_40 = arith.constant 4 : i32
    %eq3A_41 = arith.cmpi eq, %arg0, %eq3A_40 : i32
    %convert_element_type3A_42 = arith.extui %eq3A_41 : i1 to i32
    %cond3A_43 = arith.constant 0 : i32
    %cond3A_44 = arith.cmpi ne, %convert_element_type3A_42, %cond3A_43 : i32
    scf.if %cond3A_44 {
      %get3A_45 = arith.constant 0 : index
      %get3A_46 = arith.constant 0 : index
      %get3A_47 = vector.load %arg8[%get3A_45, %get3A_46] : memref<1x128xf32, #tpu.memory_space<vmem>>, vector<1x128xf32>
      %div3A = arith.constant 1.000000e+04 : f32
      %div3A_48 = vector.broadcast %div3A : f32 to vector<1x128xf32>
      %div3A_49 = arith.divf %get3A_47, %div3A_48 : vector<1x128xf32>
      %get3A_50 = arith.constant 0 : index
      %get3A_51 = arith.constant 0 : index
      %get3A_52 = vector.load %arg5[%get3A_50, %get3A_51] : memref<128x256xf32, #tpu.memory_space<vmem>>, vector<128x256xf32>
      %dot_general3A_53 = arith.constant dense<0.000000e+00> : vector<1x256xf32>
      %dot_general3A_54 = tpu.matmul %div3A_49, %get3A_52, %dot_general3A_53 {dimension_numbers = #tpu.dot_dimension_numbers<[1], [0], [0], [1], [0, 0, 1, 1], [], []>, transpose_lhs_hint = false} : vector<1x128xf32>, vector<128x256xf32>, vector<1x256xf32> -> vector<1x256xf32>
      %slice3A_55 = vector.extract_strided_slice %dot_general3A_54 {offsets = [0, 0], sizes = [1, 128], strides = [1, 1]} : vector<1x256xf32> to vector<1x128xf32>
      %slice3A_56 = vector.extract_strided_slice %dot_general3A_54 {offsets = [0, 128], sizes = [1, 128], strides = [1, 1]} : vector<1x256xf32> to vector<1x128xf32>
      %logistic3A_57 = arith.negf %slice3A_56 : vector<1x128xf32>
      %logistic3A_58 = math.exp %logistic3A_57 : vector<1x128xf32>
      %logistic3A_59 = arith.constant 1.000000e+00 : f32
      %logistic3A_60 = vector.broadcast %logistic3A_59 : f32 to vector<1x128xf32>
      %logistic3A_61 = arith.addf %logistic3A_60, %logistic3A_58 : vector<1x128xf32>
      %logistic3A_62 = arith.divf %logistic3A_60, %logistic3A_61 : vector<1x128xf32>
      %mul3A_63 = arith.mulf %slice3A_55, %logistic3A_62 : vector<1x128xf32>
      %get3A_64 = arith.constant 0 : index
      %get3A_65 = arith.constant 0 : index
      %get3A_66 = vector.load %arg6[%get3A_64, %get3A_65] : memref<128x1xf32, #tpu.memory_space<vmem>>, vector<128x1xf32>
      %dot_general3A_67 = arith.constant dense<0.000000e+00> : vector<1x1xf32>
      %dot_general3A_68 = tpu.matmul %mul3A_63, %get3A_66, %dot_general3A_67 {dimension_numbers = #tpu.dot_dimension_numbers<[1], [0], [0], [1], [0, 0, 1, 1], [], []>, precision = #tpu.contract_precision<fp32>, transpose_lhs_hint = false} : vector<1x128xf32>, vector<128x1xf32>, vector<1x1xf32> -> vector<1x1xf32>
      %swap3A_69 = arith.constant 0 : index
      %swap3A_70 = arith.constant 0 : index
      %swap3A_71 = vector.load %arg7[%swap3A_69, %swap3A_70] : memref<1x1xf32, #tpu.memory_space<vmem>>, vector<1x1xf32>
      tpu.vector_store %arg7[%swap3A_69, %swap3A_70], %dot_general3A_68 {strides = array<i32>} : memref<1x1xf32, #tpu.memory_space<vmem>>, vector<1x1xf32>,
    } else {
    }
    return
  }
  func.func @transform_0(%arg0: i32) -> (i32, i32) {
    %c0_i32 = arith.constant 0 : i32
    %c0_i32_0 = arith.constant 0 : i32
    return %arg0, %c0_i32 : i32, i32
  }
  func.func @transform_1(%arg0: i32) -> (i32, i32) {
    %c0_i32 = arith.constant 0 : i32
    %c0_i32_0 = arith.constant 0 : i32
    return %arg0, %c0_i32 : i32, i32
  }
  func.func @transform_2(%arg0: i32) -> (i32, i32) {
    %c0_i32 = arith.constant 0 : i32
    %c0_i32_0 = arith.constant 0 : i32
    %c0_i32_1 = arith.constant 0 : i32
    return %c0_i32, %c0_i32_0 : i32, i32
  }
  func.func @transform_3(%arg0: i32) -> (i32, i32) {
    %c0_i32 = arith.constant 0 : i32
    %c0_i32_0 = arith.constant 0 : i32
    %c0_i32_1 = arith.constant 0 : i32
    return %c0_i32, %c0_i32_0 : i32, i32
  }
  func.func @transform_4(%arg0: i32) -> (i32, i32) {
    %c0_i32 = arith.constant 0 : i32
    %c0_i32_0 = arith.constant 0 : i32
    %c0_i32_1 = arith.constant 0 : i32
    return %c0_i32, %c0_i32_0 : i32, i32
  }
  func.func @transform_5(%arg0: i32) -> (i32, i32) {
    %c0_i32 = arith.constant 0 : i32
    %c0_i32_0 = arith.constant 0 : i32
    %c0_i32_1 = arith.constant 0 : i32
    return %c0_i32, %c0_i32_0 : i32, i32
  }
  func.func @transform_6(%arg0: i32) -> (i32, i32) {
    %c0_i32 = arith.constant 0 : i32
    %c0_i32_0 = arith.constant 0 : i32
    %c0_i32_1 = arith.constant 0 : i32
    return %c0_i32, %c0_i32_0 : i32, i32
  }
}

</mosaic_0001>

<sc_bundles>
// kernel: kernel.20.cloned.1.call-start
scs
__scs_entry_jumppad:
0x0: {  	(pc) =	sbr.rel $0x88, $3  }
0x1: {  	(tag) =	ssettag $0x0;
	lr =	simm.s32 $0x1  }
0x2: {  	[smem:$0x3F86] =	sst lr;
	_ =	strace $0xD0000000  }
0x3: {  	_ = 	snop  }
0x4: {  	_ = 	snop  }
0x5: {  	_ = 	snop  }
0x6: {  	_ = 	snop  }
0x7: {  	_ = 	snop  }
__scs_overlays_trampoline_lowered:
0x8: {  	[smem:$0x3F95] =	sst s0  }
0x9: {  	[smem:$0x3F96] =	sst s1  }
0xa: {  	[smem:$0x3F97] =	sst s2  }
0xb: {  	[smem:$0x3F98] =	sst s3  }
0xc: {  	[smem:$0x3F99] =	sst s4  }
0xd: {  	[smem:$0x3F9A] =	sst s5  }
0xe: {  	[smem:$0x3F9B] =	sst s6  }
0xf: {  	[smem:$0x3F9C] =	sst s7  }
0x10: {  	[smem:$0x3F9D] =	sst s8  }
0x11: {  	[smem:$0x3F9E] =	sst s9;
	s0 =	simm.s32 @!p0 $0x0  }
0x12: {  	s1 =	sld [smem:$0x3F84];
	s0 =	simm.s32 @p0 $0x1  }
0x13: {  	[smem:$0x3F9F] =	sst s0;
	s0 =	simm.s32 @!p1 $0x0  }
0x14: {  	s2 =	sld [smem:$0x3F83];
	s0 =	simm.s32 @p1 $0x1  }
0x15: {  	[smem:$0x3FA0] =	sst s0;
	s0 =	simm.s32 @!p2 $0x0  }
0x16: {  	s3 =	sld [smem:$0x3FDB];
	s0 =	simm.s32 @p2 $0x1  }
0x17: {  	s4 =	simm.s32 $0x1BF5;
	[smem:$0x3FA2] =	sst s0  }
0x18: {  	s0 =	sld [smem:$0x3F85];
	_ =	swait.ge [sflag:s4], $0x0  }
0x19: {  	s7 =	sld [smem:$0x3F86]  }
0x1a: {  	s8 =	sadd.s32 $0xFFFFE003, lr  }
0x1b: {  	s9 =	sadd.s32 $0xFFFFFEF7, lr;
	s5 =	simm.s32 $0xFFFFFFFF;
	p2 =	slt.u32 s8, $0xFFFFF086  }
0x1c: {  	p1 =	slt.u32 s9, $0xF7A;
	s5 =	simm.s32 @!p2 $0x0  }
0x1d: {  	s5 =	simm.s32 @p1 $0x1;
	p0 =	seq.s32 s7, s2  }
0x1e: {  	s7 =	smul.u32 @!p0 $0xF7A, s2;
	p2 =	seq.s32 @!p0 s5, $0x0  }
0x1f: {  	s9 =	smul.u32 $0xF7A, s1;
	s8 =	simm.s32 @!p0 $0x1BF5;
	p2 =	por !p2, p0  }
0x20: {  	[sflag:s8] =	ssyncset.s32 @!p0 $0xFFFFF086;
	s6 =	sadd.s32 @!p0 s3, s7;
	s7 =	simm.s32 @!p0 $0x108  }
0x21: {  	s3 =	sadd.s32 s3, s9;
	s6 =	sadd.s32 @!p0 $0x88, s6;
	s7 =	simm.s32 @p2 $0x1082  }
0x22: {  	[simem:s7], [sflag:s8] =	dma.local @!p0 [hbm:s6], $0xF7A  }
0x23: {  	s9 =	sor.u32 $0xD0000000, s2;
	s6 =	simm.s32 $0x108;
	_ =	swait.ge @!p0 [sflag:s8], $0x0  }
0x24: {  	s3 =	sadd.s32 $0x88, s3;
	s6 =	simm.s32 @!p1 $0x1082;
	[sflag:s4] =	ssyncset.s32 $0xFFFFF086  }
0x25: {  	[simem:s6], [sflag:s4] =	dma.local [hbm:s3], $0xF7A  }
0x26: {  	[smem:$0x3F86] =	sst s1;
	(tag) =	ssettag s2;
	_ =	strace s9  }
0x27: {  	s1 =	sld [smem:$0x3F96]  }
0x28: {  	s2 =	sld [smem:$0x3F97]  }
0x29: {  	s4 =	sld [smem:$0x3F99]  }
0x2a: {  	p0 =	seq.s32 s5, $0x0;
	s5 =	sld [smem:$0x3F9A]  }
0x2b: {  	s6 =	sld [smem:$0x3F9B]  }
0x2c: {  	s7 =	sld [smem:$0x3F9C]  }
0x2d: {  	s3 =	simm.s32 $0x108;
	s8 =	sld [smem:$0x3F9D]  }
0x2e: {  	s3 =	simm.s32 @!p0 $0x1082;
	s9 =	sld [smem:$0x3F9E]  }
0x2f: {  	lr =	sadd.s32 s0, s3;
	s0 =	sld [smem:$0x3F95]  }
0x30: {  	s3 =	sld [smem:$0x3F98]  }
0x31: {  	[smem:$0x3FA1] =	sst s10  }
0x32: {  	s10 =	sld [smem:$0x3F9F];
	_ =	sdelay $0x3  }
0x33: {  	p0 =	seq.s32 s10, $0x1;
	s10 =	sld [smem:$0x3FA1];
	_ =	sdelay $0x3  }
0x34: {  	[smem:$0x3FA1] =	sst s10  }
0x35: {  	s10 =	sld [smem:$0x3FA0];
	_ =	sdelay $0x3  }
0x36: {  	p1 =	seq.s32 s10, $0x1;
	s10 =	sld [smem:$0x3FA1];
	_ =	sdelay $0x3  }
0x37: {  	[smem:$0x3FA1] =	sst s10  }
0x38: {  	s10 =	sld [smem:$0x3FA2]  }
0x39: {  	_ = 	snop;
	(pc) =	sbr.ind lr, $3  }
0x3a: {  	_ = 	snop  }
0x3b: {  	_ = 	snop  }
0x3c: {  	p2 =	seq.s32 s10, $0x1;
	s10 =	sld [smem:$0x3FA1]  }
0x3d: {  	_ =	shalt  }
0x3e: {  	_ =	shalt  }
0x3f: {  	_ =	shalt  }
0x40: {  	_ =	shalt  }
0x41: {  	_ =	shalt  }
0x42: {  	_ =	shalt  }
0x43: {  	_ =	shalt  }
0x44: {  	_ =	shalt  }
0x45: {  	_ =	shalt  }
0x46: {  	_ =	shalt  }
0x47: {  	_ =	shalt  }
0x48: {  	_ =	shalt  }
0x49: {  	_ =	shalt  }
0x4a: {  	_ =	shalt  }
0x4b: {  	_ =	shalt  }
0x4c: {  	_ =	shalt  }
0x4d: {  	_ =	shalt  }
0x4e: {  	_ =	shalt  }
0x4f: {  	_ =	shalt  }
0x50: {  	_ =	shalt  }
0x51: {  	_ =	shalt  }
0x52: {  	_ =	shalt  }
0x53: {  	_ =	shalt  }
0x54: {  	_ =	shalt  }
0x55: {  	_ =	shalt  }
0x56: {  	_ =	shalt  }
0x57: {  	_ =	shalt  }
0x58: {  	_ =	shalt  }
0x59: {  	_ =	shalt  }
0x5a: {  	_ =	shalt  }
0x5b: {  	_ =	shalt  }
0x5c: {  	_ =	shalt  }
0x5d: {  	_ =	shalt  }
0x5e: {  	_ =	shalt  }
0x5f: {  	_ =	shalt  }
0x60: {  	_ =	shalt  }
0x61: {  	_ =	shalt  }
0x62: {  	_ =	shalt  }
0x63: {  	_ =	shalt  }
0x64: {  	_ =	shalt  }
0x65: {  	_ =	shalt  }
0x66: {  	_ =	shalt  }
0x67: {  	_ =	shalt  }
0x68: {  	_ =	shalt  }
0x69: {  	_ =	shalt  }
0x6a: {  	_ =	shalt  }
0x6b: {  	_ =	shalt  }
0x6c: {  	_ =	shalt  }
0x6d: {  	_ =	shalt  }
0x6e: {  	_ =	shalt  }
0x6f: {  	_ =	shalt  }
0x70: {  	_ =	shalt  }
0x71: {  	_ =	shalt  }
0x72: {  	_ =	shalt  }
0x73: {  	_ =	shalt  }
0x74: {  	_ =	shalt  }
0x75: {  	_ =	shalt  }
0x76: {  	_ =	shalt  }
0x77: {  	_ =	shalt  }
0x78: {  	_ =	shalt  }
0x79: {  	_ =	shalt  }
0x7a: {  	_ =	shalt  }
0x7b: {  	_ =	shalt  }
0x7c: {  	_ =	shalt  }
0x7d: {  	_ =	shalt  }
0x7e: {  	_ =	shalt  }
0x7f: {  	_ =	shalt  }
0x80: {  	_ =	shalt  }
0x81: {  	_ =	shalt  }
0x82: {  	_ =	shalt  }
0x83: {  	_ =	shalt  }
0x84: {  	_ =	shalt  }
0x85: {  	_ =	shalt  }
0x86: {  	_ =	shalt  }
0x87: {  	_ =	shalt  }
.Lfunc_end0:
.L_simem_size_0:
called_computation_lowered:
.L_overlay_start_0:
0x88: {  	s2 =	sld [smem:$0x3FD9]  }
0x89: {  	s3 =	sld [smem:$0x3FFE];
	_ =	sdelay $0x1  }
0x8a: {  	s1 =	srdreg.scid  }
0x8b: {  	s0 =	sand.u32 $0x1, s1  }
0x8c: {  	s16 =	sshll.u32 s0, $0xA;
	s2 =	sadd.s32 s3, s2  }
0x8d: {  	s2 =	sadd.s32 s2, s16  }
0x8e: {  	[smem:$0x3FAD] =	sst s2  }
0x8f: {  	_ = 	snop  }
0x90: {  	(tm) =	ssettm $0x1  }
0x91: {  	s17 =	sld [smem:$0x3FFB];
	_ =	sdelay $0x3  }
0x92: {  	_ =	strace s17  }
0x93: {  	s2 =	sld [smem:$0x3FFC];
	_ =	sdelay $0x3  }
0x94: {  	_ =	strace s2  }
0x95: {  	s2 =	sld [smem:$0x3FFD];
	_ =	sdelay $0x3  }
0x96: {  	_ =	strace s2  }
0x97: {  	_ =	strace $0x8FFFFFFF  }
0x98: {  	s18 =	sld [smem:$0x3FDB];
	_ =	sdelay $0x1  }
0x99: {  	s19 =	simm.s32 $_scs_section_size  }
0x9a: {  	s4 =	simm.s32 $_size__tile_overlayer_lowered;
	s5 =	simm.s32 $_tile_overlayer_lowered  }
0x9b: {  	s22 =	simm.s32 $0x1BFF;
	s21 =	sshll.u32 s5, $0x1;
	s2 =	sadd.s32 s19, s18  }
0x9c: {  	s6 =	simm.s32 $0x0;
	s20 =	sshll.u32 s4, $0x1;
	s4 =	sadd.s32 s21, s2  }
0x9d: {  	[timem:s6], [sflag:s22] =	dma.local [hbm:s4], s20  }
0x9e: {  	_ =	swait.ge [sflag:s22], s20  }
0x9f: {  	s3 =	ssub.s32 $0x0, s20;
	[sflag:s22] =	ssyncset.done $0x0  }
0xa0: {  	[sflag:s22] =	ssyncadd.s32 s3;
	_ =	sdelay $0x1  }
0xa1: {  	s23 =	simm.s32 $0x1B8B  }
0xa2: {  	_ =	swait.ge [sflag:s23], $0x1  }
0xa3: {  	[sflag:s23] =	ssyncset.done $0x0  }
0xa4: {  	s25 =	simm.s32 $0x1B8E;
	s24 =	sld [smem:$0x3FFE];
	[sflag:s23] =	ssyncadd.s32 $0xFFFFFFFF  }
0xa5: {  	s26 =	simm.s32 $execute0_lowered;
	[smem:$0x3FD2] =	sst s25  }
0xa6: {  	s4 =	sshll.u32 s26, $0x1;
	_ =	strace $0x80000046;
	[dreg:$0x1] =	wrdreg $0xFFFFFFFF  }
0xa7: {  	s28 =	simm.s32 $_size_execute0_lowered;
	s2 =	sadd.s32 s2, s4;
	[dreg:$0x0] =	wrdreg $0x0  }
0xa8: {  	s4 =	sshll.u32 s28, $0x1;
	[dreg:$0x2] =	wrdreg s2  }
0xa9: {  	[dreg:$0x3] =	wrdreg s4  }
0xaa: {  	[dreg:$0x4] =	wrdreg $0xC0  }
0xab: {  	_ =	task [dreg:s6], $0x5FFFF  }
0xac: {  	[dreg:$0x1] =	wrdreg $0xFFFFFFFF  }
0xad: {  	[dreg:$0x0] =	wrdreg $0x60  }
0xae: {  	[dreg:$0x2] =	wrdreg s24  }
0xaf: {  	[dreg:$0x3] =	wrdreg $0x9  }
0xb0: {  	_ =	task.clear_ibuf [dreg:s6], $0x4FFFF;
	_ =	strace $0x90000046  }
0xb1: {  	s29 =	simm.s32 $0x9;
	_ =	strace $0x80000048  }
0xb2: {  	_ =	swait.ge [sflag:s29], $0x1  }
0xb3: {  	[sflag:s29] =	ssyncadd.s32 $0xFFFFFFFF  }
0xb4: {  	_ =	strace $0x90000048  }
0xb5: {  	_ =	sfence  }
0xb6: {  	s30 =	sld [smem:$0x0];
	_ =	sdelay $0x2  }
0xb7: {  	s31 =	sshll.u32 s1, $0xD;
	s1 =	sshrl.u32 s1, $0x2  }
0xb8: {  	s3 =	sand.u32 $0x4000, s31;
	s1 =	sadd.s32 s1, s30  }
0xb9: {  	s0 =	sor.u32 s3, s0;
	s1 =	sshll.u32 s1, $0x11  }
0xba: {  	s0 =	sor.u32 s1, s0  }
0xbb: {  	s0 =	sadd.s32 $0x8F2B, s0  }
0xbc: {  	[sflag:s0] =	ssyncadd.remote.s32 $0x1  }
0xbd: {  	_ =	sfence.sel $0xFFFF  }
0xbe: {  	[dreg:$0x0] =	wrdreg $0xFFFFFFFF;
	(pc) =	sbr.abs _section_cstart, $3  }
0xbf: {  	[dreg:$0x1] =	wrdreg $0xFFFFFFFF  }
0xc0: {  	_ =	task.clear_ibuf [dreg:s6], $0x2FFFF;
	_ =	strace $0x9FFFFFFF  }
0xc1: {  	(tm) =	ssettm $0x7FFFFFFF  }
tec
execute0_lowered:
.L_overlay_start_1:
0x0: {  	(tag) =	ssettag $0x1  }
0x1: {  	s4 =	rddreg [dreg:$0x0]  }
0x2: {  	s0 =	rddreg [dreg:$0x1];
	s1 =	simm.s32 $0x0  }
0x3: {  	s5 =	srdreg.scid;
	s2 =	stileid.u32;
	s9 =	simm.s32 $0x3  }
0x4: {  	s10 =	simm.s32 $0x4000;
	s11 =	simm.s32 $0x50;
	s12 =	simm.s32 $0x8000  }
0x5: {  	s13 =	simm.s32 $0xA800;
	s14 =	simm.s32 $0x1;
	s15 =	simm.s32 $0x2  }
0x6: {  	s16 =	simm.s32 $0x0;
	[smem:$0x7FF] =	sst s1;
	s3 =	sadd.s32 $0x4FC00, s4  }
0x7: {  	s5 =	sand.u32 $0x1, s5;
	s6 =	sshll.u32 s2, $0xC;
	s8 =	smul.u32 $0x4E200, s2  }
0x8: {  	_ =	strace $0x80000047;
	s7 =	sshll.u32 s5, $0xB;
	s30 =	ssub.s32 $0x2, s5  }
0x9: {  	s5 =	smul.u32 $0x27100, s5;
	s6 =	sor.u32 s7, s6;
	s31 =	sshrl.u32 s30, $0x1  }
0xa: {  	s8 =	sadd.s32 s8, s4;
	s6 =	sadd.s32 s6, s4;
	s7 =	ssub.s32 s30, s31  }
0xb: {  	s8 =	sadd.s32 s5, s8;
	s4 =	sadd.s32 $0x8A00, s6;
	s5 =	sadd.s32 $0x3FC00, s6  }
0xc: {  	s6 =	smax.u32 s7, $0x1;
	s7 =	sadd.s32 $0x76E00, s8;
	s8 =	sadd.s32 $0x558E00, s8  }
.LBB2_1:
0xd: {  	[tilespmem:s1], [sflag:$0x3] =	stream.linear.gather [hbm4b:s4+s1], $0x3E80, $0x38;
	[tilespmem:$0xD000] =	vst v63  }
0xe: {  	_ =	swait.ge [sflag:s9], $0x3E80  }
0xf: {  	[sflag:s9] =	ssyncset.done $0x0  }
0x10: {  	[sflag:s9] =	ssyncadd.s32 $0xFFFFC180  }
0x11: {  	[tilespmem:s10], [sflag:$0x3] =	stream.linear.gather [hbm4b:s5+s1], $0x3E80, $0x38;
	[tilespmem:$0xD000] =	vst v63  }
0x12: {  	_ =	swait.ge [sflag:s9], $0x3E80  }
0x13: {  	[sflag:s9] =	ssyncset.done $0x0  }
0x14: {  	s17 =	simm.s32 $0x0;
	[sflag:s9] =	ssyncadd.s32 $0xFFFFC180  }
0x15: {  	[tilespmem:s12], [sflag:$0x1] =	stream.indirect.gather [hbm4b:s3+s11], $0x80, s17, s11, $0xb8;
	[tilespmem:$0xD000] =	vst v63  }
0x16: {  	s31 =	simm.s32 $0x4000  }
0x17: {  	[tilespmem:s13], [sflag:$0x2] =	stream.indirect.gather [hbm4b:s3+s11], $0x80, s31, s11, $0xb8;
	[tilespmem:$0xD000] =	vst v63  }
0x18: {  	_ =	swait.ge [sflag:s14], $0x2800  }
0x19: {  	[sflag:s14] =	ssyncset.done $0x0  }
0x1a: {  	[sflag:s14] =	ssyncadd.s32 $0xFFFFD800  }
0x1b: {  	_ =	swait.ge [sflag:s15], $0x2800  }
0x1c: {  	[sflag:s15] =	ssyncset.done $0x0  }
0x1d: {  	[sflag:s15] =	ssyncadd.s32 $0xFFFFD800  }
0x1e: {  	[hbm4b:s7+s1] =	stream.linear.scatter [tilespmem:s12], [sflag:$0x3], $0x2800, $0x38;
	[tilespmem:$0xD000] =	vst v63  }
0x1f: {  	_ =	swait.ge [sflag:s9], $0x2800  }
0x20: {  	[sflag:s9] =	ssyncset.done $0x0  }
0x21: {  	[sflag:s9] =	ssyncadd.s32 $0xFFFFD800  }
0x22: {  	[hbm4b:s8+s1] =	stream.linear.scatter [tilespmem:s13], [sflag:$0x3], $0x2800, $0x38;
	[tilespmem:$0xD000] =	vst v63  }
0x23: {  	s19 =	simm.s32 $0x200;
	s20 =	simm.s32 $0x400;
	_ =	swait.ge [sflag:s9], $0x2800  }
0x24: {  	s18 =	sadd.s32 $0x500, s7;
	s17 =	sadd.s32 $0x500, s8;
	[sflag:s9] =	ssyncset.done $0x0  }
.LBB2_2:
0x25: {  	s21 =	sshra.s32 s19, $0x2  }
0x26: {  	[sflag:s9] =	ssyncadd.s32 $0xFFFFD800;
	s19 =	smov.u32 s20;
	s22 =	sadd.s32 $0x200, s20  }
0x27: {  	[tilespmem:s12], [sflag:$0x1] =	stream.indirect.gather [hbm4b:s3+s11], $0x80, s21, s11, $0xb8;
	[tilespmem:$0xD000] =	vst v63  }
0x28: {  	p0 =	sne.s32 s20, $0xF800;
	s20 =	sadd.s32 $0x4000, s21  }
0x29: {  	[tilespmem:s13], [sflag:$0x2] =	stream.indirect.gather [hbm4b:s3+s11], $0x80, s20, s11, $0xb8;
	[tilespmem:$0xD000] =	vst v63  }
0x2a: {  	_ =	swait.ge [sflag:s14], $0x2800  }
0x2b: {  	[sflag:s14] =	ssyncset.done $0x0  }
0x2c: {  	[sflag:s14] =	ssyncadd.s32 $0xFFFFD800  }
0x2d: {  	_ =	swait.ge [sflag:s15], $0x2800  }
0x2e: {  	[sflag:s15] =	ssyncset.done $0x0  }
0x2f: {  	[sflag:s15] =	ssyncadd.s32 $0xFFFFD800  }
0x30: {  	[hbm4b:s18+s1] =	stream.linear.scatter [tilespmem:s12], [sflag:$0x3], $0x2800, $0x38;
	[tilespmem:$0xD000] =	vst v63  }
0x31: {  	_ =	swait.ge [sflag:s9], $0x2800  }
.Ltmp0:
0x32: {  	[sflag:s9] =	ssyncset.done $0x0;
	(pc) =	sbr.rel @p0 .LBB2_2-.Ltmp0, $4  }
0x33: {  	[sflag:s9] =	ssyncadd.s32 $0xFFFFD800  }
0x34: {  	[hbm4b:s17+s1] =	stream.linear.scatter [tilespmem:s13], [sflag:$0x3], $0x2800, $0x38;
	[tilespmem:$0xD000] =	vst v63  }
0x35: {  	s20 =	smov.u32 s22;
	_ =	swait.ge [sflag:s9], $0x2800  }
0x36: {  	s18 =	sadd.s32 $0x500, s18;
	s17 =	sadd.s32 $0x500, s17;
	[sflag:s9] =	ssyncset.done $0x0  }
0x37: {  	s19 =	sshra.s32 s19, $0x2;
	[sflag:s9] =	ssyncadd.s32 $0xFFFFD800  }
0x38: {  	[tilespmem:s12], [sflag:$0x1] =	stream.indirect.gather [hbm4b:s3+s11], $0x80, s19, s11, $0xb8;
	[tilespmem:$0xD000] =	vst v63  }
0x39: {  	s19 =	sadd.s32 $0x4000, s19  }
0x3a: {  	[tilespmem:s13], [sflag:$0x2] =	stream.indirect.gather [hbm4b:s3+s11], $0x80, s19, s11, $0xb8;
	[tilespmem:$0xD000] =	vst v63  }
0x3b: {  	_ =	swait.ge [sflag:s14], $0x2800  }
0x3c: {  	[sflag:s14] =	ssyncset.done $0x0  }
0x3d: {  	[sflag:s14] =	ssyncadd.s32 $0xFFFFD800  }
0x3e: {  	_ =	swait.ge [sflag:s15], $0x2800  }
0x3f: {  	[sflag:s15] =	ssyncset.done $0x0  }
0x40: {  	[sflag:s15] =	ssyncadd.s32 $0xFFFFD800  }
0x41: {  	[hbm4b:s18+s1] =	stream.linear.scatter [tilespmem:s12], [sflag:$0x3], $0x2800, $0x38;
	[tilespmem:$0xD000] =	vst v63  }
0x42: {  	s16 =	sadd.s32 $0x1, s16;
	_ =	swait.ge [sflag:s9], $0x2800  }
0x43: {  	p0 =	sne.s32 s16, s6;
	[sflag:s9] =	ssyncset.done $0x0  }
.Ltmp1:
0x44: {  	[sflag:s9] =	ssyncadd.s32 $0xFFFFD800;
	(pc) =	sbr.rel @p0 .LBB2_1-.Ltmp1, $4  }
0x45: {  	[hbm4b:s17+s1] =	stream.linear.scatter [tilespmem:s13], [sflag:$0x3], $0x2800, $0x38;
	[tilespmem:$0xD000] =	vst v63  }
0x46: {  	_ =	swait.ge [sflag:s9], $0x2800  }
0x47: {  	[sflag:s9] =	ssyncset.done $0x0  }
0x48: {  	[sflag:s9] =	ssyncadd.s32 $0xFFFFD800  }
0x49: {  	_ =	sfence.sel $0x180000  }
0x4a: {  	[bflag:$0x0] =	sbarrier.arrive $0xFFFF  }
0x4b: {  	p0 =	sne.s32 s2, $0x0;
	_ =	strace $0x90000047  }
0x4c: {  	s0 =	sadd.s32 @!p0 $0x100000, s0;
	[bflag:$0x2] =	sbarrier.arrive $0xFFFF  }
0x4d: {  	[sflag:s0] =	ssyncadd.tile.s32 @!p0 $0x1;
	_ =	shalt  }
.Lfunc_end2:
_tile_overlayer_lowered:
.L_overlay_start_2:
0x4e: {  	(tag) =	ssettag $0x2  }
0x4f: {  	s0 =	rddreg [dreg:$0x0];
	s2 =	stileid.u32  }
0x50: {  	s1 =	rddreg [dreg:$0x1];
	p0 =	sne.s32 s2, $0x0  }
0x51: {  	s3 =	rddreg [dreg:$0x2];
	[bflag:$0x3] =	sbarrier.arrive $0xFFFF;
	s2 =	simm.s32 @!p0 $0x1C03  }
0x52: {  	[timem:s3], [sflag:s2] =	dma.local @!p0 [hbm:s0], s1  }
0x53: {  	s0 =	simm.s32 @!p0 $0x3  }
0x54: {  	_ =	swait.ge @!p0 [sflag:s0], s1  }
0x55: {  	s1 =	ssub.s32 @!p0 $0x0, s1;
	[sflag:s0] =	ssyncset.done @!p0 $0x0  }
0x56: {  	[sflag:s0] =	ssyncadd.s32 @!p0 s1  }
0x57: {  	[bflag:$0x3] =	sbarrier.arrive $0xFFFF  }
0x58: {  	_ =	shalt  }

// kernel: kernel.23.cloned.1.call-start
scs
__scs_entry_jumppad:
0x0: {  	(pc) =	sbr.rel $0x88, $3  }
0x1: {  	(tag) =	ssettag $0x0;
	lr =	simm.s32 $0x1  }
0x2: {  	[smem:$0x3F86] =	sst lr;
	_ =	strace $0xD0000000  }
0x3: {  	_ = 	snop  }
0x4: {  	_ = 	snop  }
0x5: {  	_ = 	snop  }
0x6: {  	_ = 	snop  }
0x7: {  	_ = 	snop  }
__scs_overlays_trampoline_lowered:
0x8: {  	[smem:$0x3F95] =	sst s0  }
0x9: {  	[smem:$0x3F96] =	sst s1  }
0xa: {  	[smem:$0x3F97] =	sst s2  }
0xb: {  	[smem:$0x3F98] =	sst s3  }
0xc: {  	[smem:$0x3F99] =	sst s4  }
0xd: {  	[smem:$0x3F9A] =	sst s5  }
0xe: {  	[smem:$0x3F9B] =	sst s6  }
0xf: {  	[smem:$0x3F9C] =	sst s7  }
0x10: {  	[smem:$0x3F9D] =	sst s8  }
0x11: {  	[smem:$0x3F9E] =	sst s9;
	s0 =	simm.s32 @!p0 $0x0  }
0x12: {  	s1 =	sld [smem:$0x3F84];
	s0 =	simm.s32 @p0 $0x1  }
0x13: {  	[smem:$0x3F9F] =	sst s0;
	s0 =	simm.s32 @!p1 $0x0  }
0x14: {  	s2 =	sld [smem:$0x3F83];
	s0 =	simm.s32 @p1 $0x1  }
0x15: {  	[smem:$0x3FA0] =	sst s0;
	s0 =	simm.s32 @!p2 $0x0  }
0x16: {  	s3 =	sld [smem:$0x3FDB];
	s0 =	simm.s32 @p2 $0x1  }
0x17: {  	s4 =	simm.s32 $0x1BF5;
	[smem:$0x3FA2] =	sst s0  }
0x18: {  	s0 =	sld [smem:$0x3F85];
	_ =	swait.ge [sflag:s4], $0x0  }
0x19: {  	s7 =	sld [smem:$0x3F86]  }
0x1a: {  	s8 =	sadd.s32 $0xFFFFE003, lr  }
0x1b: {  	s9 =	sadd.s32 $0xFFFFFEF7, lr;
	s5 =	simm.s32 $0xFFFFFFFF;
	p2 =	slt.u32 s8, $0xFFFFF086  }
0x1c: {  	p1 =	slt.u32 s9, $0xF7A;
	s5 =	simm.s32 @!p2 $0x0  }
0x1d: {  	s5 =	simm.s32 @p1 $0x1;
	p0 =	seq.s32 s7, s2  }
0x1e: {  	s7 =	smul.u32 @!p0 $0xF7A, s2;
	p2 =	seq.s32 @!p0 s5, $0x0  }
0x1f: {  	s9 =	smul.u32 $0xF7A, s1;
	s8 =	simm.s32 @!p0 $0x1BF5;
	p2 =	por !p2, p0  }
0x20: {  	[sflag:s8] =	ssyncset.s32 @!p0 $0xFFFFF086;
	s6 =	sadd.s32 @!p0 s3, s7;
	s7 =	simm.s32 @!p0 $0x108  }
0x21: {  	s3 =	sadd.s32 s3, s9;
	s6 =	sadd.s32 @!p0 $0x88, s6;
	s7 =	simm.s32 @p2 $0x1082  }
0x22: {  	[simem:s7], [sflag:s8] =	dma.local @!p0 [hbm:s6], $0xF7A  }
0x23: {  	s9 =	sor.u32 $0xD0000000, s2;
	s6 =	simm.s32 $0x108;
	_ =	swait.ge @!p0 [sflag:s8], $0x0  }
0x24: {  	s3 =	sadd.s32 $0x88, s3;
	s6 =	simm.s32 @!p1 $0x1082;
	[sflag:s4] =	ssyncset.s32 $0xFFFFF086  }
0x25: {  	[simem:s6], [sflag:s4] =	dma.local [hbm:s3], $0xF7A  }
0x26: {  	[smem:$0x3F86] =	sst s1;
	(tag) =	ssettag s2;
	_ =	strace s9  }
0x27: {  	s1 =	sld [smem:$0x3F96]  }
0x28: {  	s2 =	sld [smem:$0x3F97]  }
0x29: {  	s4 =	sld [smem:$0x3F99]  }
0x2a: {  	p0 =	seq.s32 s5, $0x0;
	s5 =	sld [smem:$0x3F9A]  }
0x2b: {  	s6 =	sld [smem:$0x3F9B]  }
0x2c: {  	s7 =	sld [smem:$0x3F9C]  }
0x2d: {  	s3 =	simm.s32 $0x108;
	s8 =	sld [smem:$0x3F9D]  }
0x2e: {  	s3 =	simm.s32 @!p0 $0x1082;
	s9 =	sld [smem:$0x3F9E]  }
0x2f: {  	lr =	sadd.s32 s0, s3;
	s0 =	sld [smem:$0x3F95]  }
0x30: {  	s3 =	sld [smem:$0x3F98]  }
0x31: {  	[smem:$0x3FA1] =	sst s10  }
0x32: {  	s10 =	sld [smem:$0x3F9F];
	_ =	sdelay $0x3  }
0x33: {  	p0 =	seq.s32 s10, $0x1;
	s10 =	sld [smem:$0x3FA1];
	_ =	sdelay $0x3  }
0x34: {  	[smem:$0x3FA1] =	sst s10  }
0x35: {  	s10 =	sld [smem:$0x3FA0];
	_ =	sdelay $0x3  }
0x36: {  	p1 =	seq.s32 s10, $0x1;
	s10 =	sld [smem:$0x3FA1];
	_ =	sdelay $0x3  }
0x37: {  	[smem:$0x3FA1] =	sst s10  }
0x38: {  	s10 =	sld [smem:$0x3FA2]  }
0x39: {  	_ = 	snop;
	(pc) =	sbr.ind lr, $3  }
0x3a: {  	_ = 	snop  }
0x3b: {  	_ = 	snop  }
0x3c: {  	p2 =	seq.s32 s10, $0x1;
	s10 =	sld [smem:$0x3FA1]  }
0x3d: {  	_ =	shalt  }
0x3e: {  	_ =	shalt  }
0x3f: {  	_ =	shalt  }
0x40: {  	_ =	shalt  }
0x41: {  	_ =	shalt  }
0x42: {  	_ =	shalt  }
0x43: {  	_ =	shalt  }
0x44: {  	_ =	shalt  }
0x45: {  	_ =	shalt  }
0x46: {  	_ =	shalt  }
0x47: {  	_ =	shalt  }
0x48: {  	_ =	shalt  }
0x49: {  	_ =	shalt  }
0x4a: {  	_ =	shalt  }
0x4b: {  	_ =	shalt  }
0x4c: {  	_ =	shalt  }
0x4d: {  	_ =	shalt  }
0x4e: {  	_ =	shalt  }
0x4f: {  	_ =	shalt  }
0x50: {  	_ =	shalt  }
0x51: {  	_ =	shalt  }
0x52: {  	_ =	shalt  }
0x53: {  	_ =	shalt  }
0x54: {  	_ =	shalt  }
0x55: {  	_ =	shalt  }
0x56: {  	_ =	shalt  }
0x57: {  	_ =	shalt  }
0x58: {  	_ =	shalt  }
0x59: {  	_ =	shalt  }
0x5a: {  	_ =	shalt  }
0x5b: {  	_ =	shalt  }
0x5c: {  	_ =	shalt  }
0x5d: {  	_ =	shalt  }
0x5e: {  	_ =	shalt  }
0x5f: {  	_ =	shalt  }
0x60: {  	_ =	shalt  }
0x61: {  	_ =	shalt  }
0x62: {  	_ =	shalt  }
0x63: {  	_ =	shalt  }
0x64: {  	_ =	shalt  }
0x65: {  	_ =	shalt  }
0x66: {  	_ =	shalt  }
0x67: {  	_ =	shalt  }
0x68: {  	_ =	shalt  }
0x69: {  	_ =	shalt  }
0x6a: {  	_ =	shalt  }
0x6b: {  	_ =	shalt  }
0x6c: {  	_ =	shalt  }
0x6d: {  	_ =	shalt  }
0x6e: {  	_ =	shalt  }
0x6f: {  	_ =	shalt  }
0x70: {  	_ =	shalt  }
0x71: {  	_ =	shalt  }
0x72: {  	_ =	shalt  }
0x73: {  	_ =	shalt  }
0x74: {  	_ =	shalt  }
0x75: {  	_ =	shalt  }
0x76: {  	_ =	shalt  }
0x77: {  	_ =	shalt  }
0x78: {  	_ =	shalt  }
0x79: {  	_ =	shalt  }
0x7a: {  	_ =	shalt  }
0x7b: {  	_ =	shalt  }
0x7c: {  	_ =	shalt  }
0x7d: {  	_ =	shalt  }
0x7e: {  	_ =	shalt  }
0x7f: {  	_ =	shalt  }
0x80: {  	_ =	shalt  }
0x81: {  	_ =	shalt  }
0x82: {  	_ =	shalt  }
0x83: {  	_ =	shalt  }
0x84: {  	_ =	shalt  }
0x85: {  	_ =	shalt  }
0x86: {  	_ =	shalt  }
0x87: {  	_ =	shalt  }
.Lfunc_end0:
.L_simem_size_0:
called_computation.1_lowered:
.L_overlay_start_0:
0x88: {  	s2 =	sld [smem:$0x3FD9]  }
0x89: {  	s3 =	sld [smem:$0x3FFE];
	_ =	sdelay $0x1  }
0x8a: {  	s1 =	srdreg.scid  }
0x8b: {  	s0 =	sand.u32 $0x1, s1  }
0x8c: {  	s16 =	sshll.u32 s0, $0xA;
	s2 =	sadd.s32 s3, s2  }
0x8d: {  	s2 =	sadd.s32 s2, s16  }
0x8e: {  	[smem:$0x3FAD] =	sst s2  }
0x8f: {  	_ = 	snop  }
0x90: {  	(tm) =	ssettm $0x1  }
0x91: {  	s17 =	sld [smem:$0x3FFB];
	_ =	sdelay $0x3  }
0x92: {  	_ =	strace s17  }
0x93: {  	s2 =	sld [smem:$0x3FFC];
	_ =	sdelay $0x3  }
0x94: {  	_ =	strace s2  }
0x95: {  	s2 =	sld [smem:$0x3FFD];
	_ =	sdelay $0x3  }
0x96: {  	_ =	strace s2  }
0x97: {  	_ =	strace $0x8FFFFFFF  }
0x98: {  	s18 =	sld [smem:$0x3FDB];
	_ =	sdelay $0x1  }
0x99: {  	s19 =	simm.s32 $_scs_section_size  }
0x9a: {  	s4 =	simm.s32 $_size__tile_overlayer_lowered;
	s5 =	simm.s32 $_tile_overlayer_lowered  }
0x9b: {  	s22 =	simm.s32 $0x1BFF;
	s21 =	sshll.u32 s5, $0x1;
	s2 =	sadd.s32 s19, s18  }
0x9c: {  	s6 =	simm.s32 $0x0;
	s20 =	sshll.u32 s4, $0x1;
	s4 =	sadd.s32 s21, s2  }
0x9d: {  	[timem:s6], [sflag:s22] =	dma.local [hbm:s4], s20  }
0x9e: {  	_ =	swait.ge [sflag:s22], s20  }
0x9f: {  	s3 =	ssub.s32 $0x0, s20;
	[sflag:s22] =	ssyncset.done $0x0  }
0xa0: {  	[sflag:s22] =	ssyncadd.s32 s3;
	_ =	sdelay $0x1  }
0xa1: {  	s23 =	simm.s32 $0x1B8B  }
0xa2: {  	_ =	swait.ge [sflag:s23], $0x1  }
0xa3: {  	[sflag:s23] =	ssyncset.done $0x0  }
0xa4: {  	s25 =	simm.s32 $0x1B8E;
	s24 =	sld [smem:$0x3FFE];
	[sflag:s23] =	ssyncadd.s32 $0xFFFFFFFF  }
0xa5: {  	s26 =	simm.s32 $execute0_lowered;
	[smem:$0x3FD2] =	sst s25  }
0xa6: {  	s4 =	sshll.u32 s26, $0x1;
	_ =	strace $0x80000049;
	[dreg:$0x1] =	wrdreg $0xFFFFFFFF  }
0xa7: {  	s28 =	simm.s32 $_size_execute0_lowered;
	s2 =	sadd.s32 s2, s4;
	[dreg:$0x0] =	wrdreg $0x0  }
0xa8: {  	s4 =	sshll.u32 s28, $0x1;
	[dreg:$0x2] =	wrdreg s2  }
0xa9: {  	[dreg:$0x3] =	wrdreg s4  }
0xaa: {  	[dreg:$0x4] =	wrdreg $0xC0  }
0xab: {  	_ =	task [dreg:s6], $0x5FFFF  }
0xac: {  	[dreg:$0x1] =	wrdreg $0xFFFFFFFF  }
0xad: {  	[dreg:$0x0] =	wrdreg $0x60  }
0xae: {  	[dreg:$0x2] =	wrdreg s24  }
0xaf: {  	[dreg:$0x3] =	wrdreg $0x68000  }
0xb0: {  	[dreg:$0x4] =	wrdreg $0x9  }
0xb1: {  	_ =	task.clear_ibuf [dreg:s6], $0x5FFFF;
	_ =	strace $0x90000049  }
0xb2: {  	s29 =	simm.s32 $0x9;
	_ =	strace $0x8000004B  }
0xb3: {  	_ =	swait.ge [sflag:s29], $0x1  }
0xb4: {  	[sflag:s29] =	ssyncadd.s32 $0xFFFFFFFF  }
0xb5: {  	_ =	strace $0x9000004B  }
0xb6: {  	_ =	sfence  }
0xb7: {  	s30 =	sld [smem:$0x0];
	_ =	sdelay $0x2  }
0xb8: {  	s31 =	sshll.u32 s1, $0xD;
	s1 =	sshrl.u32 s1, $0x2  }
0xb9: {  	s3 =	sand.u32 $0x4000, s31;
	s1 =	sadd.s32 s1, s30  }
0xba: {  	s0 =	sor.u32 s3, s0;
	s1 =	sshll.u32 s1, $0x11  }
0xbb: {  	s0 =	sor.u32 s1, s0  }
0xbc: {  	s0 =	sadd.s32 $0x8F2B, s0  }
0xbd: {  	[sflag:s0] =	ssyncadd.remote.s32 $0x1  }
0xbe: {  	_ =	sfence.sel $0xFFFF  }
0xbf: {  	[dreg:$0x0] =	wrdreg $0xFFFFFFFF;
	(pc) =	sbr.abs _section_cstart, $3  }
0xc0: {  	[dreg:$0x1] =	wrdreg $0xFFFFFFFF  }
0xc1: {  	_ =	task.clear_ibuf [dreg:s6], $0x2FFFF;
	_ =	strace $0x9FFFFFFF  }
0xc2: {  	(tm) =	ssettm $0x7FFFFFFF  }
0xc3: {  	_ =	shalt  }
tec
execute0_lowered:
.L_overlay_start_1:
0x0: {  	(tag) =	ssettag $0x1  }
0x1: {  	s4 =	rddreg [dreg:$0x0]  }
0x2: {  	s2 =	rddreg [dreg:$0x1]  }
0x3: {  	s0 =	rddreg [dreg:$0x2];
	s1 =	stileid.u32  }
0x4: {  	s3 =	simm.s32 $0x0;
	s6 =	srdreg.scid;
	s14 =	simm.s32 $0x50  }
0x5: {  	s15 =	simm.s32 $0x0;
	s5 =	smul.u32 $0x4E200, s1;
	[smem:$0x7FF] =	sst s3  }
0x6: {  	s6 =	sand.u32 $0x1, s6;
	s7 =	smul.u32 $0x14000, s1;
	s8 =	sshll.u32 s1, $0xC  }
0x7: {  	s28 =	smul.u32 $0x50000, s1;
	s31 =	sshll.u32 s1, $0x6;
	s9 =	sshll.u32 s6, $0xB  }
0x8: {  	s10 =	smul.u32 $0x140000, s6;
	_ =	strace $0x8000004A;
	s26 =	ssub.s32 $0x2, s6  }
0x9: {  	s12 =	smul.u32 $0x27100, s6;
	s11 =	sadd.s32 s5, s4;
	s24 =	sor.u32 s9, s8  }
0xa: {  	s25 =	sshrl.u32 s7, $0x3;
	s29 =	sshrl.u32 s26, $0x1;
	s5 =	sadd.s32 s24, s4  }
0xb: {  	s7 =	sadd.s32 s7, s10;
	s8 =	sadd.s32 s25, s4;
	s9 =	ssub.s32 s26, s29  }
0xc: {  	s10 =	sshrl.u32 s28, $0x2;
	s30 =	sadd.s32 s12, s11;
	s12 =	simm.s32 $0x4000  }
0xd: {  	s7 =	sshrl.u32 s7, $0x3;
	s13 =	sadd.s32 s10, s2;
	s10 =	sor.u32 $0x1C02, s31  }
0xe: {  	s7 =	sadd.s32 s7, s4;
	s4 =	sadd.s32 $0x8A00, s5;
	s5 =	sadd.s32 $0x76E00, s8  }
0xf: {  	s8 =	sadd.s32 $0x13FEE00, s30;
	s11 =	sshrl.u32 s13, $0x3;
	s13 =	simm.s32 $0x1  }
0x10: {  	s6 =	sadd.s32 $0x9EE00, s7;
	s7 =	smax.u32 s9, $0x1;
	s9 =	simm.s32 $0x2  }
.LBB2_1:
0x11: {  	[tilespmem:s3], [sflag:$0x2] =	stream.linear.gather [hbm4b:s4+s3], $0x3E80, $0x38;
	[tilespmem:$0x1A800] =	vst v63  }
0x12: {  	_ =	swait.ge [sflag:s9], $0x3E80  }
0x13: {  	[sflag:s9] =	ssyncset.done $0x0  }
0x14: {  	[sflag:s9] =	ssyncadd.s32 $0xFFFFC180  }
0x15: {  	[spmem:s11], [sflag:s10] =	dma.local [hbm:s5], $0x2800  }
0x16: {  	_ =	swait.ge [sflag:s9], $0x2800  }
0x17: {  	[sflag:s9] =	ssyncset.done $0x0  }
0x18: {  	[sflag:s9] =	ssyncadd.s32 $0xFFFFD800  }
0x19: {  	[bflag:$0x0] =	sbarrier.arrive $0xFFFF  }
0x1a: {  	[tilespmem:s12], [sflag:$0x1] =	stream.linear.gather [hbm4b:s8+s3], $0x2800, $0x38;
	[tilespmem:$0x1A800] =	vst v63  }
0x1b: {  	_ =	swait.ge [sflag:s13], $0x2800  }
0x1c: {  	[sflag:s13] =	ssyncset.done $0x0  }
0x1d: {  	s16 =	simm.s32 $0x0;
	[sflag:s13] =	ssyncadd.s32 $0xFFFFD800  }
0x1e: {  	[spmem:s2] =	stream.indirect.scatter.add.f32 [tilespmem:s12], [sflag:$0x2], $0x80, s16, s14, $0xb8;
	[tilespmem:$0x1A800] =	vst v63  }
0x1f: {  	_ =	swait.ge [sflag:s9], $0x2800  }
0x20: {  	s17 =	smov.u32 s8;
	s16 =	simm.s32 $0x200;
	[sflag:s9] =	ssyncset.done $0x0  }
.LBB2_2:
0x21: {  	p0 =	sne.s32 s16, $0xF800;
	[sflag:s9] =	ssyncadd.s32 $0xFFFFD800;
	s17 =	sadd.s32 $0x500, s17  }
0x22: {  	[tilespmem:s12], [sflag:$0x1] =	stream.linear.gather [hbm4b:s17+s3], $0x2800, $0x38;
	[tilespmem:$0x1A800] =	vst v63  }
0x23: {  	s18 =	smov.u32 s16;
	s16 =	sadd.s32 $0x200, s16;
	_ =	swait.ge [sflag:s13], $0x2800  }
.Ltmp0:
0x24: {  	[sflag:s13] =	ssyncset.done $0x0;
	(pc) =	sbr.rel @p0 .LBB2_2-.Ltmp0, $4  }
0x25: {  	s18 =	sshra.s32 s18, $0x2;
	[sflag:s13] =	ssyncadd.s32 $0xFFFFD800  }
0x26: {  	[spmem:s2] =	stream.indirect.scatter.add.f32 [tilespmem:s12], [sflag:$0x2], $0x80, s18, s14, $0xb8;
	[tilespmem:$0x1A800] =	vst v63  }
0x27: {  	_ =	swait.ge [sflag:s9], $0x2800  }
0x28: {  	[sflag:s9] =	ssyncset.done $0x0  }
0x29: {  	s15 =	sadd.s32 $0x1, s15  }
0x2a: {  	[sflag:s9] =	ssyncadd.s32 $0xFFFFD800;
	p0 =	sne.s32 s15, s7  }
.Ltmp1:
0x2b: {  	[bflag:$0x0] =	sbarrier.arrive $0xFFFF;
	(pc) =	sbr.rel @p0 .LBB2_1-.Ltmp1, $4  }
0x2c: {  	[hbm:s6], [sflag:s10] =	dma.local [spmem:s11], $0x2800  }
0x2d: {  	_ =	swait.ge [sflag:s9], $0x2800  }
0x2e: {  	[sflag:s9] =	ssyncset.done $0x0  }
0x2f: {  	[sflag:s9] =	ssyncadd.s32 $0xFFFFD800  }
0x30: {  	_ =	sfence.sel $0x180000  }
0x31: {  	[bflag:$0x0] =	sbarrier.arrive $0xFFFF  }
0x32: {  	p0 =	sne.s32 s1, $0x0;
	_ =	strace $0x9000004A  }
0x33: {  	s0 =	sadd.s32 @!p0 $0x100000, s0;
	[bflag:$0x2] =	sbarrier.arrive $0xFFFF  }
0x34: {  	[sflag:s0] =	ssyncadd.tile.s32 @!p0 $0x1;
	_ =	shalt  }
.Lfunc_end2:
_tile_overlayer_lowered:
.L_overlay_start_2:
0x35: {  	(tag) =	ssettag $0x2  }
0x36: {  	s0 =	rddreg [dreg:$0x0];
	s2 =	stileid.u32  }
0x37: {  	s1 =	rddreg [dreg:$0x1];
	p0 =	sne.s32 s2, $0x0  }
0x38: {  	s3 =	rddreg [dreg:$0x2];
	[bflag:$0x3] =	sbarrier.arrive $0xFFFF;
	s2 =	simm.s32 @!p0 $0x1C02  }
0x39: {  	[timem:s3], [sflag:s2] =	dma.local @!p0 [hbm:s0], s1  }
0x3a: {  	s0 =	simm.s32 @!p0 $0x2  }
0x3b: {  	_ =	swait.ge @!p0 [sflag:s0], s1  }
0x3c: {  	s1 =	ssub.s32 @!p0 $0x0, s1;
	[sflag:s0] =	ssyncset.done @!p0 $0x0  }
0x3d: {  	[sflag:s0] =	ssyncadd.s32 @!p0 s1  }
0x3e: {  	[bflag:$0x3] =	sbarrier.arrive $0xFFFF  }
0x3f: {  	_ =	shalt  }

// kernel: kernel.26.cloned.1.call-start
scs
__scs_entry_jumppad:
0x0: {  	(pc) =	sbr.rel $0x88, $3  }
0x1: {  	(tag) =	ssettag $0x0;
	lr =	simm.s32 $0x1  }
0x2: {  	[smem:$0x3F86] =	sst lr;
	_ =	strace $0xD0000000  }
0x3: {  	_ = 	snop  }
0x4: {  	_ = 	snop  }
0x5: {  	_ = 	snop  }
0x6: {  	_ = 	snop  }
0x7: {  	_ = 	snop  }
__scs_overlays_trampoline_lowered:
0x8: {  	[smem:$0x3F95] =	sst s0  }
0x9: {  	[smem:$0x3F96] =	sst s1  }
0xa: {  	[smem:$0x3F97] =	sst s2  }
0xb: {  	[smem:$0x3F98] =	sst s3  }
0xc: {  	[smem:$0x3F99] =	sst s4  }
0xd: {  	[smem:$0x3F9A] =	sst s5  }
0xe: {  	[smem:$0x3F9B] =	sst s6  }
0xf: {  	[smem:$0x3F9C] =	sst s7  }
0x10: {  	[smem:$0x3F9D] =	sst s8  }
0x11: {  	[smem:$0x3F9E] =	sst s9;
	s0 =	simm.s32 @!p0 $0x0  }
0x12: {  	s1 =	sld [smem:$0x3F84];
	s0 =	simm.s32 @p0 $0x1  }
0x13: {  	[smem:$0x3F9F] =	sst s0;
	s0 =	simm.s32 @!p1 $0x0  }
0x14: {  	s2 =	sld [smem:$0x3F83];
	s0 =	simm.s32 @p1 $0x1  }
0x15: {  	[smem:$0x3FA0] =	sst s0;
	s0 =	simm.s32 @!p2 $0x0  }
0x16: {  	s3 =	sld [smem:$0x3FDB];
	s0 =	simm.s32 @p2 $0x1  }
0x17: {  	s4 =	simm.s32 $0x1BF5;
	[smem:$0x3FA2] =	sst s0  }
0x18: {  	s0 =	sld [smem:$0x3F85];
	_ =	swait.ge [sflag:s4], $0x0  }
0x19: {  	s7 =	sld [smem:$0x3F86]  }
0x1a: {  	s8 =	sadd.s32 $0xFFFFE003, lr  }
0x1b: {  	s9 =	sadd.s32 $0xFFFFFEF7, lr;
	s5 =	simm.s32 $0xFFFFFFFF;
	p2 =	slt.u32 s8, $0xFFFFF086  }
0x1c: {  	p1 =	slt.u32 s9, $0xF7A;
	s5 =	simm.s32 @!p2 $0x0  }
0x1d: {  	s5 =	simm.s32 @p1 $0x1;
	p0 =	seq.s32 s7, s2  }
0x1e: {  	s7 =	smul.u32 @!p0 $0xF7A, s2;
	p2 =	seq.s32 @!p0 s5, $0x0  }
0x1f: {  	s9 =	smul.u32 $0xF7A, s1;
	s8 =	simm.s32 @!p0 $0x1BF5;
	p2 =	por !p2, p0  }
0x20: {  	[sflag:s8] =	ssyncset.s32 @!p0 $0xFFFFF086;
	s6 =	sadd.s32 @!p0 s3, s7;
	s7 =	simm.s32 @!p0 $0x108  }
0x21: {  	s3 =	sadd.s32 s3, s9;
	s6 =	sadd.s32 @!p0 $0x88, s6;
	s7 =	simm.s32 @p2 $0x1082  }
0x22: {  	[simem:s7], [sflag:s8] =	dma.local @!p0 [hbm:s6], $0xF7A  }
0x23: {  	s9 =	sor.u32 $0xD0000000, s2;
	s6 =	simm.s32 $0x108;
	_ =	swait.ge @!p0 [sflag:s8], $0x0  }
0x24: {  	s3 =	sadd.s32 $0x88, s3;
	s6 =	simm.s32 @!p1 $0x1082;
	[sflag:s4] =	ssyncset.s32 $0xFFFFF086  }
0x25: {  	[simem:s6], [sflag:s4] =	dma.local [hbm:s3], $0xF7A  }
0x26: {  	[smem:$0x3F86] =	sst s1;
	(tag) =	ssettag s2;
	_ =	strace s9  }
0x27: {  	s1 =	sld [smem:$0x3F96]  }
0x28: {  	s2 =	sld [smem:$0x3F97]  }
0x29: {  	s4 =	sld [smem:$0x3F99]  }
0x2a: {  	p0 =	seq.s32 s5, $0x0;
	s5 =	sld [smem:$0x3F9A]  }
0x2b: {  	s6 =	sld [smem:$0x3F9B]  }
0x2c: {  	s7 =	sld [smem:$0x3F9C]  }
0x2d: {  	s3 =	simm.s32 $0x108;
	s8 =	sld [smem:$0x3F9D]  }
0x2e: {  	s3 =	simm.s32 @!p0 $0x1082;
	s9 =	sld [smem:$0x3F9E]  }
0x2f: {  	lr =	sadd.s32 s0, s3;
	s0 =	sld [smem:$0x3F95]  }
0x30: {  	s3 =	sld [smem:$0x3F98]  }
0x31: {  	[smem:$0x3FA1] =	sst s10  }
0x32: {  	s10 =	sld [smem:$0x3F9F];
	_ =	sdelay $0x3  }
0x33: {  	p0 =	seq.s32 s10, $0x1;
	s10 =	sld [smem:$0x3FA1];
	_ =	sdelay $0x3  }
0x34: {  	[smem:$0x3FA1] =	sst s10  }
0x35: {  	s10 =	sld [smem:$0x3FA0];
	_ =	sdelay $0x3  }
0x36: {  	p1 =	seq.s32 s10, $0x1;
	s10 =	sld [smem:$0x3FA1];
	_ =	sdelay $0x3  }
0x37: {  	[smem:$0x3FA1] =	sst s10  }
0x38: {  	s10 =	sld [smem:$0x3FA2]  }
0x39: {  	_ = 	snop;
	(pc) =	sbr.ind lr, $3  }
0x3a: {  	_ = 	snop  }
0x3b: {  	_ = 	snop  }
0x3c: {  	p2 =	seq.s32 s10, $0x1;
	s10 =	sld [smem:$0x3FA1]  }
0x3d: {  	_ =	shalt  }
0x3e: {  	_ =	shalt  }
0x3f: {  	_ =	shalt  }
0x40: {  	_ =	shalt  }
0x41: {  	_ =	shalt  }
0x42: {  	_ =	shalt  }
0x43: {  	_ =	shalt  }
0x44: {  	_ =	shalt  }
0x45: {  	_ =	shalt  }
0x46: {  	_ =	shalt  }
0x47: {  	_ =	shalt  }
0x48: {  	_ =	shalt  }
0x49: {  	_ =	shalt  }
0x4a: {  	_ =	shalt  }
0x4b: {  	_ =	shalt  }
0x4c: {  	_ =	shalt  }
0x4d: {  	_ =	shalt  }
0x4e: {  	_ =	shalt  }
0x4f: {  	_ =	shalt  }
0x50: {  	_ =	shalt  }
0x51: {  	_ =	shalt  }
0x52: {  	_ =	shalt  }
0x53: {  	_ =	shalt  }
0x54: {  	_ =	shalt  }
0x55: {  	_ =	shalt  }
0x56: {  	_ =	shalt  }
0x57: {  	_ =	shalt  }
0x58: {  	_ =	shalt  }
0x59: {  	_ =	shalt  }
0x5a: {  	_ =	shalt  }
0x5b: {  	_ =	shalt  }
0x5c: {  	_ =	shalt  }
0x5d: {  	_ =	shalt  }
0x5e: {  	_ =	shalt  }
0x5f: {  	_ =	shalt  }
0x60: {  	_ =	shalt  }
0x61: {  	_ =	shalt  }
0x62: {  	_ =	shalt  }
0x63: {  	_ =	shalt  }
0x64: {  	_ =	shalt  }
0x65: {  	_ =	shalt  }
0x66: {  	_ =	shalt  }
0x67: {  	_ =	shalt  }
0x68: {  	_ =	shalt  }
0x69: {  	_ =	shalt  }
0x6a: {  	_ =	shalt  }
0x6b: {  	_ =	shalt  }
0x6c: {  	_ =	shalt  }
0x6d: {  	_ =	shalt  }
0x6e: {  	_ =	shalt  }
0x6f: {  	_ =	shalt  }
0x70: {  	_ =	shalt  }
0x71: {  	_ =	shalt  }
0x72: {  	_ =	shalt  }
0x73: {  	_ =	shalt  }
0x74: {  	_ =	shalt  }
0x75: {  	_ =	shalt  }
0x76: {  	_ =	shalt  }
0x77: {  	_ =	shalt  }
0x78: {  	_ =	shalt  }
0x79: {  	_ =	shalt  }
0x7a: {  	_ =	shalt  }
0x7b: {  	_ =	shalt  }
0x7c: {  	_ =	shalt  }
0x7d: {  	_ =	shalt  }
0x7e: {  	_ =	shalt  }
0x7f: {  	_ =	shalt  }
0x80: {  	_ =	shalt  }
0x81: {  	_ =	shalt  }
0x82: {  	_ =	shalt  }
0x83: {  	_ =	shalt  }
0x84: {  	_ =	shalt  }
0x85: {  	_ =	shalt  }
0x86: {  	_ =	shalt  }
0x87: {  	_ =	shalt  }
.Lfunc_end0:
.L_simem_size_0:
called_computation.2_lowered:
.L_overlay_start_0:
0x88: {  	s2 =	sld [smem:$0x3FD9]  }
0x89: {  	s3 =	sld [smem:$0x3FFE];
	_ =	sdelay $0x1  }
0x8a: {  	s1 =	srdreg.scid  }
0x8b: {  	s0 =	sand.u32 $0x1, s1  }
0x8c: {  	s16 =	sshll.u32 s0, $0xA;
	s2 =	sadd.s32 s3, s2  }
0x8d: {  	s2 =	sadd.s32 s2, s16  }
0x8e: {  	[smem:$0x3FAD] =	sst s2  }
0x8f: {  	_ = 	snop  }
0x90: {  	(tm) =	ssettm $0x1  }
0x91: {  	s17 =	sld [smem:$0x3FFB];
	_ =	sdelay $0x3  }
0x92: {  	_ =	strace s17  }
0x93: {  	s2 =	sld [smem:$0x3FFC];
	_ =	sdelay $0x3  }
0x94: {  	_ =	strace s2  }
0x95: {  	s2 =	sld [smem:$0x3FFD];
	_ =	sdelay $0x3  }
0x96: {  	_ =	strace s2  }
0x97: {  	_ =	strace $0x8FFFFFFF  }
0x98: {  	s18 =	sld [smem:$0x3FDB];
	_ =	sdelay $0x1  }
0x99: {  	s19 =	simm.s32 $_scs_section_size  }
0x9a: {  	s4 =	simm.s32 $_size__tile_overlayer_lowered;
	s5 =	simm.s32 $_tile_overlayer_lowered  }
0x9b: {  	s22 =	simm.s32 $0x1BFF;
	s21 =	sshll.u32 s5, $0x1;
	s2 =	sadd.s32 s19, s18  }
0x9c: {  	s6 =	simm.s32 $0x0;
	s20 =	sshll.u32 s4, $0x1;
	s4 =	sadd.s32 s21, s2  }
0x9d: {  	[timem:s6], [sflag:s22] =	dma.local [hbm:s4], s20  }
0x9e: {  	_ =	swait.ge [sflag:s22], s20  }
0x9f: {  	s3 =	ssub.s32 $0x0, s20;
	[sflag:s22] =	ssyncset.done $0x0  }
0xa0: {  	[sflag:s22] =	ssyncadd.s32 s3;
	_ =	sdelay $0x1  }
0xa1: {  	s23 =	simm.s32 $0x1B8B  }
0xa2: {  	_ =	swait.ge [sflag:s23], $0x1  }
0xa3: {  	[sflag:s23] =	ssyncset.done $0x0  }
0xa4: {  	s25 =	simm.s32 $0x1B8E;
	s24 =	sld [smem:$0x3FFE];
	[sflag:s23] =	ssyncadd.s32 $0xFFFFFFFF  }
0xa5: {  	s26 =	simm.s32 $execute0_lowered;
	[smem:$0x3FD2] =	sst s25  }
0xa6: {  	s4 =	sshll.u32 s26, $0x1;
	_ =	strace $0x8000004C;
	[dreg:$0x1] =	wrdreg $0xFFFFFFFF  }
0xa7: {  	s28 =	simm.s32 $_size_execute0_lowered;
	s2 =	sadd.s32 s2, s4;
	[dreg:$0x0] =	wrdreg $0x0  }
0xa8: {  	s4 =	sshll.u32 s28, $0x1;
	[dreg:$0x2] =	wrdreg s2  }
0xa9: {  	[dreg:$0x3] =	wrdreg s4  }
0xaa: {  	[dreg:$0x4] =	wrdreg $0xC0  }
0xab: {  	_ =	task [dreg:s6], $0x5FFFF  }
0xac: {  	[dreg:$0x1] =	wrdreg $0xFFFFFFFF  }
0xad: {  	[dreg:$0x0] =	wrdreg $0x60  }
0xae: {  	[dreg:$0x2] =	wrdreg s24  }
0xaf: {  	[dreg:$0x3] =	wrdreg $0x9  }
0xb0: {  	_ =	task.clear_ibuf [dreg:s6], $0x4FFFF;
	_ =	strace $0x9000004C  }
0xb1: {  	s29 =	simm.s32 $0x9;
	_ =	strace $0x8000004E  }
0xb2: {  	_ =	swait.ge [sflag:s29], $0x1  }
0xb3: {  	[sflag:s29] =	ssyncadd.s32 $0xFFFFFFFF  }
0xb4: {  	_ =	strace $0x9000004E  }
0xb5: {  	_ =	sfence  }
0xb6: {  	s30 =	sld [smem:$0x0];
	_ =	sdelay $0x2  }
0xb7: {  	s31 =	sshll.u32 s1, $0xD;
	s1 =	sshrl.u32 s1, $0x2  }
0xb8: {  	s3 =	sand.u32 $0x4000, s31;
	s1 =	sadd.s32 s1, s30  }
0xb9: {  	s0 =	sor.u32 s3, s0;
	s1 =	sshll.u32 s1, $0x11  }
0xba: {  	s0 =	sor.u32 s1, s0  }
0xbb: {  	s0 =	sadd.s32 $0x8F2B, s0  }
0xbc: {  	[sflag:s0] =	ssyncadd.remote.s32 $0x1  }
0xbd: {  	_ =	sfence.sel $0xFFFF  }
0xbe: {  	[dreg:$0x0] =	wrdreg $0xFFFFFFFF;
	(pc) =	sbr.abs _section_cstart, $3  }
0xbf: {  	[dreg:$0x1] =	wrdreg $0xFFFFFFFF  }
0xc0: {  	_ =	task.clear_ibuf [dreg:s6], $0x2FFFF;
	_ =	strace $0x9FFFFFFF  }
0xc1: {  	(tm) =	ssettm $0x7FFFFFFF  }
tec
execute0_lowered:
.L_overlay_start_1:
0x0: {  	(tag) =	ssettag $0x1  }
0x1: {  	s4 =	rddreg [dreg:$0x0]  }
0x2: {  	s0 =	rddreg [dreg:$0x1];
	s1 =	simm.s32 $0x0  }
0x3: {  	s5 =	srdreg.scid;
	s2 =	stileid.u32;
	s9 =	simm.s32 $0x3  }
0x4: {  	s10 =	simm.s32 $0x4000;
	s11 =	simm.s32 $0x50;
	s12 =	simm.s32 $0x8000  }
0x5: {  	s13 =	simm.s32 $0xA800;
	s14 =	simm.s32 $0x1;
	s15 =	simm.s32 $0x2  }
0x6: {  	s16 =	simm.s32 $0x0;
	[smem:$0x7FF] =	sst s1;
	s3 =	sadd.s32 $0x4FC00, s4  }
0x7: {  	s5 =	sand.u32 $0x1, s5;
	s6 =	sshll.u32 s2, $0xC;
	s8 =	smul.u32 $0x4E200, s2  }
0x8: {  	_ =	strace $0x8000004D;
	s7 =	sshll.u32 s5, $0xB;
	s30 =	ssub.s32 $0x2, s5  }
0x9: {  	s5 =	smul.u32 $0x27100, s5;
	s6 =	sor.u32 s7, s6;
	s31 =	sshrl.u32 s30, $0x1  }
0xa: {  	s8 =	sadd.s32 s8, s4;
	s6 =	sadd.s32 s6, s4;
	s7 =	ssub.s32 s30, s31  }
0xb: {  	s8 =	sadd.s32 s5, s8;
	s4 =	sadd.s32 $0x8A00, s6;
	s5 =	sadd.s32 $0x3FC00, s6  }
0xc: {  	s6 =	smax.u32 s7, $0x1;
	s7 =	sadd.s32 $0x9EE00, s8;
	s8 =	sadd.s32 $0x13FEE00, s8  }
.LBB2_1:
0xd: {  	[tilespmem:s1], [sflag:$0x3] =	stream.linear.gather [hbm4b:s4+s1], $0x3E80, $0x38;
	[tilespmem:$0xD000] =	vst v63  }
0xe: {  	_ =	swait.ge [sflag:s9], $0x3E80  }
0xf: {  	[sflag:s9] =	ssyncset.done $0x0  }
0x10: {  	[sflag:s9] =	ssyncadd.s32 $0xFFFFC180  }
0x11: {  	[tilespmem:s10], [sflag:$0x3] =	stream.linear.gather [hbm4b:s5+s1], $0x3E80, $0x38;
	[tilespmem:$0xD000] =	vst v63  }
0x12: {  	_ =	swait.ge [sflag:s9], $0x3E80  }
0x13: {  	[sflag:s9] =	ssyncset.done $0x0  }
0x14: {  	s17 =	simm.s32 $0x0;
	[sflag:s9] =	ssyncadd.s32 $0xFFFFC180  }
0x15: {  	[tilespmem:s12], [sflag:$0x1] =	stream.indirect.gather [hbm4b:s3+s11], $0x80, s17, s11, $0xb8;
	[tilespmem:$0xD000] =	vst v63  }
0x16: {  	s31 =	simm.s32 $0x4000  }
0x17: {  	[tilespmem:s13], [sflag:$0x2] =	stream.indirect.gather [hbm4b:s3+s11], $0x80, s31, s11, $0xb8;
	[tilespmem:$0xD000] =	vst v63  }
0x18: {  	_ =	swait.ge [sflag:s14], $0x2800  }
0x19: {  	[sflag:s14] =	ssyncset.done $0x0  }
0x1a: {  	[sflag:s14] =	ssyncadd.s32 $0xFFFFD800  }
0x1b: {  	_ =	swait.ge [sflag:s15], $0x2800  }
0x1c: {  	[sflag:s15] =	ssyncset.done $0x0  }
0x1d: {  	[sflag:s15] =	ssyncadd.s32 $0xFFFFD800  }
0x1e: {  	[hbm4b:s7+s1] =	stream.linear.scatter [tilespmem:s12], [sflag:$0x3], $0x2800, $0x38;
	[tilespmem:$0xD000] =	vst v63  }
0x1f: {  	_ =	swait.ge [sflag:s9], $0x2800  }
0x20: {  	[sflag:s9] =	ssyncset.done $0x0  }
0x21: {  	[sflag:s9] =	ssyncadd.s32 $0xFFFFD800  }
0x22: {  	[hbm4b:s8+s1] =	stream.linear.scatter [tilespmem:s13], [sflag:$0x3], $0x2800, $0x38;
	[tilespmem:$0xD000] =	vst v63  }
0x23: {  	s19 =	simm.s32 $0x200;
	s20 =	simm.s32 $0x400;
	_ =	swait.ge [sflag:s9], $0x2800  }
0x24: {  	s18 =	sadd.s32 $0x500, s7;
	s17 =	sadd.s32 $0x500, s8;
	[sflag:s9] =	ssyncset.done $0x0  }
.LBB2_2:
0x25: {  	s21 =	sshra.s32 s19, $0x2  }
0x26: {  	[sflag:s9] =	ssyncadd.s32 $0xFFFFD800;
	s19 =	smov.u32 s20;
	s22 =	sadd.s32 $0x200, s20  }
0x27: {  	[tilespmem:s12], [sflag:$0x1] =	stream.indirect.gather [hbm4b:s3+s11], $0x80, s21, s11, $0xb8;
	[tilespmem:$0xD000] =	vst v63  }
0x28: {  	p0 =	sne.s32 s20, $0xF800;
	s20 =	sadd.s32 $0x4000, s21  }
0x29: {  	[tilespmem:s13], [sflag:$0x2] =	stream.indirect.gather [hbm4b:s3+s11], $0x80, s20, s11, $0xb8;
	[tilespmem:$0xD000] =	vst v63  }
0x2a: {  	_ =	swait.ge [sflag:s14], $0x2800  }
0x2b: {  	[sflag:s14] =	ssyncset.done $0x0  }
0x2c: {  	[sflag:s14] =	ssyncadd.s32 $0xFFFFD800  }
0x2d: {  	_ =	swait.ge [sflag:s15], $0x2800  }
0x2e: {  	[sflag:s15] =	ssyncset.done $0x0  }
0x2f: {  	[sflag:s15] =	ssyncadd.s32 $0xFFFFD800  }
0x30: {  	[hbm4b:s18+s1] =	stream.linear.scatter [tilespmem:s12], [sflag:$0x3], $0x2800, $0x38;
	[tilespmem:$0xD000] =	vst v63  }
0x31: {  	_ =	swait.ge [sflag:s9], $0x2800  }
.Ltmp0:
0x32: {  	[sflag:s9] =	ssyncset.done $0x0;
	(pc) =	sbr.rel @p0 .LBB2_2-.Ltmp0, $4  }
0x33: {  	[sflag:s9] =	ssyncadd.s32 $0xFFFFD800  }
0x34: {  	[hbm4b:s17+s1] =	stream.linear.scatter [tilespmem:s13], [sflag:$0x3], $0x2800, $0x38;
	[tilespmem:$0xD000] =	vst v63  }
0x35: {  	s20 =	smov.u32 s22;
	_ =	swait.ge [sflag:s9], $0x2800  }
0x36: {  	s18 =	sadd.s32 $0x500, s18;
	s17 =	sadd.s32 $0x500, s17;
	[sflag:s9] =	ssyncset.done $0x0  }
0x37: {  	s19 =	sshra.s32 s19, $0x2;
	[sflag:s9] =	ssyncadd.s32 $0xFFFFD800  }
0x38: {  	[tilespmem:s12], [sflag:$0x1] =	stream.indirect.gather [hbm4b:s3+s11], $0x80, s19, s11, $0xb8;
	[tilespmem:$0xD000] =	vst v63  }
0x39: {  	s19 =	sadd.s32 $0x4000, s19  }
0x3a: {  	[tilespmem:s13], [sflag:$0x2] =	stream.indirect.gather [hbm4b:s3+s11], $0x80, s19, s11, $0xb8;
	[tilespmem:$0xD000] =	vst v63  }
0x3b: {  	_ =	swait.ge [sflag:s14], $0x2800  }
0x3c: {  	[sflag:s14] =	ssyncset.done $0x0  }
0x3d: {  	[sflag:s14] =	ssyncadd.s32 $0xFFFFD800  }
0x3e: {  	_ =	swait.ge [sflag:s15], $0x2800  }
0x3f: {  	[sflag:s15] =	ssyncset.done $0x0  }
0x40: {  	[sflag:s15] =	ssyncadd.s32 $0xFFFFD800  }
0x41: {  	[hbm4b:s18+s1] =	stream.linear.scatter [tilespmem:s12], [sflag:$0x3], $0x2800, $0x38;
	[tilespmem:$0xD000] =	vst v63  }
0x42: {  	s16 =	sadd.s32 $0x1, s16;
	_ =	swait.ge [sflag:s9], $0x2800  }
0x43: {  	p0 =	sne.s32 s16, s6;
	[sflag:s9] =	ssyncset.done $0x0  }
.Ltmp1:
0x44: {  	[sflag:s9] =	ssyncadd.s32 $0xFFFFD800;
	(pc) =	sbr.rel @p0 .LBB2_1-.Ltmp1, $4  }
0x45: {  	[hbm4b:s17+s1] =	stream.linear.scatter [tilespmem:s13], [sflag:$0x3], $0x2800, $0x38;
	[tilespmem:$0xD000] =	vst v63  }
0x46: {  	_ =	swait.ge [sflag:s9], $0x2800  }
0x47: {  	[sflag:s9] =	ssyncset.done $0x0  }
0x48: {  	[sflag:s9] =	ssyncadd.s32 $0xFFFFD800  }
0x49: {  	_ =	sfence.sel $0x180000  }
0x4a: {  	[bflag:$0x0] =	sbarrier.arrive $0xFFFF  }
0x4b: {  	p0 =	sne.s32 s2, $0x0;
	_ =	strace $0x9000004D  }
0x4c: {  	s0 =	sadd.s32 @!p0 $0x100000, s0;
	[bflag:$0x2] =	sbarrier.arrive $0xFFFF  }
0x4d: {  	[sflag:s0] =	ssyncadd.tile.s32 @!p0 $0x1;
	_ =	shalt  }
.Lfunc_end2:
_tile_overlayer_lowered:
.L_overlay_start_2:
0x4e: {  	(tag) =	ssettag $0x2  }
0x4f: {  	s0 =	rddreg [dreg:$0x0];
	s2 =	stileid.u32  }
0x50: {  	s1 =	rddreg [dreg:$0x1];
	p0 =	sne.s32 s2, $0x0  }
0x51: {  	s3 =	rddreg [dreg:$0x2];
	[bflag:$0x3] =	sbarrier.arrive $0xFFFF;
	s2 =	simm.s32 @!p0 $0x1C03  }
0x52: {  	[timem:s3], [sflag:s2] =	dma.local @!p0 [hbm:s0], s1  }
0x53: {  	s0 =	simm.s32 @!p0 $0x3  }
0x54: {  	_ =	swait.ge @!p0 [sflag:s0], s1  }
0x55: {  	s1 =	ssub.s32 @!p0 $0x0, s1;
	[sflag:s0] =	ssyncset.done @!p0 $0x0  }
0x56: {  	[sflag:s0] =	ssyncadd.s32 @!p0 s1  }
0x57: {  	[bflag:$0x3] =	sbarrier.arrive $0xFFFF  }
0x58: {  	_ =	shalt  }

// kernel: kernel.29.cloned.1.call-start
scs
__scs_entry_jumppad:
0x0: {  	(pc) =	sbr.rel $0x88, $3  }
0x1: {  	(tag) =	ssettag $0x0;
	lr =	simm.s32 $0x1  }
0x2: {  	[smem:$0x3F86] =	sst lr;
	_ =	strace $0xD0000000  }
0x3: {  	_ = 	snop  }
0x4: {  	_ = 	snop  }
0x5: {  	_ = 	snop  }
0x6: {  	_ = 	snop  }
0x7: {  	_ = 	snop  }
__scs_overlays_trampoline_lowered:
0x8: {  	[smem:$0x3F95] =	sst s0  }
0x9: {  	[smem:$0x3F96] =	sst s1  }
0xa: {  	[smem:$0x3F97] =	sst s2  }
0xb: {  	[smem:$0x3F98] =	sst s3  }
0xc: {  	[smem:$0x3F99] =	sst s4  }
0xd: {  	[smem:$0x3F9A] =	sst s5  }
0xe: {  	[smem:$0x3F9B] =	sst s6  }
0xf: {  	[smem:$0x3F9C] =	sst s7  }
0x10: {  	[smem:$0x3F9D] =	sst s8  }
0x11: {  	[smem:$0x3F9E] =	sst s9;
	s0 =	simm.s32 @!p0 $0x0  }
0x12: {  	s1 =	sld [smem:$0x3F84];
	s0 =	simm.s32 @p0 $0x1  }
0x13: {  	[smem:$0x3F9F] =	sst s0;
	s0 =	simm.s32 @!p1 $0x0  }
0x14: {  	s2 =	sld [smem:$0x3F83];
	s0 =	simm.s32 @p1 $0x1  }
0x15: {  	[smem:$0x3FA0] =	sst s0;
	s0 =	simm.s32 @!p2 $0x0  }
0x16: {  	s3 =	sld [smem:$0x3FDB];
	s0 =	simm.s32 @p2 $0x1  }
0x17: {  	s4 =	simm.s32 $0x1BF5;
	[smem:$0x3FA2] =	sst s0  }
0x18: {  	s0 =	sld [smem:$0x3F85];
	_ =	swait.ge [sflag:s4], $0x0  }
0x19: {  	s7 =	sld [smem:$0x3F86]  }
0x1a: {  	s8 =	sadd.s32 $0xFFFFE003, lr  }
0x1b: {  	s9 =	sadd.s32 $0xFFFFFEF7, lr;
	s5 =	simm.s32 $0xFFFFFFFF;
	p2 =	slt.u32 s8, $0xFFFFF086  }
0x1c: {  	p1 =	slt.u32 s9, $0xF7A;
	s5 =	simm.s32 @!p2 $0x0  }
0x1d: {  	s5 =	simm.s32 @p1 $0x1;
	p0 =	seq.s32 s7, s2  }
0x1e: {  	s7 =	smul.u32 @!p0 $0xF7A, s2;
	p2 =	seq.s32 @!p0 s5, $0x0  }
0x1f: {  	s9 =	smul.u32 $0xF7A, s1;
	s8 =	simm.s32 @!p0 $0x1BF5;
	p2 =	por !p2, p0  }
0x20: {  	[sflag:s8] =	ssyncset.s32 @!p0 $0xFFFFF086;
	s6 =	sadd.s32 @!p0 s3, s7;
	s7 =	simm.s32 @!p0 $0x108  }
0x21: {  	s3 =	sadd.s32 s3, s9;
	s6 =	sadd.s32 @!p0 $0x88, s6;
	s7 =	simm.s32 @p2 $0x1082  }
0x22: {  	[simem:s7], [sflag:s8] =	dma.local @!p0 [hbm:s6], $0xF7A  }
0x23: {  	s9 =	sor.u32 $0xD0000000, s2;
	s6 =	simm.s32 $0x108;
	_ =	swait.ge @!p0 [sflag:s8], $0x0  }
0x24: {  	s3 =	sadd.s32 $0x88, s3;
	s6 =	simm.s32 @!p1 $0x1082;
	[sflag:s4] =	ssyncset.s32 $0xFFFFF086  }
0x25: {  	[simem:s6], [sflag:s4] =	dma.local [hbm:s3], $0xF7A  }
0x26: {  	[smem:$0x3F86] =	sst s1;
	(tag) =	ssettag s2;
	_ =	strace s9  }
0x27: {  	s1 =	sld [smem:$0x3F96]  }
0x28: {  	s2 =	sld [smem:$0x3F97]  }
0x29: {  	s4 =	sld [smem:$0x3F99]  }
0x2a: {  	p0 =	seq.s32 s5, $0x0;
	s5 =	sld [smem:$0x3F9A]  }
0x2b: {  	s6 =	sld [smem:$0x3F9B]  }
0x2c: {  	s7 =	sld [smem:$0x3F9C]  }
0x2d: {  	s3 =	simm.s32 $0x108;
	s8 =	sld [smem:$0x3F9D]  }
0x2e: {  	s3 =	simm.s32 @!p0 $0x1082;
	s9 =	sld [smem:$0x3F9E]  }
0x2f: {  	lr =	sadd.s32 s0, s3;
	s0 =	sld [smem:$0x3F95]  }
0x30: {  	s3 =	sld [smem:$0x3F98]  }
0x31: {  	[smem:$0x3FA1] =	sst s10  }
0x32: {  	s10 =	sld [smem:$0x3F9F];
	_ =	sdelay $0x3  }
0x33: {  	p0 =	seq.s32 s10, $0x1;
	s10 =	sld [smem:$0x3FA1];
	_ =	sdelay $0x3  }
0x34: {  	[smem:$0x3FA1] =	sst s10  }
0x35: {  	s10 =	sld [smem:$0x3FA0];
	_ =	sdelay $0x3  }
0x36: {  	p1 =	seq.s32 s10, $0x1;
	s10 =	sld [smem:$0x3FA1];
	_ =	sdelay $0x3  }
0x37: {  	[smem:$0x3FA1] =	sst s10  }
0x38: {  	s10 =	sld [smem:$0x3FA2]  }
0x39: {  	_ = 	snop;
	(pc) =	sbr.ind lr, $3  }
0x3a: {  	_ = 	snop  }
0x3b: {  	_ = 	snop  }
0x3c: {  	p2 =	seq.s32 s10, $0x1;
	s10 =	sld [smem:$0x3FA1]  }
0x3d: {  	_ =	shalt  }
0x3e: {  	_ =	shalt  }
0x3f: {  	_ =	shalt  }
0x40: {  	_ =	shalt  }
0x41: {  	_ =	shalt  }
0x42: {  	_ =	shalt  }
0x43: {  	_ =	shalt  }
0x44: {  	_ =	shalt  }
0x45: {  	_ =	shalt  }
0x46: {  	_ =	shalt  }
0x47: {  	_ =	shalt  }
0x48: {  	_ =	shalt  }
0x49: {  	_ =	shalt  }
0x4a: {  	_ =	shalt  }
0x4b: {  	_ =	shalt  }
0x4c: {  	_ =	shalt  }
0x4d: {  	_ =	shalt  }
0x4e: {  	_ =	shalt  }
0x4f: {  	_ =	shalt  }
0x50: {  	_ =	shalt  }
0x51: {  	_ =	shalt  }
0x52: {  	_ =	shalt  }
0x53: {  	_ =	shalt  }
0x54: {  	_ =	shalt  }
0x55: {  	_ =	shalt  }
0x56: {  	_ =	shalt  }
0x57: {  	_ =	shalt  }
0x58: {  	_ =	shalt  }
0x59: {  	_ =	shalt  }
0x5a: {  	_ =	shalt  }
0x5b: {  	_ =	shalt  }
0x5c: {  	_ =	shalt  }
0x5d: {  	_ =	shalt  }
0x5e: {  	_ =	shalt  }
0x5f: {  	_ =	shalt  }
0x60: {  	_ =	shalt  }
0x61: {  	_ =	shalt  }
0x62: {  	_ =	shalt  }
0x63: {  	_ =	shalt  }
0x64: {  	_ =	shalt  }
0x65: {  	_ =	shalt  }
0x66: {  	_ =	shalt  }
0x67: {  	_ =	shalt  }
0x68: {  	_ =	shalt  }
0x69: {  	_ =	shalt  }
0x6a: {  	_ =	shalt  }
0x6b: {  	_ =	shalt  }
0x6c: {  	_ =	shalt  }
0x6d: {  	_ =	shalt  }
0x6e: {  	_ =	shalt  }
0x6f: {  	_ =	shalt  }
0x70: {  	_ =	shalt  }
0x71: {  	_ =	shalt  }
0x72: {  	_ =	shalt  }
0x73: {  	_ =	shalt  }
0x74: {  	_ =	shalt  }
0x75: {  	_ =	shalt  }
0x76: {  	_ =	shalt  }
0x77: {  	_ =	shalt  }
0x78: {  	_ =	shalt  }
0x79: {  	_ =	shalt  }
0x7a: {  	_ =	shalt  }
0x7b: {  	_ =	shalt  }
0x7c: {  	_ =	shalt  }
0x7d: {  	_ =	shalt  }
0x7e: {  	_ =	shalt  }
0x7f: {  	_ =	shalt  }
0x80: {  	_ =	shalt  }
0x81: {  	_ =	shalt  }
0x82: {  	_ =	shalt  }
0x83: {  	_ =	shalt  }
0x84: {  	_ =	shalt  }
0x85: {  	_ =	shalt  }
0x86: {  	_ =	shalt  }
0x87: {  	_ =	shalt  }
.Lfunc_end0:
.L_simem_size_0:
called_computation.3_lowered:
.L_overlay_start_0:
0x88: {  	s2 =	sld [smem:$0x3FD9]  }
0x89: {  	s3 =	sld [smem:$0x3FFE];
	_ =	sdelay $0x1  }
0x8a: {  	s1 =	srdreg.scid  }
0x8b: {  	s0 =	sand.u32 $0x1, s1  }
0x8c: {  	s16 =	sshll.u32 s0, $0xA;
	s2 =	sadd.s32 s3, s2  }
0x8d: {  	s2 =	sadd.s32 s2, s16  }
0x8e: {  	[smem:$0x3FAD] =	sst s2  }
0x8f: {  	_ = 	snop  }
0x90: {  	(tm) =	ssettm $0x1  }
0x91: {  	s17 =	sld [smem:$0x3FFB];
	_ =	sdelay $0x3  }
0x92: {  	_ =	strace s17  }
0x93: {  	s2 =	sld [smem:$0x3FFC];
	_ =	sdelay $0x3  }
0x94: {  	_ =	strace s2  }
0x95: {  	s2 =	sld [smem:$0x3FFD];
	_ =	sdelay $0x3  }
0x96: {  	_ =	strace s2  }
0x97: {  	_ =	strace $0x8FFFFFFF  }
0x98: {  	s18 =	sld [smem:$0x3FDB];
	_ =	sdelay $0x1  }
0x99: {  	s19 =	simm.s32 $_scs_section_size  }
0x9a: {  	s4 =	simm.s32 $_size__tile_overlayer_lowered;
	s5 =	simm.s32 $_tile_overlayer_lowered  }
0x9b: {  	s22 =	simm.s32 $0x1BFF;
	s21 =	sshll.u32 s5, $0x1;
	s2 =	sadd.s32 s19, s18  }
0x9c: {  	s6 =	simm.s32 $0x0;
	s20 =	sshll.u32 s4, $0x1;
	s4 =	sadd.s32 s21, s2  }
0x9d: {  	[timem:s6], [sflag:s22] =	dma.local [hbm:s4], s20  }
0x9e: {  	_ =	swait.ge [sflag:s22], s20  }
0x9f: {  	s3 =	ssub.s32 $0x0, s20;
	[sflag:s22] =	ssyncset.done $0x0  }
0xa0: {  	[sflag:s22] =	ssyncadd.s32 s3;
	_ =	sdelay $0x1  }
0xa1: {  	s23 =	simm.s32 $0x1B8B  }
0xa2: {  	_ =	swait.ge [sflag:s23], $0x1  }
0xa3: {  	[sflag:s23] =	ssyncset.done $0x0  }
0xa4: {  	s25 =	simm.s32 $0x1B8E;
	s24 =	sld [smem:$0x3FFE];
	[sflag:s23] =	ssyncadd.s32 $0xFFFFFFFF  }
0xa5: {  	s26 =	simm.s32 $execute0_lowered;
	[smem:$0x3FD2] =	sst s25  }
0xa6: {  	s4 =	sshll.u32 s26, $0x1;
	_ =	strace $0x8000004F;
	[dreg:$0x1] =	wrdreg $0xFFFFFFFF  }
0xa7: {  	s28 =	simm.s32 $_size_execute0_lowered;
	s2 =	sadd.s32 s2, s4;
	[dreg:$0x0] =	wrdreg $0x0  }
0xa8: {  	s4 =	sshll.u32 s28, $0x1;
	[dreg:$0x2] =	wrdreg s2  }
0xa9: {  	[dreg:$0x3] =	wrdreg s4  }
0xaa: {  	[dreg:$0x4] =	wrdreg $0xC0  }
0xab: {  	_ =	task [dreg:s6], $0x5FFFF  }
0xac: {  	[dreg:$0x1] =	wrdreg $0xFFFFFFFF  }
0xad: {  	[dreg:$0x0] =	wrdreg $0x60  }
0xae: {  	[dreg:$0x2] =	wrdreg s24  }
0xaf: {  	[dreg:$0x3] =	wrdreg $0x68000  }
0xb0: {  	[dreg:$0x4] =	wrdreg $0x9  }
0xb1: {  	_ =	task.clear_ibuf [dreg:s6], $0x5FFFF;
	_ =	strace $0x9000004F  }
0xb2: {  	s29 =	simm.s32 $0x9;
	_ =	strace $0x80000051  }
0xb3: {  	_ =	swait.ge [sflag:s29], $0x1  }
0xb4: {  	[sflag:s29] =	ssyncadd.s32 $0xFFFFFFFF  }
0xb5: {  	_ =	strace $0x90000051  }
0xb6: {  	_ =	sfence  }
0xb7: {  	s30 =	sld [smem:$0x0];
	_ =	sdelay $0x2  }
0xb8: {  	s31 =	sshll.u32 s1, $0xD;
	s1 =	sshrl.u32 s1, $0x2  }
0xb9: {  	s3 =	sand.u32 $0x4000, s31;
	s1 =	sadd.s32 s1, s30  }
0xba: {  	s0 =	sor.u32 s3, s0;
	s1 =	sshll.u32 s1, $0x11  }
0xbb: {  	s0 =	sor.u32 s1, s0  }
0xbc: {  	s0 =	sadd.s32 $0x8F2B, s0  }
0xbd: {  	[sflag:s0] =	ssyncadd.remote.s32 $0x1  }
0xbe: {  	_ =	sfence.sel $0xFFFF  }
0xbf: {  	[dreg:$0x0] =	wrdreg $0xFFFFFFFF;
	(pc) =	sbr.abs _section_cstart, $3  }
0xc0: {  	[dreg:$0x1] =	wrdreg $0xFFFFFFFF  }
0xc1: {  	_ =	task.clear_ibuf [dreg:s6], $0x2FFFF;
	_ =	strace $0x9FFFFFFF  }
0xc2: {  	(tm) =	ssettm $0x7FFFFFFF  }
0xc3: {  	_ =	shalt  }
tec
execute0_lowered:
.L_overlay_start_1:
0x0: {  	(tag) =	ssettag $0x1  }
0x1: {  	s4 =	rddreg [dreg:$0x0]  }
0x2: {  	s2 =	rddreg [dreg:$0x1]  }
0x3: {  	s0 =	rddreg [dreg:$0x2];
	s1 =	stileid.u32  }
0x4: {  	s3 =	simm.s32 $0x0;
	s6 =	srdreg.scid;
	s14 =	simm.s32 $0x50  }
0x5: {  	s15 =	simm.s32 $0x0;
	s5 =	smul.u32 $0x4E200, s1;
	[smem:$0x7FF] =	sst s3  }
0x6: {  	s6 =	sand.u32 $0x1, s6;
	s7 =	smul.u32 $0x14000, s1;
	s8 =	sshll.u32 s1, $0xC  }
0x7: {  	s28 =	smul.u32 $0x50000, s1;
	s31 =	sshll.u32 s1, $0x6;
	s9 =	sshll.u32 s6, $0xB  }
0x8: {  	s10 =	smul.u32 $0x140000, s6;
	_ =	strace $0x80000050;
	s26 =	ssub.s32 $0x2, s6  }
0x9: {  	s12 =	smul.u32 $0x27100, s6;
	s11 =	sadd.s32 s5, s4;
	s24 =	sor.u32 s9, s8  }
0xa: {  	s25 =	sshrl.u32 s7, $0x3;
	s29 =	sshrl.u32 s26, $0x1;
	s5 =	sadd.s32 s24, s4  }
0xb: {  	s7 =	sadd.s32 s7, s10;
	s8 =	sadd.s32 s25, s4;
	s9 =	ssub.s32 s26, s29  }
0xc: {  	s10 =	sshrl.u32 s28, $0x2;
	s30 =	sadd.s32 s12, s11;
	s12 =	simm.s32 $0x4000  }
0xd: {  	s7 =	sshrl.u32 s7, $0x3;
	s13 =	sadd.s32 s10, s2;
	s10 =	sor.u32 $0x1C02, s31  }
0xe: {  	s7 =	sadd.s32 s7, s4;
	s4 =	sadd.s32 $0x8A00, s5;
	s5 =	sadd.s32 $0x76E00, s8  }
0xf: {  	s8 =	sadd.s32 $0x18E0E00, s30;
	s11 =	sshrl.u32 s13, $0x3;
	s13 =	simm.s32 $0x1  }
0x10: {  	s6 =	sadd.s32 $0x13FEE00, s7;
	s7 =	smax.u32 s9, $0x1;
	s9 =	simm.s32 $0x2  }
.LBB2_1:
0x11: {  	[tilespmem:s3], [sflag:$0x2] =	stream.linear.gather [hbm4b:s4+s3], $0x3E80, $0x38;
	[tilespmem:$0x1A800] =	vst v63  }
0x12: {  	_ =	swait.ge [sflag:s9], $0x3E80  }
0x13: {  	[sflag:s9] =	ssyncset.done $0x0  }
0x14: {  	[sflag:s9] =	ssyncadd.s32 $0xFFFFC180  }
0x15: {  	[spmem:s11], [sflag:s10] =	dma.local [hbm:s5], $0x2800  }
0x16: {  	_ =	swait.ge [sflag:s9], $0x2800  }
0x17: {  	[sflag:s9] =	ssyncset.done $0x0  }
0x18: {  	[sflag:s9] =	ssyncadd.s32 $0xFFFFD800  }
0x19: {  	[bflag:$0x0] =	sbarrier.arrive $0xFFFF  }
0x1a: {  	[tilespmem:s12], [sflag:$0x1] =	stream.linear.gather [hbm4b:s8+s3], $0x2800, $0x38;
	[tilespmem:$0x1A800] =	vst v63  }
0x1b: {  	_ =	swait.ge [sflag:s13], $0x2800  }
0x1c: {  	[sflag:s13] =	ssyncset.done $0x0  }
0x1d: {  	s16 =	simm.s32 $0x0;
	[sflag:s13] =	ssyncadd.s32 $0xFFFFD800  }
0x1e: {  	[spmem:s2] =	stream.indirect.scatter.add.f32 [tilespmem:s12], [sflag:$0x2], $0x80, s16, s14, $0xb8;
	[tilespmem:$0x1A800] =	vst v63  }
0x1f: {  	_ =	swait.ge [sflag:s9], $0x2800  }
0x20: {  	s17 =	smov.u32 s8;
	s16 =	simm.s32 $0x200;
	[sflag:s9] =	ssyncset.done $0x0  }
.LBB2_2:
0x21: {  	p0 =	sne.s32 s16, $0xF800;
	[sflag:s9] =	ssyncadd.s32 $0xFFFFD800;
	s17 =	sadd.s32 $0x500, s17  }
0x22: {  	[tilespmem:s12], [sflag:$0x1] =	stream.linear.gather [hbm4b:s17+s3], $0x2800, $0x38;
	[tilespmem:$0x1A800] =	vst v63  }
0x23: {  	s18 =	smov.u32 s16;
	s16 =	sadd.s32 $0x200, s16;
	_ =	swait.ge [sflag:s13], $0x2800  }
.Ltmp0:
0x24: {  	[sflag:s13] =	ssyncset.done $0x0;
	(pc) =	sbr.rel @p0 .LBB2_2-.Ltmp0, $4  }
0x25: {  	s18 =	sshra.s32 s18, $0x2;
	[sflag:s13] =	ssyncadd.s32 $0xFFFFD800  }
0x26: {  	[spmem:s2] =	stream.indirect.scatter.add.f32 [tilespmem:s12], [sflag:$0x2], $0x80, s18, s14, $0xb8;
	[tilespmem:$0x1A800] =	vst v63  }
0x27: {  	_ =	swait.ge [sflag:s9], $0x2800  }
0x28: {  	[sflag:s9] =	ssyncset.done $0x0  }
0x29: {  	s15 =	sadd.s32 $0x1, s15  }
0x2a: {  	[sflag:s9] =	ssyncadd.s32 $0xFFFFD800;
	p0 =	sne.s32 s15, s7  }
.Ltmp1:
0x2b: {  	[bflag:$0x0] =	sbarrier.arrive $0xFFFF;
	(pc) =	sbr.rel @p0 .LBB2_1-.Ltmp1, $4  }
0x2c: {  	[hbm:s6], [sflag:s10] =	dma.local [spmem:s11], $0x2800  }
0x2d: {  	_ =	swait.ge [sflag:s9], $0x2800  }
0x2e: {  	[sflag:s9] =	ssyncset.done $0x0  }
0x2f: {  	[sflag:s9] =	ssyncadd.s32 $0xFFFFD800  }
0x30: {  	_ =	sfence.sel $0x180000  }
0x31: {  	[bflag:$0x0] =	sbarrier.arrive $0xFFFF  }
0x32: {  	p0 =	sne.s32 s1, $0x0;
	_ =	strace $0x90000050  }
0x33: {  	s0 =	sadd.s32 @!p0 $0x100000, s0;
	[bflag:$0x2] =	sbarrier.arrive $0xFFFF  }
0x34: {  	[sflag:s0] =	ssyncadd.tile.s32 @!p0 $0x1;
	_ =	shalt  }
.Lfunc_end2:
_tile_overlayer_lowered:
.L_overlay_start_2:
0x35: {  	(tag) =	ssettag $0x2  }
0x36: {  	s0 =	rddreg [dreg:$0x0];
	s2 =	stileid.u32  }
0x37: {  	s1 =	rddreg [dreg:$0x1];
	p0 =	sne.s32 s2, $0x0  }
0x38: {  	s3 =	rddreg [dreg:$0x2];
	[bflag:$0x3] =	sbarrier.arrive $0xFFFF;
	s2 =	simm.s32 @!p0 $0x1C02  }
0x39: {  	[timem:s3], [sflag:s2] =	dma.local @!p0 [hbm:s0], s1  }
0x3a: {  	s0 =	simm.s32 @!p0 $0x2  }
0x3b: {  	_ =	swait.ge @!p0 [sflag:s0], s1  }
0x3c: {  	s1 =	ssub.s32 @!p0 $0x0, s1;
	[sflag:s0] =	ssyncset.done @!p0 $0x0  }
0x3d: {  	[sflag:s0] =	ssyncadd.s32 @!p0 s1  }
0x3e: {  	[bflag:$0x3] =	sbarrier.arrive $0xFFFF  }
0x3f: {  	_ =	shalt  }

// kernel: kernel.32.cloned.1.call-start
scs
__scs_entry_jumppad:
0x0: {  	(pc) =	sbr.rel $0x88, $3  }
0x1: {  	(tag) =	ssettag $0x0;
	lr =	simm.s32 $0x1  }
0x2: {  	[smem:$0x3F86] =	sst lr;
	_ =	strace $0xD0000000  }
0x3: {  	_ = 	snop  }
0x4: {  	_ = 	snop  }
0x5: {  	_ = 	snop  }
0x6: {  	_ = 	snop  }
0x7: {  	_ = 	snop  }
__scs_overlays_trampoline_lowered:
0x8: {  	[smem:$0x3F95] =	sst s0  }
0x9: {  	[smem:$0x3F96] =	sst s1  }
0xa: {  	[smem:$0x3F97] =	sst s2  }
0xb: {  	[smem:$0x3F98] =	sst s3  }
0xc: {  	[smem:$0x3F99] =	sst s4  }
0xd: {  	[smem:$0x3F9A] =	sst s5  }
0xe: {  	[smem:$0x3F9B] =	sst s6  }
0xf: {  	[smem:$0x3F9C] =	sst s7  }
0x10: {  	[smem:$0x3F9D] =	sst s8  }
0x11: {  	[smem:$0x3F9E] =	sst s9;
	s0 =	simm.s32 @!p0 $0x0  }
0x12: {  	s1 =	sld [smem:$0x3F84];
	s0 =	simm.s32 @p0 $0x1  }
0x13: {  	[smem:$0x3F9F] =	sst s0;
	s0 =	simm.s32 @!p1 $0x0  }
0x14: {  	s2 =	sld [smem:$0x3F83];
	s0 =	simm.s32 @p1 $0x1  }
0x15: {  	[smem:$0x3FA0] =	sst s0;
	s0 =	simm.s32 @!p2 $0x0  }
0x16: {  	s3 =	sld [smem:$0x3FDB];
	s0 =	simm.s32 @p2 $0x1  }
0x17: {  	s4 =	simm.s32 $0x1BF5;
	[smem:$0x3FA2] =	sst s0  }
0x18: {  	s0 =	sld [smem:$0x3F85];
	_ =	swait.ge [sflag:s4], $0x0  }
0x19: {  	s7 =	sld [smem:$0x3F86]  }
0x1a: {  	s8 =	sadd.s32 $0xFFFFE003, lr  }
0x1b: {  	s9 =	sadd.s32 $0xFFFFFEF7, lr;
	s5 =	simm.s32 $0xFFFFFFFF;
	p2 =	slt.u32 s8, $0xFFFFF086  }
0x1c: {  	p1 =	slt.u32 s9, $0xF7A;
	s5 =	simm.s32 @!p2 $0x0  }
0x1d: {  	s5 =	simm.s32 @p1 $0x1;
	p0 =	seq.s32 s7, s2  }
0x1e: {  	s7 =	smul.u32 @!p0 $0xF7A, s2;
	p2 =	seq.s32 @!p0 s5, $0x0  }
0x1f: {  	s9 =	smul.u32 $0xF7A, s1;
	s8 =	simm.s32 @!p0 $0x1BF5;
	p2 =	por !p2, p0  }
0x20: {  	[sflag:s8] =	ssyncset.s32 @!p0 $0xFFFFF086;
	s6 =	sadd.s32 @!p0 s3, s7;
	s7 =	simm.s32 @!p0 $0x108  }
0x21: {  	s3 =	sadd.s32 s3, s9;
	s6 =	sadd.s32 @!p0 $0x88, s6;
	s7 =	simm.s32 @p2 $0x1082  }
0x22: {  	[simem:s7], [sflag:s8] =	dma.local @!p0 [hbm:s6], $0xF7A  }
0x23: {  	s9 =	sor.u32 $0xD0000000, s2;
	s6 =	simm.s32 $0x108;
	_ =	swait.ge @!p0 [sflag:s8], $0x0  }
0x24: {  	s3 =	sadd.s32 $0x88, s3;
	s6 =	simm.s32 @!p1 $0x1082;
	[sflag:s4] =	ssyncset.s32 $0xFFFFF086  }
0x25: {  	[simem:s6], [sflag:s4] =	dma.local [hbm:s3], $0xF7A  }
0x26: {  	[smem:$0x3F86] =	sst s1;
	(tag) =	ssettag s2;
	_ =	strace s9  }
0x27: {  	s1 =	sld [smem:$0x3F96]  }
0x28: {  	s2 =	sld [smem:$0x3F97]  }
0x29: {  	s4 =	sld [smem:$0x3F99]  }
0x2a: {  	p0 =	seq.s32 s5, $0x0;
	s5 =	sld [smem:$0x3F9A]  }
0x2b: {  	s6 =	sld [smem:$0x3F9B]  }
0x2c: {  	s7 =	sld [smem:$0x3F9C]  }
0x2d: {  	s3 =	simm.s32 $0x108;
	s8 =	sld [smem:$0x3F9D]  }
0x2e: {  	s3 =	simm.s32 @!p0 $0x1082;
	s9 =	sld [smem:$0x3F9E]  }
0x2f: {  	lr =	sadd.s32 s0, s3;
	s0 =	sld [smem:$0x3F95]  }
0x30: {  	s3 =	sld [smem:$0x3F98]  }
0x31: {  	[smem:$0x3FA1] =	sst s10  }
0x32: {  	s10 =	sld [smem:$0x3F9F];
	_ =	sdelay $0x3  }
0x33: {  	p0 =	seq.s32 s10, $0x1;
	s10 =	sld [smem:$0x3FA1];
	_ =	sdelay $0x3  }
0x34: {  	[smem:$0x3FA1] =	sst s10  }
0x35: {  	s10 =	sld [smem:$0x3FA0];
	_ =	sdelay $0x3  }
0x36: {  	p1 =	seq.s32 s10, $0x1;
	s10 =	sld [smem:$0x3FA1];
	_ =	sdelay $0x3  }
0x37: {  	[smem:$0x3FA1] =	sst s10  }
0x38: {  	s10 =	sld [smem:$0x3FA2]  }
0x39: {  	_ = 	snop;
	(pc) =	sbr.ind lr, $3  }
0x3a: {  	_ = 	snop  }
0x3b: {  	_ = 	snop  }
0x3c: {  	p2 =	seq.s32 s10, $0x1;
	s10 =	sld [smem:$0x3FA1]  }
0x3d: {  	_ =	shalt  }
0x3e: {  	_ =	shalt  }
0x3f: {  	_ =	shalt  }
0x40: {  	_ =	shalt  }
0x41: {  	_ =	shalt  }
0x42: {  	_ =	shalt  }
0x43: {  	_ =	shalt  }
0x44: {  	_ =	shalt  }
0x45: {  	_ =	shalt  }
0x46: {  	_ =	shalt  }
0x47: {  	_ =	shalt  }
0x48: {  	_ =	shalt  }
0x49: {  	_ =	shalt  }
0x4a: {  	_ =	shalt  }
0x4b: {  	_ =	shalt  }
0x4c: {  	_ =	shalt  }
0x4d: {  	_ =	shalt  }
0x4e: {  	_ =	shalt  }
0x4f: {  	_ =	shalt  }
0x50: {  	_ =	shalt  }
0x51: {  	_ =	shalt  }
0x52: {  	_ =	shalt  }
0x53: {  	_ =	shalt  }
0x54: {  	_ =	shalt  }
0x55: {  	_ =	shalt  }
0x56: {  	_ =	shalt  }
0x57: {  	_ =	shalt  }
0x58: {  	_ =	shalt  }
0x59: {  	_ =	shalt  }
0x5a: {  	_ =	shalt  }
0x5b: {  	_ =	shalt  }
0x5c: {  	_ =	shalt  }
0x5d: {  	_ =	shalt  }
0x5e: {  	_ =	shalt  }
0x5f: {  	_ =	shalt  }
0x60: {  	_ =	shalt  }
0x61: {  	_ =	shalt  }
0x62: {  	_ =	shalt  }
0x63: {  	_ =	shalt  }
0x64: {  	_ =	shalt  }
0x65: {  	_ =	shalt  }
0x66: {  	_ =	shalt  }
0x67: {  	_ =	shalt  }
0x68: {  	_ =	shalt  }
0x69: {  	_ =	shalt  }
0x6a: {  	_ =	shalt  }
0x6b: {  	_ =	shalt  }
0x6c: {  	_ =	shalt  }
0x6d: {  	_ =	shalt  }
0x6e: {  	_ =	shalt  }
0x6f: {  	_ =	shalt  }
0x70: {  	_ =	shalt  }
0x71: {  	_ =	shalt  }
0x72: {  	_ =	shalt  }
0x73: {  	_ =	shalt  }
0x74: {  	_ =	shalt  }
0x75: {  	_ =	shalt  }
0x76: {  	_ =	shalt  }
0x77: {  	_ =	shalt  }
0x78: {  	_ =	shalt  }
0x79: {  	_ =	shalt  }
0x7a: {  	_ =	shalt  }
0x7b: {  	_ =	shalt  }
0x7c: {  	_ =	shalt  }
0x7d: {  	_ =	shalt  }
0x7e: {  	_ =	shalt  }
0x7f: {  	_ =	shalt  }
0x80: {  	_ =	shalt  }
0x81: {  	_ =	shalt  }
0x82: {  	_ =	shalt  }
0x83: {  	_ =	shalt  }
0x84: {  	_ =	shalt  }
0x85: {  	_ =	shalt  }
0x86: {  	_ =	shalt  }
0x87: {  	_ =	shalt  }
.Lfunc_end0:
.L_simem_size_0:
called_computation.4_lowered:
.L_overlay_start_0:
0x88: {  	s2 =	sld [smem:$0x3FD9]  }
0x89: {  	s3 =	sld [smem:$0x3FFE];
	_ =	sdelay $0x1  }
0x8a: {  	s1 =	srdreg.scid  }
0x8b: {  	s0 =	sand.u32 $0x1, s1  }
0x8c: {  	s16 =	sshll.u32 s0, $0xA;
	s2 =	sadd.s32 s3, s2  }
0x8d: {  	s2 =	sadd.s32 s2, s16  }
0x8e: {  	[smem:$0x3FAD] =	sst s2  }
0x8f: {  	_ = 	snop  }
0x90: {  	(tm) =	ssettm $0x1  }
0x91: {  	s17 =	sld [smem:$0x3FFB];
	_ =	sdelay $0x3  }
0x92: {  	_ =	strace s17  }
0x93: {  	s2 =	sld [smem:$0x3FFC];
	_ =	sdelay $0x3  }
0x94: {  	_ =	strace s2  }
0x95: {  	s2 =	sld [smem:$0x3FFD];
	_ =	sdelay $0x3  }
0x96: {  	_ =	strace s2  }
0x97: {  	_ =	strace $0x8FFFFFFF  }
0x98: {  	s18 =	sld [smem:$0x3FDB];
	_ =	sdelay $0x1  }
0x99: {  	s19 =	simm.s32 $_scs_section_size  }
0x9a: {  	s4 =	simm.s32 $_size__tile_overlayer_lowered;
	s5 =	simm.s32 $_tile_overlayer_lowered  }
0x9b: {  	s22 =	simm.s32 $0x1BFF;
	s21 =	sshll.u32 s5, $0x1;
	s2 =	sadd.s32 s19, s18  }
0x9c: {  	s6 =	simm.s32 $0x0;
	s20 =	sshll.u32 s4, $0x1;
	s4 =	sadd.s32 s21, s2  }
0x9d: {  	[timem:s6], [sflag:s22] =	dma.local [hbm:s4], s20  }
0x9e: {  	_ =	swait.ge [sflag:s22], s20  }
0x9f: {  	s3 =	ssub.s32 $0x0, s20;
	[sflag:s22] =	ssyncset.done $0x0  }
0xa0: {  	[sflag:s22] =	ssyncadd.s32 s3;
	_ =	sdelay $0x1  }
0xa1: {  	s23 =	simm.s32 $0x1B8B  }
0xa2: {  	_ =	swait.ge [sflag:s23], $0x1  }
0xa3: {  	[sflag:s23] =	ssyncset.done $0x0  }
0xa4: {  	s25 =	simm.s32 $0x1B8E;
	s24 =	sld [smem:$0x3FFE];
	[sflag:s23] =	ssyncadd.s32 $0xFFFFFFFF  }
0xa5: {  	s26 =	simm.s32 $execute0_lowered;
	[smem:$0x3FD2] =	sst s25  }
0xa6: {  	s4 =	sshll.u32 s26, $0x1;
	_ =	strace $0x80000052;
	[dreg:$0x1] =	wrdreg $0xFFFFFFFF  }
0xa7: {  	s28 =	simm.s32 $_size_execute0_lowered;
	s2 =	sadd.s32 s2, s4;
	[dreg:$0x0] =	wrdreg $0x0  }
0xa8: {  	s4 =	sshll.u32 s28, $0x1;
	[dreg:$0x2] =	wrdreg s2  }
0xa9: {  	[dreg:$0x3] =	wrdreg s4  }
0xaa: {  	[dreg:$0x4] =	wrdreg $0xC0  }
0xab: {  	_ =	task [dreg:s6], $0x5FFFF  }
0xac: {  	[dreg:$0x1] =	wrdreg $0xFFFFFFFF  }
0xad: {  	[dreg:$0x0] =	wrdreg $0x60  }
0xae: {  	[dreg:$0x2] =	wrdreg s24  }
0xaf: {  	[dreg:$0x3] =	wrdreg $0x9  }
0xb0: {  	_ =	task.clear_ibuf [dreg:s6], $0x4FFFF;
	_ =	strace $0x90000052  }
0xb1: {  	s29 =	simm.s32 $0x9;
	_ =	strace $0x80000054  }
0xb2: {  	_ =	swait.ge [sflag:s29], $0x1  }
0xb3: {  	[sflag:s29] =	ssyncadd.s32 $0xFFFFFFFF  }
0xb4: {  	_ =	strace $0x90000054  }
0xb5: {  	_ =	sfence  }
0xb6: {  	s30 =	sld [smem:$0x0];
	_ =	sdelay $0x2  }
0xb7: {  	s31 =	sshll.u32 s1, $0xD;
	s1 =	sshrl.u32 s1, $0x2  }
0xb8: {  	s3 =	sand.u32 $0x4000, s31;
	s1 =	sadd.s32 s1, s30  }
0xb9: {  	s0 =	sor.u32 s3, s0;
	s1 =	sshll.u32 s1, $0x11  }
0xba: {  	s0 =	sor.u32 s1, s0  }
0xbb: {  	s0 =	sadd.s32 $0x8F2B, s0  }
0xbc: {  	[sflag:s0] =	ssyncadd.remote.s32 $0x1  }
0xbd: {  	_ =	sfence.sel $0xFFFF  }
0xbe: {  	[dreg:$0x0] =	wrdreg $0xFFFFFFFF;
	(pc) =	sbr.abs _section_cstart, $3  }
0xbf: {  	[dreg:$0x1] =	wrdreg $0xFFFFFFFF  }
0xc0: {  	_ =	task.clear_ibuf [dreg:s6], $0x2FFFF;
	_ =	strace $0x9FFFFFFF  }
0xc1: {  	(tm) =	ssettm $0x7FFFFFFF  }
tec
execute0_lowered:
.L_overlay_start_1:
0x0: {  	(tag) =	ssettag $0x1  }
0x1: {  	s4 =	rddreg [dreg:$0x0]  }
0x2: {  	s0 =	rddreg [dreg:$0x1];
	s1 =	simm.s32 $0x0  }
0x3: {  	s5 =	srdreg.scid;
	s2 =	stileid.u32;
	s9 =	simm.s32 $0x3  }
0x4: {  	s10 =	simm.s32 $0x4000;
	s11 =	simm.s32 $0x50;
	s12 =	simm.s32 $0x8000  }
0x5: {  	s13 =	simm.s32 $0xA800;
	s14 =	simm.s32 $0x1;
	s15 =	simm.s32 $0x2  }
0x6: {  	s16 =	simm.s32 $0x0;
	[smem:$0x7FF] =	sst s1;
	s3 =	sadd.s32 $0x4FC00, s4  }
0x7: {  	s5 =	sand.u32 $0x1, s5;
	s6 =	sshll.u32 s2, $0xC;
	s8 =	smul.u32 $0x4E200, s2  }
0x8: {  	_ =	strace $0x80000053;
	s7 =	sshll.u32 s5, $0xB;
	s30 =	ssub.s32 $0x2, s5  }
0x9: {  	s5 =	smul.u32 $0x27100, s5;
	s6 =	sor.u32 s7, s6;
	s31 =	sshrl.u32 s30, $0x1  }
0xa: {  	s8 =	sadd.s32 s8, s4;
	s6 =	sadd.s32 s6, s4;
	s7 =	ssub.s32 s30, s31  }
0xb: {  	s8 =	sadd.s32 s5, s8;
	s4 =	sadd.s32 $0x8A00, s6;
	s5 =	sadd.s32 $0x3FC00, s6  }
0xc: {  	s6 =	smax.u32 s7, $0x1;
	s7 =	sadd.s32 $0x9EE00, s8;
	s8 =	sadd.s32 $0x13FEE00, s8  }
.LBB2_1:
0xd: {  	[tilespmem:s1], [sflag:$0x3] =	stream.linear.gather [hbm4b:s4+s1], $0x3E80, $0x38;
	[tilespmem:$0xD000] =	vst v63  }
0xe: {  	_ =	swait.ge [sflag:s9], $0x3E80  }
0xf: {  	[sflag:s9] =	ssyncset.done $0x0  }
0x10: {  	[sflag:s9] =	ssyncadd.s32 $0xFFFFC180  }
0x11: {  	[tilespmem:s10], [sflag:$0x3] =	stream.linear.gather [hbm4b:s5+s1], $0x3E80, $0x38;
	[tilespmem:$0xD000] =	vst v63  }
0x12: {  	_ =	swait.ge [sflag:s9], $0x3E80  }
0x13: {  	[sflag:s9] =	ssyncset.done $0x0  }
0x14: {  	s17 =	simm.s32 $0x0;
	[sflag:s9] =	ssyncadd.s32 $0xFFFFC180  }
0x15: {  	[tilespmem:s12], [sflag:$0x1] =	stream.indirect.gather [hbm4b:s3+s11], $0x80, s17, s11, $0xb8;
	[tilespmem:$0xD000] =	vst v63  }
0x16: {  	s31 =	simm.s32 $0x4000  }
0x17: {  	[tilespmem:s13], [sflag:$0x2] =	stream.indirect.gather [hbm4b:s3+s11], $0x80, s31, s11, $0xb8;
	[tilespmem:$0xD000] =	vst v63  }
0x18: {  	_ =	swait.ge [sflag:s14], $0x2800  }
0x19: {  	[sflag:s14] =	ssyncset.done $0x0  }
0x1a: {  	[sflag:s14] =	ssyncadd.s32 $0xFFFFD800  }
0x1b: {  	_ =	swait.ge [sflag:s15], $0x2800  }
0x1c: {  	[sflag:s15] =	ssyncset.done $0x0  }
0x1d: {  	[sflag:s15] =	ssyncadd.s32 $0xFFFFD800  }
0x1e: {  	[hbm4b:s7+s1] =	stream.linear.scatter [tilespmem:s12], [sflag:$0x3], $0x2800, $0x38;
	[tilespmem:$0xD000] =	vst v63  }
0x1f: {  	_ =	swait.ge [sflag:s9], $0x2800  }
0x20: {  	[sflag:s9] =	ssyncset.done $0x0  }
0x21: {  	[sflag:s9] =	ssyncadd.s32 $0xFFFFD800  }
0x22: {  	[hbm4b:s8+s1] =	stream.linear.scatter [tilespmem:s13], [sflag:$0x3], $0x2800, $0x38;
	[tilespmem:$0xD000] =	vst v63  }
0x23: {  	s19 =	simm.s32 $0x200;
	s20 =	simm.s32 $0x400;
	_ =	swait.ge [sflag:s9], $0x2800  }
0x24: {  	s18 =	sadd.s32 $0x500, s7;
	s17 =	sadd.s32 $0x500, s8;
	[sflag:s9] =	ssyncset.done $0x0  }
.LBB2_2:
0x25: {  	s21 =	sshra.s32 s19, $0x2  }
0x26: {  	[sflag:s9] =	ssyncadd.s32 $0xFFFFD800;
	s19 =	smov.u32 s20;
	s22 =	sadd.s32 $0x200, s20  }
0x27: {  	[tilespmem:s12], [sflag:$0x1] =	stream.indirect.gather [hbm4b:s3+s11], $0x80, s21, s11, $0xb8;
	[tilespmem:$0xD000] =	vst v63  }
0x28: {  	p0 =	sne.s32 s20, $0xF800;
	s20 =	sadd.s32 $0x4000, s21  }
0x29: {  	[tilespmem:s13], [sflag:$0x2] =	stream.indirect.gather [hbm4b:s3+s11], $0x80, s20, s11, $0xb8;
	[tilespmem:$0xD000] =	vst v63  }
0x2a: {  	_ =	swait.ge [sflag:s14], $0x2800  }
0x2b: {  	[sflag:s14] =	ssyncset.done $0x0  }
0x2c: {  	[sflag:s14] =	ssyncadd.s32 $0xFFFFD800  }
0x2d: {  	_ =	swait.ge [sflag:s15], $0x2800  }
0x2e: {  	[sflag:s15] =	ssyncset.done $0x0  }
0x2f: {  	[sflag:s15] =	ssyncadd.s32 $0xFFFFD800  }
0x30: {  	[hbm4b:s18+s1] =	stream.linear.scatter [tilespmem:s12], [sflag:$0x3], $0x2800, $0x38;
	[tilespmem:$0xD000] =	vst v63  }
0x31: {  	_ =	swait.ge [sflag:s9], $0x2800  }
.Ltmp0:
0x32: {  	[sflag:s9] =	ssyncset.done $0x0;
	(pc) =	sbr.rel @p0 .LBB2_2-.Ltmp0, $4  }
0x33: {  	[sflag:s9] =	ssyncadd.s32 $0xFFFFD800  }
0x34: {  	[hbm4b:s17+s1] =	stream.linear.scatter [tilespmem:s13], [sflag:$0x3], $0x2800, $0x38;
	[tilespmem:$0xD000] =	vst v63  }
0x35: {  	s20 =	smov.u32 s22;
	_ =	swait.ge [sflag:s9], $0x2800  }
0x36: {  	s18 =	sadd.s32 $0x500, s18;
	s17 =	sadd.s32 $0x500, s17;
	[sflag:s9] =	ssyncset.done $0x0  }
0x37: {  	s19 =	sshra.s32 s19, $0x2;
	[sflag:s9] =	ssyncadd.s32 $0xFFFFD800  }
0x38: {  	[tilespmem:s12], [sflag:$0x1] =	stream.indirect.gather [hbm4b:s3+s11], $0x80, s19, s11, $0xb8;
	[tilespmem:$0xD000] =	vst v63  }
0x39: {  	s19 =	sadd.s32 $0x4000, s19  }
0x3a: {  	[tilespmem:s13], [sflag:$0x2] =	stream.indirect.gather [hbm4b:s3+s11], $0x80, s19, s11, $0xb8;
	[tilespmem:$0xD000] =	vst v63  }
0x3b: {  	_ =	swait.ge [sflag:s14], $0x2800  }
0x3c: {  	[sflag:s14] =	ssyncset.done $0x0  }
0x3d: {  	[sflag:s14] =	ssyncadd.s32 $0xFFFFD800  }
0x3e: {  	_ =	swait.ge [sflag:s15], $0x2800  }
0x3f: {  	[sflag:s15] =	ssyncset.done $0x0  }
0x40: {  	[sflag:s15] =	ssyncadd.s32 $0xFFFFD800  }
0x41: {  	[hbm4b:s18+s1] =	stream.linear.scatter [tilespmem:s12], [sflag:$0x3], $0x2800, $0x38;
	[tilespmem:$0xD000] =	vst v63  }
0x42: {  	s16 =	sadd.s32 $0x1, s16;
	_ =	swait.ge [sflag:s9], $0x2800  }
0x43: {  	p0 =	sne.s32 s16, s6;
	[sflag:s9] =	ssyncset.done $0x0  }
.Ltmp1:
0x44: {  	[sflag:s9] =	ssyncadd.s32 $0xFFFFD800;
	(pc) =	sbr.rel @p0 .LBB2_1-.Ltmp1, $4  }
0x45: {  	[hbm4b:s17+s1] =	stream.linear.scatter [tilespmem:s13], [sflag:$0x3], $0x2800, $0x38;
	[tilespmem:$0xD000] =	vst v63  }
0x46: {  	_ =	swait.ge [sflag:s9], $0x2800  }
0x47: {  	[sflag:s9] =	ssyncset.done $0x0  }
0x48: {  	[sflag:s9] =	ssyncadd.s32 $0xFFFFD800  }
0x49: {  	_ =	sfence.sel $0x180000  }
0x4a: {  	[bflag:$0x0] =	sbarrier.arrive $0xFFFF  }
0x4b: {  	p0 =	sne.s32 s2, $0x0;
	_ =	strace $0x90000053  }
0x4c: {  	s0 =	sadd.s32 @!p0 $0x100000, s0;
	[bflag:$0x2] =	sbarrier.arrive $0xFFFF  }
0x4d: {  	[sflag:s0] =	ssyncadd.tile.s32 @!p0 $0x1;
	_ =	shalt  }
.Lfunc_end2:
_tile_overlayer_lowered:
.L_overlay_start_2:
0x4e: {  	(tag) =	ssettag $0x2  }
0x4f: {  	s0 =	rddreg [dreg:$0x0];
	s2 =	stileid.u32  }
0x50: {  	s1 =	rddreg [dreg:$0x1];
	p0 =	sne.s32 s2, $0x0  }
0x51: {  	s3 =	rddreg [dreg:$0x2];
	[bflag:$0x3] =	sbarrier.arrive $0xFFFF;
	s2 =	simm.s32 @!p0 $0x1C03  }
0x52: {  	[timem:s3], [sflag:s2] =	dma.local @!p0 [hbm:s0], s1  }
0x53: {  	s0 =	simm.s32 @!p0 $0x3  }
0x54: {  	_ =	swait.ge @!p0 [sflag:s0], s1  }
0x55: {  	s1 =	ssub.s32 @!p0 $0x0, s1;
	[sflag:s0] =	ssyncset.done @!p0 $0x0  }
0x56: {  	[sflag:s0] =	ssyncadd.s32 @!p0 s1  }
0x57: {  	[bflag:$0x3] =	sbarrier.arrive $0xFFFF  }
0x58: {  	_ =	shalt  }

// kernel: kernel.35.cloned.1.call-start
scs
__scs_entry_jumppad:
0x0: {  	(pc) =	sbr.rel $0x88, $3  }
0x1: {  	(tag) =	ssettag $0x0;
	lr =	simm.s32 $0x1  }
0x2: {  	[smem:$0x3F86] =	sst lr;
	_ =	strace $0xD0000000  }
0x3: {  	_ = 	snop  }
0x4: {  	_ = 	snop  }
0x5: {  	_ = 	snop  }
0x6: {  	_ = 	snop  }
0x7: {  	_ = 	snop  }
__scs_overlays_trampoline_lowered:
0x8: {  	[smem:$0x3F95] =	sst s0  }
0x9: {  	[smem:$0x3F96] =	sst s1  }
0xa: {  	[smem:$0x3F97] =	sst s2  }
0xb: {  	[smem:$0x3F98] =	sst s3  }
0xc: {  	[smem:$0x3F99] =	sst s4  }
0xd: {  	[smem:$0x3F9A] =	sst s5  }
0xe: {  	[smem:$0x3F9B] =	sst s6  }
0xf: {  	[smem:$0x3F9C] =	sst s7  }
0x10: {  	[smem:$0x3F9D] =	sst s8  }
0x11: {  	[smem:$0x3F9E] =	sst s9;
	s0 =	simm.s32 @!p0 $0x0  }
0x12: {  	s1 =	sld [smem:$0x3F84];
	s0 =	simm.s32 @p0 $0x1  }
0x13: {  	[smem:$0x3F9F] =	sst s0;
	s0 =	simm.s32 @!p1 $0x0  }
0x14: {  	s2 =	sld [smem:$0x3F83];
	s0 =	simm.s32 @p1 $0x1  }
0x15: {  	[smem:$0x3FA0] =	sst s0;
	s0 =	simm.s32 @!p2 $0x0  }
0x16: {  	s3 =	sld [smem:$0x3FDB];
	s0 =	simm.s32 @p2 $0x1  }
0x17: {  	s4 =	simm.s32 $0x1BF5;
	[smem:$0x3FA2] =	sst s0  }
0x18: {  	s0 =	sld [smem:$0x3F85];
	_ =	swait.ge [sflag:s4], $0x0  }
0x19: {  	s7 =	sld [smem:$0x3F86]  }
0x1a: {  	s8 =	sadd.s32 $0xFFFFE003, lr  }
0x1b: {  	s9 =	sadd.s32 $0xFFFFFEF7, lr;
	s5 =	simm.s32 $0xFFFFFFFF;
	p2 =	slt.u32 s8, $0xFFFFF086  }
0x1c: {  	p1 =	slt.u32 s9, $0xF7A;
	s5 =	simm.s32 @!p2 $0x0  }
0x1d: {  	s5 =	simm.s32 @p1 $0x1;
	p0 =	seq.s32 s7, s2  }
0x1e: {  	s7 =	smul.u32 @!p0 $0xF7A, s2;
	p2 =	seq.s32 @!p0 s5, $0x0  }
0x1f: {  	s9 =	smul.u32 $0xF7A, s1;
	s8 =	simm.s32 @!p0 $0x1BF5;
	p2 =	por !p2, p0  }
0x20: {  	[sflag:s8] =	ssyncset.s32 @!p0 $0xFFFFF086;
	s6 =	sadd.s32 @!p0 s3, s7;
	s7 =	simm.s32 @!p0 $0x108  }
0x21: {  	s3 =	sadd.s32 s3, s9;
	s6 =	sadd.s32 @!p0 $0x88, s6;
	s7 =	simm.s32 @p2 $0x1082  }
0x22: {  	[simem:s7], [sflag:s8] =	dma.local @!p0 [hbm:s6], $0xF7A  }
0x23: {  	s9 =	sor.u32 $0xD0000000, s2;
	s6 =	simm.s32 $0x108;
	_ =	swait.ge @!p0 [sflag:s8], $0x0  }
0x24: {  	s3 =	sadd.s32 $0x88, s3;
	s6 =	simm.s32 @!p1 $0x1082;
	[sflag:s4] =	ssyncset.s32 $0xFFFFF086  }
0x25: {  	[simem:s6], [sflag:s4] =	dma.local [hbm:s3], $0xF7A  }
0x26: {  	[smem:$0x3F86] =	sst s1;
	(tag) =	ssettag s2;
	_ =	strace s9  }
0x27: {  	s1 =	sld [smem:$0x3F96]  }
0x28: {  	s2 =	sld [smem:$0x3F97]  }
0x29: {  	s4 =	sld [smem:$0x3F99]  }
0x2a: {  	p0 =	seq.s32 s5, $0x0;
	s5 =	sld [smem:$0x3F9A]  }
0x2b: {  	s6 =	sld [smem:$0x3F9B]  }
0x2c: {  	s7 =	sld [smem:$0x3F9C]  }
0x2d: {  	s3 =	simm.s32 $0x108;
	s8 =	sld [smem:$0x3F9D]  }
0x2e: {  	s3 =	simm.s32 @!p0 $0x1082;
	s9 =	sld [smem:$0x3F9E]  }
0x2f: {  	lr =	sadd.s32 s0, s3;
	s0 =	sld [smem:$0x3F95]  }
0x30: {  	s3 =	sld [smem:$0x3F98]  }
0x31: {  	[smem:$0x3FA1] =	sst s10  }
0x32: {  	s10 =	sld [smem:$0x3F9F];
	_ =	sdelay $0x3  }
0x33: {  	p0 =	seq.s32 s10, $0x1;
	s10 =	sld [smem:$0x3FA1];
	_ =	sdelay $0x3  }
0x34: {  	[smem:$0x3FA1] =	sst s10  }
0x35: {  	s10 =	sld [smem:$0x3FA0];
	_ =	sdelay $0x3  }
0x36: {  	p1 =	seq.s32 s10, $0x1;
	s10 =	sld [smem:$0x3FA1];
	_ =	sdelay $0x3  }
0x37: {  	[smem:$0x3FA1] =	sst s10  }
0x38: {  	s10 =	sld [smem:$0x3FA2]  }
0x39: {  	_ = 	snop;
	(pc) =	sbr.ind lr, $3  }
0x3a: {  	_ = 	snop  }
0x3b: {  	_ = 	snop  }
0x3c: {  	p2 =	seq.s32 s10, $0x1;
	s10 =	sld [smem:$0x3FA1]  }
0x3d: {  	_ =	shalt  }
0x3e: {  	_ =	shalt  }
0x3f: {  	_ =	shalt  }
0x40: {  	_ =	shalt  }
0x41: {  	_ =	shalt  }
0x42: {  	_ =	shalt  }
0x43: {  	_ =	shalt  }
0x44: {  	_ =	shalt  }
0x45: {  	_ =	shalt  }
0x46: {  	_ =	shalt  }
0x47: {  	_ =	shalt  }
0x48: {  	_ =	shalt  }
0x49: {  	_ =	shalt  }
0x4a: {  	_ =	shalt  }
0x4b: {  	_ =	shalt  }
0x4c: {  	_ =	shalt  }
0x4d: {  	_ =	shalt  }
0x4e: {  	_ =	shalt  }
0x4f: {  	_ =	shalt  }
0x50: {  	_ =	shalt  }
0x51: {  	_ =	shalt  }
0x52: {  	_ =	shalt  }
0x53: {  	_ =	shalt  }
0x54: {  	_ =	shalt  }
0x55: {  	_ =	shalt  }
0x56: {  	_ =	shalt  }
0x57: {  	_ =	shalt  }
0x58: {  	_ =	shalt  }
0x59: {  	_ =	shalt  }
0x5a: {  	_ =	shalt  }
0x5b: {  	_ =	shalt  }
0x5c: {  	_ =	shalt  }
0x5d: {  	_ =	shalt  }
0x5e: {  	_ =	shalt  }
0x5f: {  	_ =	shalt  }
0x60: {  	_ =	shalt  }
0x61: {  	_ =	shalt  }
0x62: {  	_ =	shalt  }
0x63: {  	_ =	shalt  }
0x64: {  	_ =	shalt  }
0x65: {  	_ =	shalt  }
0x66: {  	_ =	shalt  }
0x67: {  	_ =	shalt  }
0x68: {  	_ =	shalt  }
0x69: {  	_ =	shalt  }
0x6a: {  	_ =	shalt  }
0x6b: {  	_ =	shalt  }
0x6c: {  	_ =	shalt  }
0x6d: {  	_ =	shalt  }
0x6e: {  	_ =	shalt  }
0x6f: {  	_ =	shalt  }
0x70: {  	_ =	shalt  }
0x71: {  	_ =	shalt  }
0x72: {  	_ =	shalt  }
0x73: {  	_ =	shalt  }
0x74: {  	_ =	shalt  }
0x75: {  	_ =	shalt  }
0x76: {  	_ =	shalt  }
0x77: {  	_ =	shalt  }
0x78: {  	_ =	shalt  }
0x79: {  	_ =	shalt  }
0x7a: {  	_ =	shalt  }
0x7b: {  	_ =	shalt  }
0x7c: {  	_ =	shalt  }
0x7d: {  	_ =	shalt  }
0x7e: {  	_ =	shalt  }
0x7f: {  	_ =	shalt  }
0x80: {  	_ =	shalt  }
0x81: {  	_ =	shalt  }
0x82: {  	_ =	shalt  }
0x83: {  	_ =	shalt  }
0x84: {  	_ =	shalt  }
0x85: {  	_ =	shalt  }
0x86: {  	_ =	shalt  }
0x87: {  	_ =	shalt  }
.Lfunc_end0:
.L_simem_size_0:
called_computation.5_lowered:
.L_overlay_start_0:
0x88: {  	s2 =	sld [smem:$0x3FD9]  }
0x89: {  	s3 =	sld [smem:$0x3FFE];
	_ =	sdelay $0x1  }
0x8a: {  	s1 =	srdreg.scid  }
0x8b: {  	s0 =	sand.u32 $0x1, s1  }
0x8c: {  	s16 =	sshll.u32 s0, $0xA;
	s2 =	sadd.s32 s3, s2  }
0x8d: {  	s2 =	sadd.s32 s2, s16  }
0x8e: {  	[smem:$0x3FAD] =	sst s2  }
0x8f: {  	_ = 	snop  }
0x90: {  	(tm) =	ssettm $0x1  }
0x91: {  	s17 =	sld [smem:$0x3FFB];
	_ =	sdelay $0x3  }
0x92: {  	_ =	strace s17  }
0x93: {  	s2 =	sld [smem:$0x3FFC];
	_ =	sdelay $0x3  }
0x94: {  	_ =	strace s2  }
0x95: {  	s2 =	sld [smem:$0x3FFD];
	_ =	sdelay $0x3  }
0x96: {  	_ =	strace s2  }
0x97: {  	_ =	strace $0x8FFFFFFF  }
0x98: {  	s18 =	sld [smem:$0x3FDB];
	_ =	sdelay $0x1  }
0x99: {  	s19 =	simm.s32 $_scs_section_size  }
0x9a: {  	s4 =	simm.s32 $_size__tile_overlayer_lowered;
	s5 =	simm.s32 $_tile_overlayer_lowered  }
0x9b: {  	s22 =	simm.s32 $0x1BFF;
	s21 =	sshll.u32 s5, $0x1;
	s2 =	sadd.s32 s19, s18  }
0x9c: {  	s6 =	simm.s32 $0x0;
	s20 =	sshll.u32 s4, $0x1;
	s4 =	sadd.s32 s21, s2  }
0x9d: {  	[timem:s6], [sflag:s22] =	dma.local [hbm:s4], s20  }
0x9e: {  	_ =	swait.ge [sflag:s22], s20  }
0x9f: {  	s3 =	ssub.s32 $0x0, s20;
	[sflag:s22] =	ssyncset.done $0x0  }
0xa0: {  	[sflag:s22] =	ssyncadd.s32 s3;
	_ =	sdelay $0x1  }
0xa1: {  	s23 =	simm.s32 $0x1B8B  }
0xa2: {  	_ =	swait.ge [sflag:s23], $0x1  }
0xa3: {  	[sflag:s23] =	ssyncset.done $0x0  }
0xa4: {  	s25 =	simm.s32 $0x1B8E;
	s24 =	sld [smem:$0x3FFE];
	[sflag:s23] =	ssyncadd.s32 $0xFFFFFFFF  }
0xa5: {  	s26 =	simm.s32 $execute0_lowered;
	[smem:$0x3FD2] =	sst s25  }
0xa6: {  	s4 =	sshll.u32 s26, $0x1;
	_ =	strace $0x80000055;
	[dreg:$0x1] =	wrdreg $0xFFFFFFFF  }
0xa7: {  	s28 =	simm.s32 $_size_execute0_lowered;
	s2 =	sadd.s32 s2, s4;
	[dreg:$0x0] =	wrdreg $0x0  }
0xa8: {  	s4 =	sshll.u32 s28, $0x1;
	[dreg:$0x2] =	wrdreg s2  }
0xa9: {  	[dreg:$0x3] =	wrdreg s4  }
0xaa: {  	[dreg:$0x4] =	wrdreg $0xC0  }
0xab: {  	_ =	task [dreg:s6], $0x5FFFF  }
0xac: {  	[dreg:$0x1] =	wrdreg $0xFFFFFFFF  }
0xad: {  	[dreg:$0x0] =	wrdreg $0x60  }
0xae: {  	[dreg:$0x2] =	wrdreg s24  }
0xaf: {  	[dreg:$0x3] =	wrdreg $0x68000  }
0xb0: {  	[dreg:$0x4] =	wrdreg $0x9  }
0xb1: {  	_ =	task.clear_ibuf [dreg:s6], $0x5FFFF;
	_ =	strace $0x90000055  }
0xb2: {  	s29 =	simm.s32 $0x9;
	_ =	strace $0x80000057  }
0xb3: {  	_ =	swait.ge [sflag:s29], $0x1  }
0xb4: {  	[sflag:s29] =	ssyncadd.s32 $0xFFFFFFFF  }
0xb5: {  	_ =	strace $0x90000057  }
0xb6: {  	_ =	sfence  }
0xb7: {  	s30 =	sld [smem:$0x0];
	_ =	sdelay $0x2  }
0xb8: {  	s31 =	sshll.u32 s1, $0xD;
	s1 =	sshrl.u32 s1, $0x2  }
0xb9: {  	s3 =	sand.u32 $0x4000, s31;
	s1 =	sadd.s32 s1, s30  }
0xba: {  	s0 =	sor.u32 s3, s0;
	s1 =	sshll.u32 s1, $0x11  }
0xbb: {  	s0 =	sor.u32 s1, s0  }
0xbc: {  	s0 =	sadd.s32 $0x8F2B, s0  }
0xbd: {  	[sflag:s0] =	ssyncadd.remote.s32 $0x1  }
0xbe: {  	_ =	sfence.sel $0xFFFF  }
0xbf: {  	[dreg:$0x0] =	wrdreg $0xFFFFFFFF;
	(pc) =	sbr.abs _section_cstart, $3  }
0xc0: {  	[dreg:$0x1] =	wrdreg $0xFFFFFFFF  }
0xc1: {  	_ =	task.clear_ibuf [dreg:s6], $0x2FFFF;
	_ =	strace $0x9FFFFFFF  }
0xc2: {  	(tm) =	ssettm $0x7FFFFFFF  }
0xc3: {  	_ =	shalt  }
tec
execute0_lowered:
.L_overlay_start_1:
0x0: {  	(tag) =	ssettag $0x1  }
0x1: {  	s4 =	rddreg [dreg:$0x0]  }
0x2: {  	s2 =	rddreg [dreg:$0x1]  }
0x3: {  	s0 =	rddreg [dreg:$0x2];
	s1 =	stileid.u32  }
0x4: {  	s3 =	simm.s32 $0x0;
	s6 =	srdreg.scid;
	s14 =	simm.s32 $0x50  }
0x5: {  	s15 =	simm.s32 $0x0;
	s5 =	smul.u32 $0x4E200, s1;
	[smem:$0x7FF] =	sst s3  }
0x6: {  	s6 =	sand.u32 $0x1, s6;
	s7 =	smul.u32 $0x14000, s1;
	s8 =	sshll.u32 s1, $0xC  }
0x7: {  	s28 =	smul.u32 $0x50000, s1;
	s31 =	sshll.u32 s1, $0x6;
	s9 =	sshll.u32 s6, $0xB  }
0x8: {  	s10 =	smul.u32 $0x140000, s6;
	_ =	strace $0x80000056;
	s26 =	ssub.s32 $0x2, s6  }
0x9: {  	s12 =	smul.u32 $0x27100, s6;
	s11 =	sadd.s32 s5, s4;
	s24 =	sor.u32 s9, s8  }
0xa: {  	s25 =	sshrl.u32 s7, $0x3;
	s29 =	sshrl.u32 s26, $0x1;
	s5 =	sadd.s32 s24, s4  }
0xb: {  	s7 =	sadd.s32 s7, s10;
	s8 =	sadd.s32 s25, s4;
	s9 =	ssub.s32 s26, s29  }
0xc: {  	s10 =	sshrl.u32 s28, $0x2;
	s30 =	sadd.s32 s12, s11;
	s12 =	simm.s32 $0x4000  }
0xd: {  	s7 =	sshrl.u32 s7, $0x3;
	s13 =	sadd.s32 s10, s2;
	s10 =	sor.u32 $0x1C02, s31  }
0xe: {  	s7 =	sadd.s32 s7, s4;
	s4 =	sadd.s32 $0x8A00, s5;
	s5 =	sadd.s32 $0x76E00, s8  }
0xf: {  	s8 =	sadd.s32 $0x18E0E00, s30;
	s11 =	sshrl.u32 s13, $0x3;
	s13 =	simm.s32 $0x1  }
0x10: {  	s6 =	sadd.s32 $0x13FEE00, s7;
	s7 =	smax.u32 s9, $0x1;
	s9 =	simm.s32 $0x2  }
.LBB2_1:
0x11: {  	[tilespmem:s3], [sflag:$0x2] =	stream.linear.gather [hbm4b:s4+s3], $0x3E80, $0x38;
	[tilespmem:$0x1A800] =	vst v63  }
0x12: {  	_ =	swait.ge [sflag:s9], $0x3E80  }
0x13: {  	[sflag:s9] =	ssyncset.done $0x0  }
0x14: {  	[sflag:s9] =	ssyncadd.s32 $0xFFFFC180  }
0x15: {  	[spmem:s11], [sflag:s10] =	dma.local [hbm:s5], $0x2800  }
0x16: {  	_ =	swait.ge [sflag:s9], $0x2800  }
0x17: {  	[sflag:s9] =	ssyncset.done $0x0  }
0x18: {  	[sflag:s9] =	ssyncadd.s32 $0xFFFFD800  }
0x19: {  	[bflag:$0x0] =	sbarrier.arrive $0xFFFF  }
0x1a: {  	[tilespmem:s12], [sflag:$0x1] =	stream.linear.gather [hbm4b:s8+s3], $0x2800, $0x38;
	[tilespmem:$0x1A800] =	vst v63  }
0x1b: {  	_ =	swait.ge [sflag:s13], $0x2800  }
0x1c: {  	[sflag:s13] =	ssyncset.done $0x0  }
0x1d: {  	s16 =	simm.s32 $0x0;
	[sflag:s13] =	ssyncadd.s32 $0xFFFFD800  }
0x1e: {  	[spmem:s2] =	stream.indirect.scatter.add.f32 [tilespmem:s12], [sflag:$0x2], $0x80, s16, s14, $0xb8;
	[tilespmem:$0x1A800] =	vst v63  }
0x1f: {  	_ =	swait.ge [sflag:s9], $0x2800  }
0x20: {  	s17 =	smov.u32 s8;
	s16 =	simm.s32 $0x200;
	[sflag:s9] =	ssyncset.done $0x0  }
.LBB2_2:
0x21: {  	p0 =	sne.s32 s16, $0xF800;
	[sflag:s9] =	ssyncadd.s32 $0xFFFFD800;
	s17 =	sadd.s32 $0x500, s17  }
0x22: {  	[tilespmem:s12], [sflag:$0x1] =	stream.linear.gather [hbm4b:s17+s3], $0x2800, $0x38;
	[tilespmem:$0x1A800] =	vst v63  }
0x23: {  	s18 =	smov.u32 s16;
	s16 =	sadd.s32 $0x200, s16;
	_ =	swait.ge [sflag:s13], $0x2800  }
.Ltmp0:
0x24: {  	[sflag:s13] =	ssyncset.done $0x0;
	(pc) =	sbr.rel @p0 .LBB2_2-.Ltmp0, $4  }
0x25: {  	s18 =	sshra.s32 s18, $0x2;
	[sflag:s13] =	ssyncadd.s32 $0xFFFFD800  }
0x26: {  	[spmem:s2] =	stream.indirect.scatter.add.f32 [tilespmem:s12], [sflag:$0x2], $0x80, s18, s14, $0xb8;
	[tilespmem:$0x1A800] =	vst v63  }
0x27: {  	_ =	swait.ge [sflag:s9], $0x2800  }
0x28: {  	[sflag:s9] =	ssyncset.done $0x0  }
0x29: {  	s15 =	sadd.s32 $0x1, s15  }
0x2a: {  	[sflag:s9] =	ssyncadd.s32 $0xFFFFD800;
	p0 =	sne.s32 s15, s7  }
.Ltmp1:
0x2b: {  	[bflag:$0x0] =	sbarrier.arrive $0xFFFF;
	(pc) =	sbr.rel @p0 .LBB2_1-.Ltmp1, $4  }
0x2c: {  	[hbm:s6], [sflag:s10] =	dma.local [spmem:s11], $0x2800  }
0x2d: {  	_ =	swait.ge [sflag:s9], $0x2800  }
0x2e: {  	[sflag:s9] =	ssyncset.done $0x0  }
0x2f: {  	[sflag:s9] =	ssyncadd.s32 $0xFFFFD800  }
0x30: {  	_ =	sfence.sel $0x180000  }
0x31: {  	[bflag:$0x0] =	sbarrier.arrive $0xFFFF  }
0x32: {  	p0 =	sne.s32 s1, $0x0;
	_ =	strace $0x90000056  }
0x33: {  	s0 =	sadd.s32 @!p0 $0x100000, s0;
	[bflag:$0x2] =	sbarrier.arrive $0xFFFF  }
0x34: {  	[sflag:s0] =	ssyncadd.tile.s32 @!p0 $0x1;
	_ =	shalt  }
.Lfunc_end2:
_tile_overlayer_lowered:
.L_overlay_start_2:
0x35: {  	(tag) =	ssettag $0x2  }
0x36: {  	s0 =	rddreg [dreg:$0x0];
	s2 =	stileid.u32  }
0x37: {  	s1 =	rddreg [dreg:$0x1];
	p0 =	sne.s32 s2, $0x0  }
0x38: {  	s3 =	rddreg [dreg:$0x2];
	[bflag:$0x3] =	sbarrier.arrive $0xFFFF;
	s2 =	simm.s32 @!p0 $0x1C02  }
0x39: {  	[timem:s3], [sflag:s2] =	dma.local @!p0 [hbm:s0], s1  }
0x3a: {  	s0 =	simm.s32 @!p0 $0x2  }
0x3b: {  	_ =	swait.ge @!p0 [sflag:s0], s1  }
0x3c: {  	s1 =	ssub.s32 @!p0 $0x0, s1;
	[sflag:s0] =	ssyncset.done @!p0 $0x0  }
0x3d: {  	[sflag:s0] =	ssyncadd.s32 @!p0 s1  }
0x3e: {  	[bflag:$0x3] =	sbarrier.arrive $0xFFFF  }
0x3f: {  	_ =	shalt  }

// kernel: kernel.38.cloned.1.call-start
scs
__scs_entry_jumppad:
0x0: {  	(pc) =	sbr.rel $0x88, $3  }
0x1: {  	(tag) =	ssettag $0x0;
	lr =	simm.s32 $0x1  }
0x2: {  	[smem:$0x3F86] =	sst lr;
	_ =	strace $0xD0000000  }
0x3: {  	_ = 	snop  }
0x4: {  	_ = 	snop  }
0x5: {  	_ = 	snop  }
0x6: {  	_ = 	snop  }
0x7: {  	_ = 	snop  }
__scs_overlays_trampoline_lowered:
0x8: {  	[smem:$0x3F95] =	sst s0  }
0x9: {  	[smem:$0x3F96] =	sst s1  }
0xa: {  	[smem:$0x3F97] =	sst s2  }
0xb: {  	[smem:$0x3F98] =	sst s3  }
0xc: {  	[smem:$0x3F99] =	sst s4  }
0xd: {  	[smem:$0x3F9A] =	sst s5  }
0xe: {  	[smem:$0x3F9B] =	sst s6  }
0xf: {  	[smem:$0x3F9C] =	sst s7  }
0x10: {  	[smem:$0x3F9D] =	sst s8  }
0x11: {  	[smem:$0x3F9E] =	sst s9;
	s0 =	simm.s32 @!p0 $0x0  }
0x12: {  	s1 =	sld [smem:$0x3F84];
	s0 =	simm.s32 @p0 $0x1  }
0x13: {  	[smem:$0x3F9F] =	sst s0;
	s0 =	simm.s32 @!p1 $0x0  }
0x14: {  	s2 =	sld [smem:$0x3F83];
	s0 =	simm.s32 @p1 $0x1  }
0x15: {  	[smem:$0x3FA0] =	sst s0;
	s0 =	simm.s32 @!p2 $0x0  }
0x16: {  	s3 =	sld [smem:$0x3FDB];
	s0 =	simm.s32 @p2 $0x1  }
0x17: {  	s4 =	simm.s32 $0x1BF5;
	[smem:$0x3FA2] =	sst s0  }
0x18: {  	s0 =	sld [smem:$0x3F85];
	_ =	swait.ge [sflag:s4], $0x0  }
0x19: {  	s7 =	sld [smem:$0x3F86]  }
0x1a: {  	s8 =	sadd.s32 $0xFFFFE003, lr  }
0x1b: {  	s9 =	sadd.s32 $0xFFFFFEF7, lr;
	s5 =	simm.s32 $0xFFFFFFFF;
	p2 =	slt.u32 s8, $0xFFFFF086  }
0x1c: {  	p1 =	slt.u32 s9, $0xF7A;
	s5 =	simm.s32 @!p2 $0x0  }
0x1d: {  	s5 =	simm.s32 @p1 $0x1;
	p0 =	seq.s32 s7, s2  }
0x1e: {  	s7 =	smul.u32 @!p0 $0xF7A, s2;
	p2 =	seq.s32 @!p0 s5, $0x0  }
0x1f: {  	s9 =	smul.u32 $0xF7A, s1;
	s8 =	simm.s32 @!p0 $0x1BF5;
	p2 =	por !p2, p0  }
0x20: {  	[sflag:s8] =	ssyncset.s32 @!p0 $0xFFFFF086;
	s6 =	sadd.s32 @!p0 s3, s7;
	s7 =	simm.s32 @!p0 $0x108  }
0x21: {  	s3 =	sadd.s32 s3, s9;
	s6 =	sadd.s32 @!p0 $0x88, s6;
	s7 =	simm.s32 @p2 $0x1082  }
0x22: {  	[simem:s7], [sflag:s8] =	dma.local @!p0 [hbm:s6], $0xF7A  }
0x23: {  	s9 =	sor.u32 $0xD0000000, s2;
	s6 =	simm.s32 $0x108;
	_ =	swait.ge @!p0 [sflag:s8], $0x0  }
0x24: {  	s3 =	sadd.s32 $0x88, s3;
	s6 =	simm.s32 @!p1 $0x1082;
	[sflag:s4] =	ssyncset.s32 $0xFFFFF086  }
0x25: {  	[simem:s6], [sflag:s4] =	dma.local [hbm:s3], $0xF7A  }
0x26: {  	[smem:$0x3F86] =	sst s1;
	(tag) =	ssettag s2;
	_ =	strace s9  }
0x27: {  	s1 =	sld [smem:$0x3F96]  }
0x28: {  	s2 =	sld [smem:$0x3F97]  }
0x29: {  	s4 =	sld [smem:$0x3F99]  }
0x2a: {  	p0 =	seq.s32 s5, $0x0;
	s5 =	sld [smem:$0x3F9A]  }
0x2b: {  	s6 =	sld [smem:$0x3F9B]  }
0x2c: {  	s7 =	sld [smem:$0x3F9C]  }
0x2d: {  	s3 =	simm.s32 $0x108;
	s8 =	sld [smem:$0x3F9D]  }
0x2e: {  	s3 =	simm.s32 @!p0 $0x1082;
	s9 =	sld [smem:$0x3F9E]  }
0x2f: {  	lr =	sadd.s32 s0, s3;
	s0 =	sld [smem:$0x3F95]  }
0x30: {  	s3 =	sld [smem:$0x3F98]  }
0x31: {  	[smem:$0x3FA1] =	sst s10  }
0x32: {  	s10 =	sld [smem:$0x3F9F];
	_ =	sdelay $0x3  }
0x33: {  	p0 =	seq.s32 s10, $0x1;
	s10 =	sld [smem:$0x3FA1];
	_ =	sdelay $0x3  }
0x34: {  	[smem:$0x3FA1] =	sst s10  }
0x35: {  	s10 =	sld [smem:$0x3FA0];
	_ =	sdelay $0x3  }
0x36: {  	p1 =	seq.s32 s10, $0x1;
	s10 =	sld [smem:$0x3FA1];
	_ =	sdelay $0x3  }
0x37: {  	[smem:$0x3FA1] =	sst s10  }
0x38: {  	s10 =	sld [smem:$0x3FA2]  }
0x39: {  	_ = 	snop;
	(pc) =	sbr.ind lr, $3  }
0x3a: {  	_ = 	snop  }
0x3b: {  	_ = 	snop  }
0x3c: {  	p2 =	seq.s32 s10, $0x1;
	s10 =	sld [smem:$0x3FA1]  }
0x3d: {  	_ =	shalt  }
0x3e: {  	_ =	shalt  }
0x3f: {  	_ =	shalt  }
0x40: {  	_ =	shalt  }
0x41: {  	_ =	shalt  }
0x42: {  	_ =	shalt  }
0x43: {  	_ =	shalt  }
0x44: {  	_ =	shalt  }
0x45: {  	_ =	shalt  }
0x46: {  	_ =	shalt  }
0x47: {  	_ =	shalt  }
0x48: {  	_ =	shalt  }
0x49: {  	_ =	shalt  }
0x4a: {  	_ =	shalt  }
0x4b: {  	_ =	shalt  }
0x4c: {  	_ =	shalt  }
0x4d: {  	_ =	shalt  }
0x4e: {  	_ =	shalt  }
0x4f: {  	_ =	shalt  }
0x50: {  	_ =	shalt  }
0x51: {  	_ =	shalt  }
0x52: {  	_ =	shalt  }
0x53: {  	_ =	shalt  }
0x54: {  	_ =	shalt  }
0x55: {  	_ =	shalt  }
0x56: {  	_ =	shalt  }
0x57: {  	_ =	shalt  }
0x58: {  	_ =	shalt  }
0x59: {  	_ =	shalt  }
0x5a: {  	_ =	shalt  }
0x5b: {  	_ =	shalt  }
0x5c: {  	_ =	shalt  }
0x5d: {  	_ =	shalt  }
0x5e: {  	_ =	shalt  }
0x5f: {  	_ =	shalt  }
0x60: {  	_ =	shalt  }
0x61: {  	_ =	shalt  }
0x62: {  	_ =	shalt  }
0x63: {  	_ =	shalt  }
0x64: {  	_ =	shalt  }
0x65: {  	_ =	shalt  }
0x66: {  	_ =	shalt  }
0x67: {  	_ =	shalt  }
0x68: {  	_ =	shalt  }
0x69: {  	_ =	shalt  }
0x6a: {  	_ =	shalt  }
0x6b: {  	_ =	shalt  }
0x6c: {  	_ =	shalt  }
0x6d: {  	_ =	shalt  }
0x6e: {  	_ =	shalt  }
0x6f: {  	_ =	shalt  }
0x70: {  	_ =	shalt  }
0x71: {  	_ =	shalt  }
0x72: {  	_ =	shalt  }
0x73: {  	_ =	shalt  }
0x74: {  	_ =	shalt  }
0x75: {  	_ =	shalt  }
0x76: {  	_ =	shalt  }
0x77: {  	_ =	shalt  }
0x78: {  	_ =	shalt  }
0x79: {  	_ =	shalt  }
0x7a: {  	_ =	shalt  }
0x7b: {  	_ =	shalt  }
0x7c: {  	_ =	shalt  }
0x7d: {  	_ =	shalt  }
0x7e: {  	_ =	shalt  }
0x7f: {  	_ =	shalt  }
0x80: {  	_ =	shalt  }
0x81: {  	_ =	shalt  }
0x82: {  	_ =	shalt  }
0x83: {  	_ =	shalt  }
0x84: {  	_ =	shalt  }
0x85: {  	_ =	shalt  }
0x86: {  	_ =	shalt  }
0x87: {  	_ =	shalt  }
.Lfunc_end0:
.L_simem_size_0:
called_computation.6_lowered:
.L_overlay_start_0:
0x88: {  	s2 =	sld [smem:$0x3FD9]  }
0x89: {  	s3 =	sld [smem:$0x3FFE];
	_ =	sdelay $0x1  }
0x8a: {  	s1 =	srdreg.scid  }
0x8b: {  	s0 =	sand.u32 $0x1, s1  }
0x8c: {  	s16 =	sshll.u32 s0, $0xA;
	s2 =	sadd.s32 s3, s2  }
0x8d: {  	s2 =	sadd.s32 s2, s16  }
0x8e: {  	[smem:$0x3FAD] =	sst s2  }
0x8f: {  	_ = 	snop  }
0x90: {  	(tm) =	ssettm $0x1  }
0x91: {  	s17 =	sld [smem:$0x3FFB];
	_ =	sdelay $0x3  }
0x92: {  	_ =	strace s17  }
0x93: {  	s2 =	sld [smem:$0x3FFC];
	_ =	sdelay $0x3  }
0x94: {  	_ =	strace s2  }
0x95: {  	s2 =	sld [smem:$0x3FFD];
	_ =	sdelay $0x3  }
0x96: {  	_ =	strace s2  }
0x97: {  	_ =	strace $0x8FFFFFFF  }
0x98: {  	s18 =	sld [smem:$0x3FDB];
	_ =	sdelay $0x1  }
0x99: {  	s19 =	simm.s32 $_scs_section_size  }
0x9a: {  	s4 =	simm.s32 $_size__tile_overlayer_lowered;
	s5 =	simm.s32 $_tile_overlayer_lowered  }
0x9b: {  	s22 =	simm.s32 $0x1BFF;
	s21 =	sshll.u32 s5, $0x1;
	s2 =	sadd.s32 s19, s18  }
0x9c: {  	s6 =	simm.s32 $0x0;
	s20 =	sshll.u32 s4, $0x1;
	s4 =	sadd.s32 s21, s2  }
0x9d: {  	[timem:s6], [sflag:s22] =	dma.local [hbm:s4], s20  }
0x9e: {  	_ =	swait.ge [sflag:s22], s20  }
0x9f: {  	s3 =	ssub.s32 $0x0, s20;
	[sflag:s22] =	ssyncset.done $0x0  }
0xa0: {  	[sflag:s22] =	ssyncadd.s32 s3;
	_ =	sdelay $0x1  }
0xa1: {  	s23 =	simm.s32 $0x1B8B  }
0xa2: {  	_ =	swait.ge [sflag:s23], $0x1  }
0xa3: {  	[sflag:s23] =	ssyncset.done $0x0  }
0xa4: {  	s25 =	simm.s32 $0x1B8E;
	s24 =	sld [smem:$0x3FFE];
	[sflag:s23] =	ssyncadd.s32 $0xFFFFFFFF  }
0xa5: {  	s26 =	simm.s32 $execute0_lowered;
	[smem:$0x3FD2] =	sst s25  }
0xa6: {  	s4 =	sshll.u32 s26, $0x1;
	_ =	strace $0x80000058;
	[dreg:$0x1] =	wrdreg $0xFFFFFFFF  }
0xa7: {  	s28 =	simm.s32 $_size_execute0_lowered;
	s2 =	sadd.s32 s2, s4;
	[dreg:$0x0] =	wrdreg $0x0  }
0xa8: {  	s4 =	sshll.u32 s28, $0x1;
	[dreg:$0x2] =	wrdreg s2  }
0xa9: {  	[dreg:$0x3] =	wrdreg s4  }
0xaa: {  	[dreg:$0x4] =	wrdreg $0xC0  }
0xab: {  	_ =	task [dreg:s6], $0x5FFFF  }
0xac: {  	[dreg:$0x1] =	wrdreg $0xFFFFFFFF  }
0xad: {  	[dreg:$0x0] =	wrdreg $0x60  }
0xae: {  	[dreg:$0x2] =	wrdreg s24  }
0xaf: {  	[dreg:$0x3] =	wrdreg $0x9  }
0xb0: {  	_ =	task.clear_ibuf [dreg:s6], $0x4FFFF;
	_ =	strace $0x90000058  }
0xb1: {  	s29 =	simm.s32 $0x9;
	_ =	strace $0x8000005A  }
0xb2: {  	_ =	swait.ge [sflag:s29], $0x1  }
0xb3: {  	[sflag:s29] =	ssyncadd.s32 $0xFFFFFFFF  }
0xb4: {  	_ =	strace $0x9000005A  }
0xb5: {  	_ =	sfence  }
0xb6: {  	s30 =	sld [smem:$0x0];
	_ =	sdelay $0x2  }
0xb7: {  	s31 =	sshll.u32 s1, $0xD;
	s1 =	sshrl.u32 s1, $0x2  }
0xb8: {  	s3 =	sand.u32 $0x4000, s31;
	s1 =	sadd.s32 s1, s30  }
0xb9: {  	s0 =	sor.u32 s3, s0;
	s1 =	sshll.u32 s1, $0x11  }
0xba: {  	s0 =	sor.u32 s1, s0  }
0xbb: {  	s0 =	sadd.s32 $0x8F2B, s0  }
0xbc: {  	[sflag:s0] =	ssyncadd.remote.s32 $0x1  }
0xbd: {  	_ =	sfence.sel $0xFFFF  }
0xbe: {  	[dreg:$0x0] =	wrdreg $0xFFFFFFFF;
	(pc) =	sbr.abs _section_cstart, $3  }
0xbf: {  	[dreg:$0x1] =	wrdreg $0xFFFFFFFF  }
0xc0: {  	_ =	task.clear_ibuf [dreg:s6], $0x2FFFF;
	_ =	strace $0x9FFFFFFF  }
0xc1: {  	(tm) =	ssettm $0x7FFFFFFF  }
tec
execute0_lowered:
.L_overlay_start_1:
0x0: {  	(tag) =	ssettag $0x1  }
0x1: {  	s4 =	rddreg [dreg:$0x0]  }
0x2: {  	s0 =	rddreg [dreg:$0x1];
	s1 =	simm.s32 $0x0  }
0x3: {  	s5 =	srdreg.scid;
	s2 =	stileid.u32;
	s9 =	simm.s32 $0x3  }
0x4: {  	s10 =	simm.s32 $0x4000;
	s11 =	simm.s32 $0x50;
	s12 =	simm.s32 $0x8000  }
0x5: {  	s13 =	simm.s32 $0xA800;
	s14 =	simm.s32 $0x1;
	s15 =	simm.s32 $0x2  }
0x6: {  	s16 =	simm.s32 $0x0;
	[smem:$0x7FF] =	sst s1;
	s3 =	sadd.s32 $0x4FC00, s4  }
0x7: {  	s5 =	sand.u32 $0x1, s5;
	s6 =	sshll.u32 s2, $0xC;
	s8 =	smul.u32 $0x4E200, s2  }
0x8: {  	_ =	strace $0x80000059;
	s7 =	sshll.u32 s5, $0xB;
	s30 =	ssub.s32 $0x2, s5  }
0x9: {  	s5 =	smul.u32 $0x27100, s5;
	s6 =	sor.u32 s7, s6;
	s31 =	sshrl.u32 s30, $0x1  }
0xa: {  	s8 =	sadd.s32 s8, s4;
	s6 =	sadd.s32 s6, s4;
	s7 =	ssub.s32 s30, s31  }
0xb: {  	s8 =	sadd.s32 s5, s8;
	s4 =	sadd.s32 $0x8A00, s6;
	s5 =	sadd.s32 $0x3FC00, s6  }
0xc: {  	s6 =	smax.u32 s7, $0x1;
	s7 =	sadd.s32 $0x9EE00, s8;
	s8 =	sadd.s32 $0x13FEE00, s8  }
.LBB2_1:
0xd: {  	[tilespmem:s1], [sflag:$0x3] =	stream.linear.gather [hbm4b:s4+s1], $0x3E80, $0x38;
	[tilespmem:$0xD000] =	vst v63  }
0xe: {  	_ =	swait.ge [sflag:s9], $0x3E80  }
0xf: {  	[sflag:s9] =	ssyncset.done $0x0  }
0x10: {  	[sflag:s9] =	ssyncadd.s32 $0xFFFFC180  }
0x11: {  	[tilespmem:s10], [sflag:$0x3] =	stream.linear.gather [hbm4b:s5+s1], $0x3E80, $0x38;
	[tilespmem:$0xD000] =	vst v63  }
0x12: {  	_ =	swait.ge [sflag:s9], $0x3E80  }
0x13: {  	[sflag:s9] =	ssyncset.done $0x0  }
0x14: {  	s17 =	simm.s32 $0x0;
	[sflag:s9] =	ssyncadd.s32 $0xFFFFC180  }
0x15: {  	[tilespmem:s12], [sflag:$0x1] =	stream.indirect.gather [hbm4b:s3+s11], $0x80, s17, s11, $0xb8;
	[tilespmem:$0xD000] =	vst v63  }
0x16: {  	s31 =	simm.s32 $0x4000  }
0x17: {  	[tilespmem:s13], [sflag:$0x2] =	stream.indirect.gather [hbm4b:s3+s11], $0x80, s31, s11, $0xb8;
	[tilespmem:$0xD000] =	vst v63  }
0x18: {  	_ =	swait.ge [sflag:s14], $0x2800  }
0x19: {  	[sflag:s14] =	ssyncset.done $0x0  }
0x1a: {  	[sflag:s14] =	ssyncadd.s32 $0xFFFFD800  }
0x1b: {  	_ =	swait.ge [sflag:s15], $0x2800  }
0x1c: {  	[sflag:s15] =	ssyncset.done $0x0  }
0x1d: {  	[sflag:s15] =	ssyncadd.s32 $0xFFFFD800  }
0x1e: {  	[hbm4b:s7+s1] =	stream.linear.scatter [tilespmem:s12], [sflag:$0x3], $0x2800, $0x38;
	[tilespmem:$0xD000] =	vst v63  }
0x1f: {  	_ =	swait.ge [sflag:s9], $0x2800  }
0x20: {  	[sflag:s9] =	ssyncset.done $0x0  }
0x21: {  	[sflag:s9] =	ssyncadd.s32 $0xFFFFD800  }
0x22: {  	[hbm4b:s8+s1] =	stream.linear.scatter [tilespmem:s13], [sflag:$0x3], $0x2800, $0x38;
	[tilespmem:$0xD000] =	vst v63  }
0x23: {  	s19 =	simm.s32 $0x200;
	s20 =	simm.s32 $0x400;
	_ =	swait.ge [sflag:s9], $0x2800  }
0x24: {  	s18 =	sadd.s32 $0x500, s7;
	s17 =	sadd.s32 $0x500, s8;
	[sflag:s9] =	ssyncset.done $0x0  }
.LBB2_2:
0x25: {  	s21 =	sshra.s32 s19, $0x2  }
0x26: {  	[sflag:s9] =	ssyncadd.s32 $0xFFFFD800;
	s19 =	smov.u32 s20;
	s22 =	sadd.s32 $0x200, s20  }
0x27: {  	[tilespmem:s12], [sflag:$0x1] =	stream.indirect.gather [hbm4b:s3+s11], $0x80, s21, s11, $0xb8;
	[tilespmem:$0xD000] =	vst v63  }
0x28: {  	p0 =	sne.s32 s20, $0xF800;
	s20 =	sadd.s32 $0x4000, s21  }
0x29: {  	[tilespmem:s13], [sflag:$0x2] =	stream.indirect.gather [hbm4b:s3+s11], $0x80, s20, s11, $0xb8;
	[tilespmem:$0xD000] =	vst v63  }
0x2a: {  	_ =	swait.ge [sflag:s14], $0x2800  }
0x2b: {  	[sflag:s14] =	ssyncset.done $0x0  }
0x2c: {  	[sflag:s14] =	ssyncadd.s32 $0xFFFFD800  }
0x2d: {  	_ =	swait.ge [sflag:s15], $0x2800  }
0x2e: {  	[sflag:s15] =	ssyncset.done $0x0  }
0x2f: {  	[sflag:s15] =	ssyncadd.s32 $0xFFFFD800  }
0x30: {  	[hbm4b:s18+s1] =	stream.linear.scatter [tilespmem:s12], [sflag:$0x3], $0x2800, $0x38;
	[tilespmem:$0xD000] =	vst v63  }
0x31: {  	_ =	swait.ge [sflag:s9], $0x2800  }
.Ltmp0:
0x32: {  	[sflag:s9] =	ssyncset.done $0x0;
	(pc) =	sbr.rel @p0 .LBB2_2-.Ltmp0, $4  }
0x33: {  	[sflag:s9] =	ssyncadd.s32 $0xFFFFD800  }
0x34: {  	[hbm4b:s17+s1] =	stream.linear.scatter [tilespmem:s13], [sflag:$0x3], $0x2800, $0x38;
	[tilespmem:$0xD000] =	vst v63  }
0x35: {  	s20 =	smov.u32 s22;
	_ =	swait.ge [sflag:s9], $0x2800  }
0x36: {  	s18 =	sadd.s32 $0x500, s18;
	s17 =	sadd.s32 $0x500, s17;
	[sflag:s9] =	ssyncset.done $0x0  }
0x37: {  	s19 =	sshra.s32 s19, $0x2;
	[sflag:s9] =	ssyncadd.s32 $0xFFFFD800  }
0x38: {  	[tilespmem:s12], [sflag:$0x1] =	stream.indirect.gather [hbm4b:s3+s11], $0x80, s19, s11, $0xb8;
	[tilespmem:$0xD000] =	vst v63  }
0x39: {  	s19 =	sadd.s32 $0x4000, s19  }
0x3a: {  	[tilespmem:s13], [sflag:$0x2] =	stream.indirect.gather [hbm4b:s3+s11], $0x80, s19, s11, $0xb8;
	[tilespmem:$0xD000] =	vst v63  }
0x3b: {  	_ =	swait.ge [sflag:s14], $0x2800  }
0x3c: {  	[sflag:s14] =	ssyncset.done $0x0  }
0x3d: {  	[sflag:s14] =	ssyncadd.s32 $0xFFFFD800  }
0x3e: {  	_ =	swait.ge [sflag:s15], $0x2800  }
0x3f: {  	[sflag:s15] =	ssyncset.done $0x0  }
0x40: {  	[sflag:s15] =	ssyncadd.s32 $0xFFFFD800  }
0x41: {  	[hbm4b:s18+s1] =	stream.linear.scatter [tilespmem:s12], [sflag:$0x3], $0x2800, $0x38;
	[tilespmem:$0xD000] =	vst v63  }
0x42: {  	s16 =	sadd.s32 $0x1, s16;
	_ =	swait.ge [sflag:s9], $0x2800  }
0x43: {  	p0 =	sne.s32 s16, s6;
	[sflag:s9] =	ssyncset.done $0x0  }
.Ltmp1:
0x44: {  	[sflag:s9] =	ssyncadd.s32 $0xFFFFD800;
	(pc) =	sbr.rel @p0 .LBB2_1-.Ltmp1, $4  }
0x45: {  	[hbm4b:s17+s1] =	stream.linear.scatter [tilespmem:s13], [sflag:$0x3], $0x2800, $0x38;
	[tilespmem:$0xD000] =	vst v63  }
0x46: {  	_ =	swait.ge [sflag:s9], $0x2800  }
0x47: {  	[sflag:s9] =	ssyncset.done $0x0  }
0x48: {  	[sflag:s9] =	ssyncadd.s32 $0xFFFFD800  }
0x49: {  	_ =	sfence.sel $0x180000  }
0x4a: {  	[bflag:$0x0] =	sbarrier.arrive $0xFFFF  }
0x4b: {  	p0 =	sne.s32 s2, $0x0;
	_ =	strace $0x90000059  }
0x4c: {  	s0 =	sadd.s32 @!p0 $0x100000, s0;
	[bflag:$0x2] =	sbarrier.arrive $0xFFFF  }
0x4d: {  	[sflag:s0] =	ssyncadd.tile.s32 @!p0 $0x1;
	_ =	shalt  }
.Lfunc_end2:
_tile_overlayer_lowered:
.L_overlay_start_2:
0x4e: {  	(tag) =	ssettag $0x2  }
0x4f: {  	s0 =	rddreg [dreg:$0x0];
	s2 =	stileid.u32  }
0x50: {  	s1 =	rddreg [dreg:$0x1];
	p0 =	sne.s32 s2, $0x0  }
0x51: {  	s3 =	rddreg [dreg:$0x2];
	[bflag:$0x3] =	sbarrier.arrive $0xFFFF;
	s2 =	simm.s32 @!p0 $0x1C03  }
0x52: {  	[timem:s3], [sflag:s2] =	dma.local @!p0 [hbm:s0], s1  }
0x53: {  	s0 =	simm.s32 @!p0 $0x3  }
0x54: {  	_ =	swait.ge @!p0 [sflag:s0], s1  }
0x55: {  	s1 =	ssub.s32 @!p0 $0x0, s1;
	[sflag:s0] =	ssyncset.done @!p0 $0x0  }
0x56: {  	[sflag:s0] =	ssyncadd.s32 @!p0 s1  }
0x57: {  	[bflag:$0x3] =	sbarrier.arrive $0xFFFF  }
0x58: {  	_ =	shalt  }

// kernel: kernel.41.cloned.1.call-start
scs
__scs_entry_jumppad:
0x0: {  	(pc) =	sbr.rel $0x88, $3  }
0x1: {  	(tag) =	ssettag $0x0;
	lr =	simm.s32 $0x1  }
0x2: {  	[smem:$0x3F86] =	sst lr;
	_ =	strace $0xD0000000  }
0x3: {  	_ = 	snop  }
0x4: {  	_ = 	snop  }
0x5: {  	_ = 	snop  }
0x6: {  	_ = 	snop  }
0x7: {  	_ = 	snop  }
__scs_overlays_trampoline_lowered:
0x8: {  	[smem:$0x3F95] =	sst s0  }
0x9: {  	[smem:$0x3F96] =	sst s1  }
0xa: {  	[smem:$0x3F97] =	sst s2  }
0xb: {  	[smem:$0x3F98] =	sst s3  }
0xc: {  	[smem:$0x3F99] =	sst s4  }
0xd: {  	[smem:$0x3F9A] =	sst s5  }
0xe: {  	[smem:$0x3F9B] =	sst s6  }
0xf: {  	[smem:$0x3F9C] =	sst s7  }
0x10: {  	[smem:$0x3F9D] =	sst s8  }
0x11: {  	[smem:$0x3F9E] =	sst s9;
	s0 =	simm.s32 @!p0 $0x0  }
0x12: {  	s1 =	sld [smem:$0x3F84];
	s0 =	simm.s32 @p0 $0x1  }
0x13: {  	[smem:$0x3F9F] =	sst s0;
	s0 =	simm.s32 @!p1 $0x0  }
0x14: {  	s2 =	sld [smem:$0x3F83];
	s0 =	simm.s32 @p1 $0x1  }
0x15: {  	[smem:$0x3FA0] =	sst s0;
	s0 =	simm.s32 @!p2 $0x0  }
0x16: {  	s3 =	sld [smem:$0x3FDB];
	s0 =	simm.s32 @p2 $0x1  }
0x17: {  	s4 =	simm.s32 $0x1BF5;
	[smem:$0x3FA2] =	sst s0  }
0x18: {  	s0 =	sld [smem:$0x3F85];
	_ =	swait.ge [sflag:s4], $0x0  }
0x19: {  	s7 =	sld [smem:$0x3F86]  }
0x1a: {  	s8 =	sadd.s32 $0xFFFFE003, lr  }
0x1b: {  	s9 =	sadd.s32 $0xFFFFFEF7, lr;
	s5 =	simm.s32 $0xFFFFFFFF;
	p2 =	slt.u32 s8, $0xFFFFF086  }
0x1c: {  	p1 =	slt.u32 s9, $0xF7A;
	s5 =	simm.s32 @!p2 $0x0  }
0x1d: {  	s5 =	simm.s32 @p1 $0x1;
	p0 =	seq.s32 s7, s2  }
0x1e: {  	s7 =	smul.u32 @!p0 $0xF7A, s2;
	p2 =	seq.s32 @!p0 s5, $0x0  }
0x1f: {  	s9 =	smul.u32 $0xF7A, s1;
	s8 =	simm.s32 @!p0 $0x1BF5;
	p2 =	por !p2, p0  }
0x20: {  	[sflag:s8] =	ssyncset.s32 @!p0 $0xFFFFF086;
	s6 =	sadd.s32 @!p0 s3, s7;
	s7 =	simm.s32 @!p0 $0x108  }
0x21: {  	s3 =	sadd.s32 s3, s9;
	s6 =	sadd.s32 @!p0 $0x88, s6;
	s7 =	simm.s32 @p2 $0x1082  }
0x22: {  	[simem:s7], [sflag:s8] =	dma.local @!p0 [hbm:s6], $0xF7A  }
0x23: {  	s9 =	sor.u32 $0xD0000000, s2;
	s6 =	simm.s32 $0x108;
	_ =	swait.ge @!p0 [sflag:s8], $0x0  }
0x24: {  	s3 =	sadd.s32 $0x88, s3;
	s6 =	simm.s32 @!p1 $0x1082;
	[sflag:s4] =	ssyncset.s32 $0xFFFFF086  }
0x25: {  	[simem:s6], [sflag:s4] =	dma.local [hbm:s3], $0xF7A  }
0x26: {  	[smem:$0x3F86] =	sst s1;
	(tag) =	ssettag s2;
	_ =	strace s9  }
0x27: {  	s1 =	sld [smem:$0x3F96]  }
0x28: {  	s2 =	sld [smem:$0x3F97]  }
0x29: {  	s4 =	sld [smem:$0x3F99]  }
0x2a: {  	p0 =	seq.s32 s5, $0x0;
	s5 =	sld [smem:$0x3F9A]  }
0x2b: {  	s6 =	sld [smem:$0x3F9B]  }
0x2c: {  	s7 =	sld [smem:$0x3F9C]  }
0x2d: {  	s3 =	simm.s32 $0x108;
	s8 =	sld [smem:$0x3F9D]  }
0x2e: {  	s3 =	simm.s32 @!p0 $0x1082;
	s9 =	sld [smem:$0x3F9E]  }
0x2f: {  	lr =	sadd.s32 s0, s3;
	s0 =	sld [smem:$0x3F95]  }
0x30: {  	s3 =	sld [smem:$0x3F98]  }
0x31: {  	[smem:$0x3FA1] =	sst s10  }
0x32: {  	s10 =	sld [smem:$0x3F9F];
	_ =	sdelay $0x3  }
0x33: {  	p0 =	seq.s32 s10, $0x1;
	s10 =	sld [smem:$0x3FA1];
	_ =	sdelay $0x3  }
0x34: {  	[smem:$0x3FA1] =	sst s10  }
0x35: {  	s10 =	sld [smem:$0x3FA0];
	_ =	sdelay $0x3  }
0x36: {  	p1 =	seq.s32 s10, $0x1;
	s10 =	sld [smem:$0x3FA1];
	_ =	sdelay $0x3  }
0x37: {  	[smem:$0x3FA1] =	sst s10  }
0x38: {  	s10 =	sld [smem:$0x3FA2]  }
0x39: {  	_ = 	snop;
	(pc) =	sbr.ind lr, $3  }
0x3a: {  	_ = 	snop  }
0x3b: {  	_ = 	snop  }
0x3c: {  	p2 =	seq.s32 s10, $0x1;
	s10 =	sld [smem:$0x3FA1]  }
0x3d: {  	_ =	shalt  }
0x3e: {  	_ =	shalt  }
0x3f: {  	_ =	shalt  }
0x40: {  	_ =	shalt  }
0x41: {  	_ =	shalt  }
0x42: {  	_ =	shalt  }
0x43: {  	_ =	shalt  }
0x44: {  	_ =	shalt  }
0x45: {  	_ =	shalt  }
0x46: {  	_ =	shalt  }
0x47: {  	_ =	shalt  }
0x48: {  	_ =	shalt  }
0x49: {  	_ =	shalt  }
0x4a: {  	_ =	shalt  }
0x4b: {  	_ =	shalt  }
0x4c: {  	_ =	shalt  }
0x4d: {  	_ =	shalt  }
0x4e: {  	_ =	shalt  }
0x4f: {  	_ =	shalt  }
0x50: {  	_ =	shalt  }
0x51: {  	_ =	shalt  }
0x52: {  	_ =	shalt  }
0x53: {  	_ =	shalt  }
0x54: {  	_ =	shalt  }
0x55: {  	_ =	shalt  }
0x56: {  	_ =	shalt  }
0x57: {  	_ =	shalt  }
0x58: {  	_ =	shalt  }
0x59: {  	_ =	shalt  }
0x5a: {  	_ =	shalt  }
0x5b: {  	_ =	shalt  }
0x5c: {  	_ =	shalt  }
0x5d: {  	_ =	shalt  }
0x5e: {  	_ =	shalt  }
0x5f: {  	_ =	shalt  }
0x60: {  	_ =	shalt  }
0x61: {  	_ =	shalt  }
0x62: {  	_ =	shalt  }
0x63: {  	_ =	shalt  }
0x64: {  	_ =	shalt  }
0x65: {  	_ =	shalt  }
0x66: {  	_ =	shalt  }
0x67: {  	_ =	shalt  }
0x68: {  	_ =	shalt  }
0x69: {  	_ =	shalt  }
0x6a: {  	_ =	shalt  }
0x6b: {  	_ =	shalt  }
0x6c: {  	_ =	shalt  }
0x6d: {  	_ =	shalt  }
0x6e: {  	_ =	shalt  }
0x6f: {  	_ =	shalt  }
0x70: {  	_ =	shalt  }
0x71: {  	_ =	shalt  }
0x72: {  	_ =	shalt  }
0x73: {  	_ =	shalt  }
0x74: {  	_ =	shalt  }
0x75: {  	_ =	shalt  }
0x76: {  	_ =	shalt  }
0x77: {  	_ =	shalt  }
0x78: {  	_ =	shalt  }
0x79: {  	_ =	shalt  }
0x7a: {  	_ =	shalt  }
0x7b: {  	_ =	shalt  }
0x7c: {  	_ =	shalt  }
0x7d: {  	_ =	shalt  }
0x7e: {  	_ =	shalt  }
0x7f: {  	_ =	shalt  }
0x80: {  	_ =	shalt  }
0x81: {  	_ =	shalt  }
0x82: {  	_ =	shalt  }
0x83: {  	_ =	shalt  }
0x84: {  	_ =	shalt  }
0x85: {  	_ =	shalt  }
0x86: {  	_ =	shalt  }
0x87: {  	_ =	shalt  }
.Lfunc_end0:
.L_simem_size_0:
called_computation.7_lowered:
.L_overlay_start_0:
0x88: {  	s2 =	sld [smem:$0x3FD9]  }
0x89: {  	s3 =	sld [smem:$0x3FFE];
	_ =	sdelay $0x1  }
0x8a: {  	s1 =	srdreg.scid  }
0x8b: {  	s0 =	sand.u32 $0x1, s1  }
0x8c: {  	s16 =	sshll.u32 s0, $0xA;
	s2 =	sadd.s32 s3, s2  }
0x8d: {  	s2 =	sadd.s32 s2, s16  }
0x8e: {  	[smem:$0x3FAD] =	sst s2  }
0x8f: {  	_ = 	snop  }
0x90: {  	(tm) =	ssettm $0x1  }
0x91: {  	s17 =	sld [smem:$0x3FFB];
	_ =	sdelay $0x3  }
0x92: {  	_ =	strace s17  }
0x93: {  	s2 =	sld [smem:$0x3FFC];
	_ =	sdelay $0x3  }
0x94: {  	_ =	strace s2  }
0x95: {  	s2 =	sld [smem:$0x3FFD];
	_ =	sdelay $0x3  }
0x96: {  	_ =	strace s2  }
0x97: {  	_ =	strace $0x8FFFFFFF  }
0x98: {  	s18 =	sld [smem:$0x3FDB];
	_ =	sdelay $0x1  }
0x99: {  	s19 =	simm.s32 $_scs_section_size  }
0x9a: {  	s4 =	simm.s32 $_size__tile_overlayer_lowered;
	s5 =	simm.s32 $_tile_overlayer_lowered  }
0x9b: {  	s22 =	simm.s32 $0x1BFF;
	s21 =	sshll.u32 s5, $0x1;
	s2 =	sadd.s32 s19, s18  }
0x9c: {  	s6 =	simm.s32 $0x0;
	s20 =	sshll.u32 s4, $0x1;
	s4 =	sadd.s32 s21, s2  }
0x9d: {  	[timem:s6], [sflag:s22] =	dma.local [hbm:s4], s20  }
0x9e: {  	_ =	swait.ge [sflag:s22], s20  }
0x9f: {  	s3 =	ssub.s32 $0x0, s20;
	[sflag:s22] =	ssyncset.done $0x0  }
0xa0: {  	[sflag:s22] =	ssyncadd.s32 s3;
	_ =	sdelay $0x1  }
0xa1: {  	s23 =	simm.s32 $0x1B8B  }
0xa2: {  	_ =	swait.ge [sflag:s23], $0x1  }
0xa3: {  	[sflag:s23] =	ssyncset.done $0x0  }
0xa4: {  	s25 =	simm.s32 $0x1B8E;
	s24 =	sld [smem:$0x3FFE];
	[sflag:s23] =	ssyncadd.s32 $0xFFFFFFFF  }
0xa5: {  	s26 =	simm.s32 $execute0_lowered;
	[smem:$0x3FD2] =	sst s25  }
0xa6: {  	s4 =	sshll.u32 s26, $0x1;
	_ =	strace $0x8000005B;
	[dreg:$0x1] =	wrdreg $0xFFFFFFFF  }
0xa7: {  	s28 =	simm.s32 $_size_execute0_lowered;
	s2 =	sadd.s32 s2, s4;
	[dreg:$0x0] =	wrdreg $0x0  }
0xa8: {  	s4 =	sshll.u32 s28, $0x1;
	[dreg:$0x2] =	wrdreg s2  }
0xa9: {  	[dreg:$0x3] =	wrdreg s4  }
0xaa: {  	[dreg:$0x4] =	wrdreg $0xC0  }
0xab: {  	_ =	task [dreg:s6], $0x5FFFF  }
0xac: {  	[dreg:$0x1] =	wrdreg $0xFFFFFFFF  }
0xad: {  	[dreg:$0x0] =	wrdreg $0x60  }
0xae: {  	[dreg:$0x2] =	wrdreg s24  }
0xaf: {  	[dreg:$0x3] =	wrdreg $0x68000  }
0xb0: {  	[dreg:$0x4] =	wrdreg $0x9  }
0xb1: {  	_ =	task.clear_ibuf [dreg:s6], $0x5FFFF;
	_ =	strace $0x9000005B  }
0xb2: {  	s29 =	simm.s32 $0x9;
	_ =	strace $0x8000005D  }
0xb3: {  	_ =	swait.ge [sflag:s29], $0x1  }
0xb4: {  	[sflag:s29] =	ssyncadd.s32 $0xFFFFFFFF  }
0xb5: {  	_ =	strace $0x9000005D  }
0xb6: {  	_ =	sfence  }
0xb7: {  	s30 =	sld [smem:$0x0];
	_ =	sdelay $0x2  }
0xb8: {  	s31 =	sshll.u32 s1, $0xD;
	s1 =	sshrl.u32 s1, $0x2  }
0xb9: {  	s3 =	sand.u32 $0x4000, s31;
	s1 =	sadd.s32 s1, s30  }
0xba: {  	s0 =	sor.u32 s3, s0;
	s1 =	sshll.u32 s1, $0x11  }
0xbb: {  	s0 =	sor.u32 s1, s0  }
0xbc: {  	s0 =	sadd.s32 $0x8F2B, s0  }
0xbd: {  	[sflag:s0] =	ssyncadd.remote.s32 $0x1  }
0xbe: {  	_ =	sfence.sel $0xFFFF  }
0xbf: {  	[dreg:$0x0] =	wrdreg $0xFFFFFFFF;
	(pc) =	sbr.abs _section_cstart, $3  }
0xc0: {  	[dreg:$0x1] =	wrdreg $0xFFFFFFFF  }
0xc1: {  	_ =	task.clear_ibuf [dreg:s6], $0x2FFFF;
	_ =	strace $0x9FFFFFFF  }
0xc2: {  	(tm) =	ssettm $0x7FFFFFFF  }
0xc3: {  	_ =	shalt  }
tec
execute0_lowered:
.L_overlay_start_1:
0x0: {  	(tag) =	ssettag $0x1  }
0x1: {  	s4 =	rddreg [dreg:$0x0]  }
0x2: {  	s2 =	rddreg [dreg:$0x1]  }
0x3: {  	s0 =	rddreg [dreg:$0x2];
	s1 =	stileid.u32  }
0x4: {  	s3 =	simm.s32 $0x0;
	s6 =	srdreg.scid;
	s14 =	simm.s32 $0x50  }
0x5: {  	s15 =	simm.s32 $0x0;
	s5 =	smul.u32 $0x4E200, s1;
	[smem:$0x7FF] =	sst s3  }
0x6: {  	s6 =	sand.u32 $0x1, s6;
	s7 =	smul.u32 $0x14000, s1;
	s8 =	sshll.u32 s1, $0xC  }
0x7: {  	s28 =	smul.u32 $0x50000, s1;
	s31 =	sshll.u32 s1, $0x6;
	s9 =	sshll.u32 s6, $0xB  }
0x8: {  	s10 =	smul.u32 $0x140000, s6;
	_ =	strace $0x8000005C;
	s26 =	ssub.s32 $0x2, s6  }
0x9: {  	s12 =	smul.u32 $0x27100, s6;
	s11 =	sadd.s32 s5, s4;
	s24 =	sor.u32 s9, s8  }
0xa: {  	s25 =	sshrl.u32 s7, $0x3;
	s29 =	sshrl.u32 s26, $0x1;
	s5 =	sadd.s32 s24, s4  }
0xb: {  	s7 =	sadd.s32 s7, s10;
	s8 =	sadd.s32 s25, s4;
	s9 =	ssub.s32 s26, s29  }
0xc: {  	s10 =	sshrl.u32 s28, $0x2;
	s30 =	sadd.s32 s12, s11;
	s12 =	simm.s32 $0x4000  }
0xd: {  	s7 =	sshrl.u32 s7, $0x3;
	s13 =	sadd.s32 s10, s2;
	s10 =	sor.u32 $0x1C02, s31  }
0xe: {  	s7 =	sadd.s32 s7, s4;
	s4 =	sadd.s32 $0x8A00, s5;
	s5 =	sadd.s32 $0x76E00, s8  }
0xf: {  	s8 =	sadd.s32 $0x18E0E00, s30;
	s11 =	sshrl.u32 s13, $0x3;
	s13 =	simm.s32 $0x1  }
0x10: {  	s6 =	sadd.s32 $0x9EE00, s7;
	s7 =	smax.u32 s9, $0x1;
	s9 =	simm.s32 $0x2  }
.LBB2_1:
0x11: {  	[tilespmem:s3], [sflag:$0x2] =	stream.linear.gather [hbm4b:s4+s3], $0x3E80, $0x38;
	[tilespmem:$0x1A800] =	vst v63  }
0x12: {  	_ =	swait.ge [sflag:s9], $0x3E80  }
0x13: {  	[sflag:s9] =	ssyncset.done $0x0  }
0x14: {  	[sflag:s9] =	ssyncadd.s32 $0xFFFFC180  }
0x15: {  	[spmem:s11], [sflag:s10] =	dma.local [hbm:s5], $0x2800  }
0x16: {  	_ =	swait.ge [sflag:s9], $0x2800  }
0x17: {  	[sflag:s9] =	ssyncset.done $0x0  }
0x18: {  	[sflag:s9] =	ssyncadd.s32 $0xFFFFD800  }
0x19: {  	[bflag:$0x0] =	sbarrier.arrive $0xFFFF  }
0x1a: {  	[tilespmem:s12], [sflag:$0x1] =	stream.linear.gather [hbm4b:s8+s3], $0x2800, $0x38;
	[tilespmem:$0x1A800] =	vst v63  }
0x1b: {  	_ =	swait.ge [sflag:s13], $0x2800  }
0x1c: {  	[sflag:s13] =	ssyncset.done $0x0  }
0x1d: {  	s16 =	simm.s32 $0x0;
	[sflag:s13] =	ssyncadd.s32 $0xFFFFD800  }
0x1e: {  	[spmem:s2] =	stream.indirect.scatter.add.f32 [tilespmem:s12], [sflag:$0x2], $0x80, s16, s14, $0xb8;
	[tilespmem:$0x1A800] =	vst v63  }
0x1f: {  	_ =	swait.ge [sflag:s9], $0x2800  }
0x20: {  	s17 =	smov.u32 s8;
	s16 =	simm.s32 $0x200;
	[sflag:s9] =	ssyncset.done $0x0  }
.LBB2_2:
0x21: {  	p0 =	sne.s32 s16, $0xF800;
	[sflag:s9] =	ssyncadd.s32 $0xFFFFD800;
	s17 =	sadd.s32 $0x500, s17  }
0x22: {  	[tilespmem:s12], [sflag:$0x1] =	stream.linear.gather [hbm4b:s17+s3], $0x2800, $0x38;
	[tilespmem:$0x1A800] =	vst v63  }
0x23: {  	s18 =	smov.u32 s16;
	s16 =	sadd.s32 $0x200, s16;
	_ =	swait.ge [sflag:s13], $0x2800  }
.Ltmp0:
0x24: {  	[sflag:s13] =	ssyncset.done $0x0;
	(pc) =	sbr.rel @p0 .LBB2_2-.Ltmp0, $4  }
0x25: {  	s18 =	sshra.s32 s18, $0x2;
	[sflag:s13] =	ssyncadd.s32 $0xFFFFD800  }
0x26: {  	[spmem:s2] =	stream.indirect.scatter.add.f32 [tilespmem:s12], [sflag:$0x2], $0x80, s18, s14, $0xb8;
	[tilespmem:$0x1A800] =	vst v63  }
0x27: {  	_ =	swait.ge [sflag:s9], $0x2800  }
0x28: {  	[sflag:s9] =	ssyncset.done $0x0  }
0x29: {  	s15 =	sadd.s32 $0x1, s15  }
0x2a: {  	[sflag:s9] =	ssyncadd.s32 $0xFFFFD800;
	p0 =	sne.s32 s15, s7  }
.Ltmp1:
0x2b: {  	[bflag:$0x0] =	sbarrier.arrive $0xFFFF;
	(pc) =	sbr.rel @p0 .LBB2_1-.Ltmp1, $4  }
0x2c: {  	[hbm:s6], [sflag:s10] =	dma.local [spmem:s11], $0x2800  }
0x2d: {  	_ =	swait.ge [sflag:s9], $0x2800  }
0x2e: {  	[sflag:s9] =	ssyncset.done $0x0  }
0x2f: {  	[sflag:s9] =	ssyncadd.s32 $0xFFFFD800  }
0x30: {  	_ =	sfence.sel $0x180000  }
0x31: {  	[bflag:$0x0] =	sbarrier.arrive $0xFFFF  }
0x32: {  	p0 =	sne.s32 s1, $0x0;
	_ =	strace $0x9000005C  }
0x33: {  	s0 =	sadd.s32 @!p0 $0x100000, s0;
	[bflag:$0x2] =	sbarrier.arrive $0xFFFF  }
0x34: {  	[sflag:s0] =	ssyncadd.tile.s32 @!p0 $0x1;
	_ =	shalt  }
.Lfunc_end2:
_tile_overlayer_lowered:
.L_overlay_start_2:
0x35: {  	(tag) =	ssettag $0x2  }
0x36: {  	s0 =	rddreg [dreg:$0x0];
	s2 =	stileid.u32  }
0x37: {  	s1 =	rddreg [dreg:$0x1];
	p0 =	sne.s32 s2, $0x0  }
0x38: {  	s3 =	rddreg [dreg:$0x2];
	[bflag:$0x3] =	sbarrier.arrive $0xFFFF;
	s2 =	simm.s32 @!p0 $0x1C02  }
0x39: {  	[timem:s3], [sflag:s2] =	dma.local @!p0 [hbm:s0], s1  }
0x3a: {  	s0 =	simm.s32 @!p0 $0x2  }
0x3b: {  	_ =	swait.ge @!p0 [sflag:s0], s1  }
0x3c: {  	s1 =	ssub.s32 @!p0 $0x0, s1;
	[sflag:s0] =	ssyncset.done @!p0 $0x0  }
0x3d: {  	[sflag:s0] =	ssyncadd.s32 @!p0 s1  }
0x3e: {  	[bflag:$0x3] =	sbarrier.arrive $0xFFFF  }
0x3f: {  	_ =	shalt  }

</sc_bundles>
